<compile_context>
chip_gen: v7x
topology: tpu7x:2x2x1
jax: 0.10.2.dev20260603
libtpu: 0.0.44.dev20260713+nightly
codegen_flags: <defaults>
</compile_context>

<pallas_src>
import jax
import jax.numpy as jnp
from jax import lax
from jax.experimental import pallas as pl
from jax.experimental.pallas import tpu as pltpu
from jax.experimental.pallas import tpu_sc as plsc

_R = 20
_B = 2 * _R + 1
_NC = 2
_NS = 16
_NW = _NC * _NS
_L = 16

_C = 256
_NV = _C // _L

_LN2 = 0.6931471805599453
_SQRT2 = 1.4142135623730951


def _symlog_twohot(x):
    a = jnp.abs(x) + 1.0
    bits = lax.bitcast_convert_type(a, jnp.int32)
    e = lax.shift_right_logical(bits, 23) - 127
    mbits = lax.bitwise_or(lax.bitwise_and(bits, 0x007FFFFF), 0x3F800000)
    m = lax.bitcast_convert_type(mbits, jnp.float32)
    big = m > _SQRT2
    m = jnp.where(big, m * 0.5, m)
    e = e + jnp.where(big, 1, 0)
    z = (m - 1.0) / (m + 1.0)
    z2 = z * z
    lnm = 2.0 * z * (1.0 + z2 * (1.0 / 3.0 + z2 * (0.2 + z2 * (1.0 / 7.0))))
    lna = e.astype(jnp.float32) * _LN2 + lnm
    sgn = lax.bitwise_and(lax.bitcast_convert_type(x, jnp.int32),
                          jnp.int32(-2147483648))
    val = lax.bitcast_convert_type(
        lax.bitwise_or(lax.bitcast_convert_type(lna, jnp.int32), sgn),
        jnp.float32)
    val = jnp.minimum(jnp.maximum(val, -float(_R)), float(_R))
    ti = val.astype(jnp.int32)
    tf = ti.astype(jnp.float32)
    neg = val < tf
    fl_f = jnp.where(neg, tf - 1.0, tf)
    fl_i = jnp.where(neg, ti - 1, ti)
    prob = val - fl_f
    lo = fl_i + _R
    up = lo + 1
    w_up = jnp.where(up < _B, prob, 0.0)
    up_c = jnp.minimum(up, _B - 1)
    return lo, up_c, 1.0 - prob, w_up


def _sc_body(x_hbm, out_hbm, x_v, buf0, buf1, slo0, sup0, slo1, sup1,
             sem_in, sem0, sem1):
    rows_w = x_v.shape[0]
    chunks = rows_w // _C
    wid = lax.axis_index("s") * _NC + lax.axis_index("c")
    base = wid * rows_w

    in_cp = pltpu.async_copy(x_hbm.at[pl.ds(base, rows_w)], x_v, sem_in)

    zf = jnp.zeros((_L,), jnp.float32)
    zi = jnp.zeros((_L,), jnp.int32)
    iota = lax.iota(jnp.int32, _L)
    bufs = (buf0, buf1)
    slos = (slo0, slo1)
    sups = (sup0, sup1)
    sems = (sem0, sem1)

    @plsc.parallel_loop(0, _NV, unroll=4)
    def _(j):
        slo0[pl.ds(j * _L, _L)] = zi
        sup0[pl.ds(j * _L, _L)] = zi
        slo1[pl.ds(j * _L, _L)] = zi
        sup1[pl.ds(j * _L, _L)] = zi

    @plsc.parallel_loop(0, _NV)
    def _(j):
        rows = j * _L + iota
        for col in range(_B):
            cols = jnp.full((_L,), col, jnp.int32)
            plsc.store_scatter(buf0, [rows, cols], zf)
            plsc.store_scatter(buf1, [rows, cols], zf)

    in_cp.wait()

    def process(i, b, do_wait):
        buf, slo, sup, sem = bufs[b], slos[b], sups[b], sems[b]
        if do_wait:
            pltpu.make_async_copy(
                buf, out_hbm.at[pl.ds(base + (i - 2) * _C, _C)], sem).wait()

        @plsc.parallel_loop(0, _NV, unroll=8)
        def _(j):
            rows = j * _L + iota
            plsc.store_scatter(buf, [rows, slo[pl.ds(j * _L, _L)]], zf)
            plsc.store_scatter(buf, [rows, sup[pl.ds(j * _L, _L)]], zf)
            x = x_v[pl.ds(i * _C + j * _L, _L)]
            lo, up, w_lo, w_up = _symlog_twohot(x)
            plsc.store_scatter(buf, [rows, up], w_up)
            plsc.store_scatter(buf, [rows, lo], w_lo)
            slo[pl.ds(j * _L, _L)] = lo
            sup[pl.ds(j * _L, _L)] = up

        pltpu.async_copy(buf, out_hbm.at[pl.ds(base + i * _C, _C)], sem)

    process(0, 0, False)
    process(1, 1, False)

    def outer(i2, c):
        process(i2 * 2, 0, True)
        process(i2 * 2 + 1, 1, True)
        return c

    lax.fori_loop(1, chunks // 2, outer, 0)

    for b, last in ((0, chunks - 2), (1, chunks - 1)):
        pltpu.make_async_copy(
            bufs[b], out_hbm.at[pl.ds(base + last * _C, _C)], sems[b]).wait()


def kernel(scalar):
    n = scalar.shape[0]
    rows_w = n // _NW
    mesh = plsc.VectorSubcoreMesh(core_axis_name="c", subcore_axis_name="s")
    f = pl.kernel(
        _sc_body,
        out_type=jax.ShapeDtypeStruct((n, _B), jnp.float32),
        mesh=mesh,
        compiler_params=pltpu.CompilerParams(
            needs_layout_passes=False, use_tc_tiling_on_sc=True),
        scratch_types=[
            pltpu.VMEM((rows_w,), jnp.float32),
            pltpu.VMEM((_C, _B), jnp.float32),
            pltpu.VMEM((_C, _B), jnp.float32),
            pltpu.VMEM((_C,), jnp.int32),
            pltpu.VMEM((_C,), jnp.int32),
            pltpu.VMEM((_C,), jnp.int32),
            pltpu.VMEM((_C,), jnp.int32),
            pltpu.SemaphoreType.DMA,
            pltpu.SemaphoreType.DMA,
            pltpu.SemaphoreType.DMA,
        ],
    )
    return f(scalar)

# --- scband reference (transcript-rebuilt; emitter-appended) ---
"""Pipeline reference for scband-dreamer-support-28209345200249 (READ-ONLY COPY).

The authoritative reference and input builder live on the scoring server;
editing this copy changes nothing except your own understanding.
"""

import jax, jax.numpy as jnp
import numpy as np

SUPPORT_RANGE = 20
NUM_BINS = 2 * SUPPORT_RANGE + 1


def setup_inputs(seed: int = 0) -> dict:
    key = jax.random.key(seed)
    scalar = jax.random.normal(key, (1048576,), dtype=jnp.float32)
    return {"scalar": scalar}


def reference(scalar):
    # DreamerSupport.scalar_to_target: symlog transform + two-hot histogram binning
    R = SUPPORT_RANGE
    B = 2 * R + 1
    # symlog
    val = jnp.sign(scalar) * jnp.log(jnp.abs(scalar) + 1.0)
    val = jnp.clip(val, -R, R)
    floor = jnp.floor(val)
    prob = val - floor
    flat_val = val.reshape(-1)
    flat_prob = prob.reshape(-1)
    flat_floor = floor.reshape(-1).astype(jnp.int32) + R
    n = flat_val.shape[0]
    batch_idx = jnp.arange(n)
    res = jnp.zeros((n, B), dtype=scalar.dtype)
    # lower bucket: weight 1 - (val - floor)
    res = res.at[batch_idx, flat_floor].add(1.0 - flat_prob)
    # upper bucket: weight (val - floor), only where in range
    upper = flat_floor + 1
    valid_u = upper < B
    w = jnp.where(valid_u, flat_prob, 0.0)
    upper_safe = jnp.minimum(upper, B - 1)
    res = res.at[batch_idx, upper_safe].add(w)
    return res.reshape((*scalar.shape, B))

if __name__ == "__main__":
    import jax
    _d = setup_inputs()
    print(jax.jit(kernel)(*tuple(_d.values())))

</pallas_src>

<mosaic_0001>
#map = affine_map<(d0, d1) -> (0)>
#map1 = affine_map<(d0, d1) -> (0, 0)>
module attributes {stable_mosaic.version = 14 : i64} {
  func.func @_sc_body(%arg0: i32, %arg1: i32, %arg2: memref<1048576xf32, #tpu.memory_space<hbm>>, %arg3: memref<1048576x41xf32, #tpu.memory_space<hbm>>, %arg4: memref<32768xf32, #tpu.memory_space<vmem>>, %arg5: memref<256x41xf32, #tpu.memory_space<vmem>>, %arg6: memref<256x41xf32, #tpu.memory_space<vmem>>, %arg7: memref<256xi32, #tpu.memory_space<vmem>>, %arg8: memref<256xi32, #tpu.memory_space<vmem>>, %arg9: memref<256xi32, #tpu.memory_space<vmem>>, %arg10: memref<256xi32, #tpu.memory_space<vmem>>, %arg11: memref<!tpu.dma_semaphore, #tpu.memory_space<semaphore_mem>>, %arg12: memref<!tpu.dma_semaphore, #tpu.memory_space<semaphore_mem>>, %arg13: memref<!tpu.dma_semaphore, #tpu.memory_space<semaphore_mem>>) attributes {dimension_semantics = [#tpu.dimension_semantics<core_parallel>, #tpu.dimension_semantics<subcore_parallel>], iteration_bounds = array<i64: 2, 16>, scalar_prefetch = 0 : i64, scratch_operands = 10 : i64, tpu.core_type = #tpu.core_type<sc_vector_subcore>, window_params = [{transform_indices = #map}, {transform_indices = #map1}]} {
    %mul3A = arith.constant 2 : i32
    %mul3A_0 = arith.muli %arg1, %mul3A : i32
    %add3A = arith.addi %mul3A_0, %arg0 : i32
    %mul3A_1 = arith.constant 32768 : i32
    %mul3A_2 = arith.muli %add3A, %mul3A_1 : i32
    %dma_start3A = tpu.memref_slice %arg2[%mul3A_2] : memref<1048576xf32, #tpu.memory_space<hbm>> -> memref<32768xf32, #tpu.memory_space<hbm>>
    %dma_start3A_3 = tpu.memref_slice %arg2[%mul3A_2] : memref<1048576xf32, #tpu.memory_space<hbm>> -> memref<32768xf32, #tpu.memory_space<hbm>>
    tpu.enqueue_dma source(%dma_start3A_3 : memref<32768xf32, #tpu.memory_space<hbm>>) target(%arg4 : memref<32768xf32, #tpu.memory_space<vmem>>) target_semaphore(%arg11 : memref<!tpu.dma_semaphore, #tpu.memory_space<semaphore_mem>>)
    %broadcast_in_dim3A = arith.constant 0.000000e+00 : f32
    %broadcast_in_dim3A_4 = vector.broadcast %broadcast_in_dim3A : f32 to vector<16xf32>
    %broadcast_in_dim3A_5 = arith.constant 0 : i32
    %broadcast_in_dim3A_6 = vector.broadcast %broadcast_in_dim3A_5 : i32 to vector<16xi32>
    %iota3A = tpu.iota {dimensions = array<i32: 0>} : vector<16xi32>
    %parallel_loop3A = arith.constant 0 : i32
    %parallel_loop3A_7 = arith.constant 16 : i32
    %parallel_loop3A_8 = arith.constant 1 : i32
    scf.for %parallel_loop3A_48 = %parallel_loop3A to %parallel_loop3A_7 step %parallel_loop3A_8  : i32 {
      %parallel_loop3A_49 = arith.constant 16 : i32
      %parallel_loop3A_50 = arith.muli %parallel_loop3A_48, %parallel_loop3A_49 : i32
      %parallel_loop3A_51 = arith.index_cast %parallel_loop3A_50 : i32 to index
      %parallel_loop3A_52 = tpu.vector_load %arg7[%parallel_loop3A_51] {strides = array<i32>} : memref<256xi32, #tpu.memory_space<vmem>>, vector<16xi32>,
      tpu.vector_store %arg7[%parallel_loop3A_51], %broadcast_in_dim3A_6 {strides = array<i32>} : memref<256xi32, #tpu.memory_space<vmem>>, vector<16xi32>,
      %parallel_loop3A_53 = arith.constant 16 : i32
      %parallel_loop3A_54 = arith.muli %parallel_loop3A_48, %parallel_loop3A_53 : i32
      %parallel_loop3A_55 = arith.index_cast %parallel_loop3A_54 : i32 to index
      %parallel_loop3A_56 = tpu.vector_load %arg8[%parallel_loop3A_55] {strides = array<i32>} : memref<256xi32, #tpu.memory_space<vmem>>, vector<16xi32>,
      tpu.vector_store %arg8[%parallel_loop3A_55], %broadcast_in_dim3A_6 {strides = array<i32>} : memref<256xi32, #tpu.memory_space<vmem>>, vector<16xi32>,
      %parallel_loop3A_57 = arith.constant 16 : i32
      %parallel_loop3A_58 = arith.muli %parallel_loop3A_48, %parallel_loop3A_57 : i32
      %parallel_loop3A_59 = arith.index_cast %parallel_loop3A_58 : i32 to index
      %parallel_loop3A_60 = tpu.vector_load %arg9[%parallel_loop3A_59] {strides = array<i32>} : memref<256xi32, #tpu.memory_space<vmem>>, vector<16xi32>,
      tpu.vector_store %arg9[%parallel_loop3A_59], %broadcast_in_dim3A_6 {strides = array<i32>} : memref<256xi32, #tpu.memory_space<vmem>>, vector<16xi32>,
      %parallel_loop3A_61 = arith.constant 16 : i32
      %parallel_loop3A_62 = arith.muli %parallel_loop3A_48, %parallel_loop3A_61 : i32
      %parallel_loop3A_63 = arith.index_cast %parallel_loop3A_62 : i32 to index
      %parallel_loop3A_64 = tpu.vector_load %arg10[%parallel_loop3A_63] {strides = array<i32>} : memref<256xi32, #tpu.memory_space<vmem>>, vector<16xi32>,
      tpu.vector_store %arg10[%parallel_loop3A_63], %broadcast_in_dim3A_6 {strides = array<i32>} : memref<256xi32, #tpu.memory_space<vmem>>, vector<16xi32>,
    } {sc.loop_unroll_factor = 4 : i64, sc.parallel_access}
    %parallel_loop3A_9 = arith.constant 0 : i32
    %parallel_loop3A_10 = arith.constant 16 : i32
    %parallel_loop3A_11 = arith.constant 1 : i32
    scf.for %parallel_loop3A_48 = %parallel_loop3A_9 to %parallel_loop3A_10 step %parallel_loop3A_11  : i32 {
      %parallel_loop3A_49 = arith.constant 16 : i32
      %parallel_loop3A_50 = arith.muli %parallel_loop3A_48, %parallel_loop3A_49 : i32
      %parallel_loop3A_51 = vector.broadcast %parallel_loop3A_50 : i32 to vector<16xi32>
      %parallel_loop3A_52 = arith.addi %parallel_loop3A_51, %iota3A : vector<16xi32>
      %parallel_loop3A_53 = arith.constant 0 : i32
      %parallel_loop3A_54 = vector.broadcast %parallel_loop3A_53 : i32 to vector<16xi32>
      tpu.vector_store_idx %arg5[%parallel_loop3A_52, %parallel_loop3A_54], %broadcast_in_dim3A_4 : memref<256x41xf32, #tpu.memory_space<vmem>>[vector<16xi32>, vector<16xi32>], vector<16xf32>,
      tpu.vector_store_idx %arg6[%parallel_loop3A_52, %parallel_loop3A_54], %broadcast_in_dim3A_4 : memref<256x41xf32, #tpu.memory_space<vmem>>[vector<16xi32>, vector<16xi32>], vector<16xf32>,
      %parallel_loop3A_55 = arith.constant 1 : i32
      %parallel_loop3A_56 = vector.broadcast %parallel_loop3A_55 : i32 to vector<16xi32>
      tpu.vector_store_idx %arg5[%parallel_loop3A_52, %parallel_loop3A_56], %broadcast_in_dim3A_4 : memref<256x41xf32, #tpu.memory_space<vmem>>[vector<16xi32>, vector<16xi32>], vector<16xf32>,
      tpu.vector_store_idx %arg6[%parallel_loop3A_52, %parallel_loop3A_56], %broadcast_in_dim3A_4 : memref<256x41xf32, #tpu.memory_space<vmem>>[vector<16xi32>, vector<16xi32>], vector<16xf32>,
      %parallel_loop3A_57 = arith.constant 2 : i32
      %parallel_loop3A_58 = vector.broadcast %parallel_loop3A_57 : i32 to vector<16xi32>
      tpu.vector_store_idx %arg5[%parallel_loop3A_52, %parallel_loop3A_58], %broadcast_in_dim3A_4 : memref<256x41xf32, #tpu.memory_space<vmem>>[vector<16xi32>, vector<16xi32>], vector<16xf32>,
      tpu.vector_store_idx %arg6[%parallel_loop3A_52, %parallel_loop3A_58], %broadcast_in_dim3A_4 : memref<256x41xf32, #tpu.memory_space<vmem>>[vector<16xi32>, vector<16xi32>], vector<16xf32>,
      %parallel_loop3A_59 = arith.constant 3 : i32
      %parallel_loop3A_60 = vector.broadcast %parallel_loop3A_59 : i32 to vector<16xi32>
      tpu.vector_store_idx %arg5[%parallel_loop3A_52, %parallel_loop3A_60], %broadcast_in_dim3A_4 : memref<256x41xf32, #tpu.memory_space<vmem>>[vector<16xi32>, vector<16xi32>], vector<16xf32>,
      tpu.vector_store_idx %arg6[%parallel_loop3A_52, %parallel_loop3A_60], %broadcast_in_dim3A_4 : memref<256x41xf32, #tpu.memory_space<vmem>>[vector<16xi32>, vector<16xi32>], vector<16xf32>,
      %parallel_loop3A_61 = arith.constant 4 : i32
      %parallel_loop3A_62 = vector.broadcast %parallel_loop3A_61 : i32 to vector<16xi32>
      tpu.vector_store_idx %arg5[%parallel_loop3A_52, %parallel_loop3A_62], %broadcast_in_dim3A_4 : memref<256x41xf32, #tpu.memory_space<vmem>>[vector<16xi32>, vector<16xi32>], vector<16xf32>,
      tpu.vector_store_idx %arg6[%parallel_loop3A_52, %parallel_loop3A_62], %broadcast_in_dim3A_4 : memref<256x41xf32, #tpu.memory_space<vmem>>[vector<16xi32>, vector<16xi32>], vector<16xf32>,
      %parallel_loop3A_63 = arith.constant 5 : i32
      %parallel_loop3A_64 = vector.broadcast %parallel_loop3A_63 : i32 to vector<16xi32>
      tpu.vector_store_idx %arg5[%parallel_loop3A_52, %parallel_loop3A_64], %broadcast_in_dim3A_4 : memref<256x41xf32, #tpu.memory_space<vmem>>[vector<16xi32>, vector<16xi32>], vector<16xf32>,
      tpu.vector_store_idx %arg6[%parallel_loop3A_52, %parallel_loop3A_64], %broadcast_in_dim3A_4 : memref<256x41xf32, #tpu.memory_space<vmem>>[vector<16xi32>, vector<16xi32>], vector<16xf32>,
      %parallel_loop3A_65 = arith.constant 6 : i32
      %parallel_loop3A_66 = vector.broadcast %parallel_loop3A_65 : i32 to vector<16xi32>
      tpu.vector_store_idx %arg5[%parallel_loop3A_52, %parallel_loop3A_66], %broadcast_in_dim3A_4 : memref<256x41xf32, #tpu.memory_space<vmem>>[vector<16xi32>, vector<16xi32>], vector<16xf32>,
      tpu.vector_store_idx %arg6[%parallel_loop3A_52, %parallel_loop3A_66], %broadcast_in_dim3A_4 : memref<256x41xf32, #tpu.memory_space<vmem>>[vector<16xi32>, vector<16xi32>], vector<16xf32>,
      %parallel_loop3A_67 = arith.constant 7 : i32
      %parallel_loop3A_68 = vector.broadcast %parallel_loop3A_67 : i32 to vector<16xi32>
      tpu.vector_store_idx %arg5[%parallel_loop3A_52, %parallel_loop3A_68], %broadcast_in_dim3A_4 : memref<256x41xf32, #tpu.memory_space<vmem>>[vector<16xi32>, vector<16xi32>], vector<16xf32>,
      tpu.vector_store_idx %arg6[%parallel_loop3A_52, %parallel_loop3A_68], %broadcast_in_dim3A_4 : memref<256x41xf32, #tpu.memory_space<vmem>>[vector<16xi32>, vector<16xi32>], vector<16xf32>,
      %parallel_loop3A_69 = arith.constant 8 : i32
      %parallel_loop3A_70 = vector.broadcast %parallel_loop3A_69 : i32 to vector<16xi32>
      tpu.vector_store_idx %arg5[%parallel_loop3A_52, %parallel_loop3A_70], %broadcast_in_dim3A_4 : memref<256x41xf32, #tpu.memory_space<vmem>>[vector<16xi32>, vector<16xi32>], vector<16xf32>,
      tpu.vector_store_idx %arg6[%parallel_loop3A_52, %parallel_loop3A_70], %broadcast_in_dim3A_4 : memref<256x41xf32, #tpu.memory_space<vmem>>[vector<16xi32>, vector<16xi32>], vector<16xf32>,
      %parallel_loop3A_71 = arith.constant 9 : i32
      %parallel_loop3A_72 = vector.broadcast %parallel_loop3A_71 : i32 to vector<16xi32>
      tpu.vector_store_idx %arg5[%parallel_loop3A_52, %parallel_loop3A_72], %broadcast_in_dim3A_4 : memref<256x41xf32, #tpu.memory_space<vmem>>[vector<16xi32>, vector<16xi32>], vector<16xf32>,
      tpu.vector_store_idx %arg6[%parallel_loop3A_52, %parallel_loop3A_72], %broadcast_in_dim3A_4 : memref<256x41xf32, #tpu.memory_space<vmem>>[vector<16xi32>, vector<16xi32>], vector<16xf32>,
      %parallel_loop3A_73 = arith.constant 10 : i32
      %parallel_loop3A_74 = vector.broadcast %parallel_loop3A_73 : i32 to vector<16xi32>
      tpu.vector_store_idx %arg5[%parallel_loop3A_52, %parallel_loop3A_74], %broadcast_in_dim3A_4 : memref<256x41xf32, #tpu.memory_space<vmem>>[vector<16xi32>, vector<16xi32>], vector<16xf32>,
      tpu.vector_store_idx %arg6[%parallel_loop3A_52, %parallel_loop3A_74], %broadcast_in_dim3A_4 : memref<256x41xf32, #tpu.memory_space<vmem>>[vector<16xi32>, vector<16xi32>], vector<16xf32>,
      %parallel_loop3A_75 = arith.constant 11 : i32
      %parallel_loop3A_76 = vector.broadcast %parallel_loop3A_75 : i32 to vector<16xi32>
      tpu.vector_store_idx %arg5[%parallel_loop3A_52, %parallel_loop3A_76], %broadcast_in_dim3A_4 : memref<256x41xf32, #tpu.memory_space<vmem>>[vector<16xi32>, vector<16xi32>], vector<16xf32>,
      tpu.vector_store_idx %arg6[%parallel_loop3A_52, %parallel_loop3A_76], %broadcast_in_dim3A_4 : memref<256x41xf32, #tpu.memory_space<vmem>>[vector<16xi32>, vector<16xi32>], vector<16xf32>,
      %parallel_loop3A_77 = arith.constant 12 : i32
      %parallel_loop3A_78 = vector.broadcast %parallel_loop3A_77 : i32 to vector<16xi32>
      tpu.vector_store_idx %arg5[%parallel_loop3A_52, %parallel_loop3A_78], %broadcast_in_dim3A_4 : memref<256x41xf32, #tpu.memory_space<vmem>>[vector<16xi32>, vector<16xi32>], vector<16xf32>,
      tpu.vector_store_idx %arg6[%parallel_loop3A_52, %parallel_loop3A_78], %broadcast_in_dim3A_4 : memref<256x41xf32, #tpu.memory_space<vmem>>[vector<16xi32>, vector<16xi32>], vector<16xf32>,
      %parallel_loop3A_79 = arith.constant 13 : i32
      %parallel_loop3A_80 = vector.broadcast %parallel_loop3A_79 : i32 to vector<16xi32>
      tpu.vector_store_idx %arg5[%parallel_loop3A_52, %parallel_loop3A_80], %broadcast_in_dim3A_4 : memref<256x41xf32, #tpu.memory_space<vmem>>[vector<16xi32>, vector<16xi32>], vector<16xf32>,
      tpu.vector_store_idx %arg6[%parallel_loop3A_52, %parallel_loop3A_80], %broadcast_in_dim3A_4 : memref<256x41xf32, #tpu.memory_space<vmem>>[vector<16xi32>, vector<16xi32>], vector<16xf32>,
      %parallel_loop3A_81 = arith.constant 14 : i32
      %parallel_loop3A_82 = vector.broadcast %parallel_loop3A_81 : i32 to vector<16xi32>
      tpu.vector_store_idx %arg5[%parallel_loop3A_52, %parallel_loop3A_82], %broadcast_in_dim3A_4 : memref<256x41xf32, #tpu.memory_space<vmem>>[vector<16xi32>, vector<16xi32>], vector<16xf32>,
      tpu.vector_store_idx %arg6[%parallel_loop3A_52, %parallel_loop3A_82], %broadcast_in_dim3A_4 : memref<256x41xf32, #tpu.memory_space<vmem>>[vector<16xi32>, vector<16xi32>], vector<16xf32>,
      %parallel_loop3A_83 = arith.constant 15 : i32
      %parallel_loop3A_84 = vector.broadcast %parallel_loop3A_83 : i32 to vector<16xi32>
      tpu.vector_store_idx %arg5[%parallel_loop3A_52, %parallel_loop3A_84], %broadcast_in_dim3A_4 : memref<256x41xf32, #tpu.memory_space<vmem>>[vector<16xi32>, vector<16xi32>], vector<16xf32>,
      tpu.vector_store_idx %arg6[%parallel_loop3A_52, %parallel_loop3A_84], %broadcast_in_dim3A_4 : memref<256x41xf32, #tpu.memory_space<vmem>>[vector<16xi32>, vector<16xi32>], vector<16xf32>,
      %parallel_loop3A_85 = arith.constant 16 : i32
      %parallel_loop3A_86 = vector.broadcast %parallel_loop3A_85 : i32 to vector<16xi32>
      tpu.vector_store_idx %arg5[%parallel_loop3A_52, %parallel_loop3A_86], %broadcast_in_dim3A_4 : memref<256x41xf32, #tpu.memory_space<vmem>>[vector<16xi32>, vector<16xi32>], vector<16xf32>,
      tpu.vector_store_idx %arg6[%parallel_loop3A_52, %parallel_loop3A_86], %broadcast_in_dim3A_4 : memref<256x41xf32, #tpu.memory_space<vmem>>[vector<16xi32>, vector<16xi32>], vector<16xf32>,
      %parallel_loop3A_87 = arith.constant 17 : i32
      %parallel_loop3A_88 = vector.broadcast %parallel_loop3A_87 : i32 to vector<16xi32>
      tpu.vector_store_idx %arg5[%parallel_loop3A_52, %parallel_loop3A_88], %broadcast_in_dim3A_4 : memref<256x41xf32, #tpu.memory_space<vmem>>[vector<16xi32>, vector<16xi32>], vector<16xf32>,
      tpu.vector_store_idx %arg6[%parallel_loop3A_52, %parallel_loop3A_88], %broadcast_in_dim3A_4 : memref<256x41xf32, #tpu.memory_space<vmem>>[vector<16xi32>, vector<16xi32>], vector<16xf32>,
      %parallel_loop3A_89 = arith.constant 18 : i32
      %parallel_loop3A_90 = vector.broadcast %parallel_loop3A_89 : i32 to vector<16xi32>
      tpu.vector_store_idx %arg5[%parallel_loop3A_52, %parallel_loop3A_90], %broadcast_in_dim3A_4 : memref<256x41xf32, #tpu.memory_space<vmem>>[vector<16xi32>, vector<16xi32>], vector<16xf32>,
      tpu.vector_store_idx %arg6[%parallel_loop3A_52, %parallel_loop3A_90], %broadcast_in_dim3A_4 : memref<256x41xf32, #tpu.memory_space<vmem>>[vector<16xi32>, vector<16xi32>], vector<16xf32>,
      %parallel_loop3A_91 = arith.constant 19 : i32
      %parallel_loop3A_92 = vector.broadcast %parallel_loop3A_91 : i32 to vector<16xi32>
      tpu.vector_store_idx %arg5[%parallel_loop3A_52, %parallel_loop3A_92], %broadcast_in_dim3A_4 : memref<256x41xf32, #tpu.memory_space<vmem>>[vector<16xi32>, vector<16xi32>], vector<16xf32>,
      tpu.vector_store_idx %arg6[%parallel_loop3A_52, %parallel_loop3A_92], %broadcast_in_dim3A_4 : memref<256x41xf32, #tpu.memory_space<vmem>>[vector<16xi32>, vector<16xi32>], vector<16xf32>,
      %parallel_loop3A_93 = arith.constant 20 : i32
      %parallel_loop3A_94 = vector.broadcast %parallel_loop3A_93 : i32 to vector<16xi32>
      tpu.vector_store_idx %arg5[%parallel_loop3A_52, %parallel_loop3A_94], %broadcast_in_dim3A_4 : memref<256x41xf32, #tpu.memory_space<vmem>>[vector<16xi32>, vector<16xi32>], vector<16xf32>,
      tpu.vector_store_idx %arg6[%parallel_loop3A_52, %parallel_loop3A_94], %broadcast_in_dim3A_4 : memref<256x41xf32, #tpu.memory_space<vmem>>[vector<16xi32>, vector<16xi32>], vector<16xf32>,
      %parallel_loop3A_95 = arith.constant 21 : i32
      %parallel_loop3A_96 = vector.broadcast %parallel_loop3A_95 : i32 to vector<16xi32>
      tpu.vector_store_idx %arg5[%parallel_loop3A_52, %parallel_loop3A_96], %broadcast_in_dim3A_4 : memref<256x41xf32, #tpu.memory_space<vmem>>[vector<16xi32>, vector<16xi32>], vector<16xf32>,
      tpu.vector_store_idx %arg6[%parallel_loop3A_52, %parallel_loop3A_96], %broadcast_in_dim3A_4 : memref<256x41xf32, #tpu.memory_space<vmem>>[vector<16xi32>, vector<16xi32>], vector<16xf32>,
      %parallel_loop3A_97 = arith.constant 22 : i32
      %parallel_loop3A_98 = vector.broadcast %parallel_loop3A_97 : i32 to vector<16xi32>
      tpu.vector_store_idx %arg5[%parallel_loop3A_52, %parallel_loop3A_98], %broadcast_in_dim3A_4 : memref<256x41xf32, #tpu.memory_space<vmem>>[vector<16xi32>, vector<16xi32>], vector<16xf32>,
      tpu.vector_store_idx %arg6[%parallel_loop3A_52, %parallel_loop3A_98], %broadcast_in_dim3A_4 : memref<256x41xf32, #tpu.memory_space<vmem>>[vector<16xi32>, vector<16xi32>], vector<16xf32>,
      %parallel_loop3A_99 = arith.constant 23 : i32
      %parallel_loop3A_100 = vector.broadcast %parallel_loop3A_99 : i32 to vector<16xi32>
      tpu.vector_store_idx %arg5[%parallel_loop3A_52, %parallel_loop3A_100], %broadcast_in_dim3A_4 : memref<256x41xf32, #tpu.memory_space<vmem>>[vector<16xi32>, vector<16xi32>], vector<16xf32>,
      tpu.vector_store_idx %arg6[%parallel_loop3A_52, %parallel_loop3A_100], %broadcast_in_dim3A_4 : memref<256x41xf32, #tpu.memory_space<vmem>>[vector<16xi32>, vector<16xi32>], vector<16xf32>,
      %parallel_loop3A_101 = arith.constant 24 : i32
      %parallel_loop3A_102 = vector.broadcast %parallel_loop3A_101 : i32 to vector<16xi32>
      tpu.vector_store_idx %arg5[%parallel_loop3A_52, %parallel_loop3A_102], %broadcast_in_dim3A_4 : memref<256x41xf32, #tpu.memory_space<vmem>>[vector<16xi32>, vector<16xi32>], vector<16xf32>,
      tpu.vector_store_idx %arg6[%parallel_loop3A_52, %parallel_loop3A_102], %broadcast_in_dim3A_4 : memref<256x41xf32, #tpu.memory_space<vmem>>[vector<16xi32>, vector<16xi32>], vector<16xf32>,
      %parallel_loop3A_103 = arith.constant 25 : i32
      %parallel_loop3A_104 = vector.broadcast %parallel_loop3A_103 : i32 to vector<16xi32>
      tpu.vector_store_idx %arg5[%parallel_loop3A_52, %parallel_loop3A_104], %broadcast_in_dim3A_4 : memref<256x41xf32, #tpu.memory_space<vmem>>[vector<16xi32>, vector<16xi32>], vector<16xf32>,
      tpu.vector_store_idx %arg6[%parallel_loop3A_52, %parallel_loop3A_104], %broadcast_in_dim3A_4 : memref<256x41xf32, #tpu.memory_space<vmem>>[vector<16xi32>, vector<16xi32>], vector<16xf32>,
      %parallel_loop3A_105 = arith.constant 26 : i32
      %parallel_loop3A_106 = vector.broadcast %parallel_loop3A_105 : i32 to vector<16xi32>
      tpu.vector_store_idx %arg5[%parallel_loop3A_52, %parallel_loop3A_106], %broadcast_in_dim3A_4 : memref<256x41xf32, #tpu.memory_space<vmem>>[vector<16xi32>, vector<16xi32>], vector<16xf32>,
      tpu.vector_store_idx %arg6[%parallel_loop3A_52, %parallel_loop3A_106], %broadcast_in_dim3A_4 : memref<256x41xf32, #tpu.memory_space<vmem>>[vector<16xi32>, vector<16xi32>], vector<16xf32>,
      %parallel_loop3A_107 = arith.constant 27 : i32
      %parallel_loop3A_108 = vector.broadcast %parallel_loop3A_107 : i32 to vector<16xi32>
      tpu.vector_store_idx %arg5[%parallel_loop3A_52, %parallel_loop3A_108], %broadcast_in_dim3A_4 : memref<256x41xf32, #tpu.memory_space<vmem>>[vector<16xi32>, vector<16xi32>], vector<16xf32>,
      tpu.vector_store_idx %arg6[%parallel_loop3A_52, %parallel_loop3A_108], %broadcast_in_dim3A_4 : memref<256x41xf32, #tpu.memory_space<vmem>>[vector<16xi32>, vector<16xi32>], vector<16xf32>,
      %parallel_loop3A_109 = arith.constant 28 : i32
      %parallel_loop3A_110 = vector.broadcast %parallel_loop3A_109 : i32 to vector<16xi32>
      tpu.vector_store_idx %arg5[%parallel_loop3A_52, %parallel_loop3A_110], %broadcast_in_dim3A_4 : memref<256x41xf32, #tpu.memory_space<vmem>>[vector<16xi32>, vector<16xi32>], vector<16xf32>,
      tpu.vector_store_idx %arg6[%parallel_loop3A_52, %parallel_loop3A_110], %broadcast_in_dim3A_4 : memref<256x41xf32, #tpu.memory_space<vmem>>[vector<16xi32>, vector<16xi32>], vector<16xf32>,
      %parallel_loop3A_111 = arith.constant 29 : i32
      %parallel_loop3A_112 = vector.broadcast %parallel_loop3A_111 : i32 to vector<16xi32>
      tpu.vector_store_idx %arg5[%parallel_loop3A_52, %parallel_loop3A_112], %broadcast_in_dim3A_4 : memref<256x41xf32, #tpu.memory_space<vmem>>[vector<16xi32>, vector<16xi32>], vector<16xf32>,
      tpu.vector_store_idx %arg6[%parallel_loop3A_52, %parallel_loop3A_112], %broadcast_in_dim3A_4 : memref<256x41xf32, #tpu.memory_space<vmem>>[vector<16xi32>, vector<16xi32>], vector<16xf32>,
      %parallel_loop3A_113 = arith.constant 30 : i32
      %parallel_loop3A_114 = vector.broadcast %parallel_loop3A_113 : i32 to vector<16xi32>
      tpu.vector_store_idx %arg5[%parallel_loop3A_52, %parallel_loop3A_114], %broadcast_in_dim3A_4 : memref<256x41xf32, #tpu.memory_space<vmem>>[vector<16xi32>, vector<16xi32>], vector<16xf32>,
      tpu.vector_store_idx %arg6[%parallel_loop3A_52, %parallel_loop3A_114], %broadcast_in_dim3A_4 : memref<256x41xf32, #tpu.memory_space<vmem>>[vector<16xi32>, vector<16xi32>], vector<16xf32>,
      %parallel_loop3A_115 = arith.constant 31 : i32
      %parallel_loop3A_116 = vector.broadcast %parallel_loop3A_115 : i32 to vector<16xi32>
      tpu.vector_store_idx %arg5[%parallel_loop3A_52, %parallel_loop3A_116], %broadcast_in_dim3A_4 : memref<256x41xf32, #tpu.memory_space<vmem>>[vector<16xi32>, vector<16xi32>], vector<16xf32>,
      tpu.vector_store_idx %arg6[%parallel_loop3A_52, %parallel_loop3A_116], %broadcast_in_dim3A_4 : memref<256x41xf32, #tpu.memory_space<vmem>>[vector<16xi32>, vector<16xi32>], vector<16xf32>,
      %parallel_loop3A_117 = arith.constant 32 : i32
      %parallel_loop3A_118 = vector.broadcast %parallel_loop3A_117 : i32 to vector<16xi32>
      tpu.vector_store_idx %arg5[%parallel_loop3A_52, %parallel_loop3A_118], %broadcast_in_dim3A_4 : memref<256x41xf32, #tpu.memory_space<vmem>>[vector<16xi32>, vector<16xi32>], vector<16xf32>,
      tpu.vector_store_idx %arg6[%parallel_loop3A_52, %parallel_loop3A_118], %broadcast_in_dim3A_4 : memref<256x41xf32, #tpu.memory_space<vmem>>[vector<16xi32>, vector<16xi32>], vector<16xf32>,
      %parallel_loop3A_119 = arith.constant 33 : i32
      %parallel_loop3A_120 = vector.broadcast %parallel_loop3A_119 : i32 to vector<16xi32>
      tpu.vector_store_idx %arg5[%parallel_loop3A_52, %parallel_loop3A_120], %broadcast_in_dim3A_4 : memref<256x41xf32, #tpu.memory_space<vmem>>[vector<16xi32>, vector<16xi32>], vector<16xf32>,
      tpu.vector_store_idx %arg6[%parallel_loop3A_52, %parallel_loop3A_120], %broadcast_in_dim3A_4 : memref<256x41xf32, #tpu.memory_space<vmem>>[vector<16xi32>, vector<16xi32>], vector<16xf32>,
      %parallel_loop3A_121 = arith.constant 34 : i32
      %parallel_loop3A_122 = vector.broadcast %parallel_loop3A_121 : i32 to vector<16xi32>
      tpu.vector_store_idx %arg5[%parallel_loop3A_52, %parallel_loop3A_122], %broadcast_in_dim3A_4 : memref<256x41xf32, #tpu.memory_space<vmem>>[vector<16xi32>, vector<16xi32>], vector<16xf32>,
      tpu.vector_store_idx %arg6[%parallel_loop3A_52, %parallel_loop3A_122], %broadcast_in_dim3A_4 : memref<256x41xf32, #tpu.memory_space<vmem>>[vector<16xi32>, vector<16xi32>], vector<16xf32>,
      %parallel_loop3A_123 = arith.constant 35 : i32
      %parallel_loop3A_124 = vector.broadcast %parallel_loop3A_123 : i32 to vector<16xi32>
      tpu.vector_store_idx %arg5[%parallel_loop3A_52, %parallel_loop3A_124], %broadcast_in_dim3A_4 : memref<256x41xf32, #tpu.memory_space<vmem>>[vector<16xi32>, vector<16xi32>], vector<16xf32>,
      tpu.vector_store_idx %arg6[%parallel_loop3A_52, %parallel_loop3A_124], %broadcast_in_dim3A_4 : memref<256x41xf32, #tpu.memory_space<vmem>>[vector<16xi32>, vector<16xi32>], vector<16xf32>,
      %parallel_loop3A_125 = arith.constant 36 : i32
      %parallel_loop3A_126 = vector.broadcast %parallel_loop3A_125 : i32 to vector<16xi32>
      tpu.vector_store_idx %arg5[%parallel_loop3A_52, %parallel_loop3A_126], %broadcast_in_dim3A_4 : memref<256x41xf32, #tpu.memory_space<vmem>>[vector<16xi32>, vector<16xi32>], vector<16xf32>,
      tpu.vector_store_idx %arg6[%parallel_loop3A_52, %parallel_loop3A_126], %broadcast_in_dim3A_4 : memref<256x41xf32, #tpu.memory_space<vmem>>[vector<16xi32>, vector<16xi32>], vector<16xf32>,
      %parallel_loop3A_127 = arith.constant 37 : i32
      %parallel_loop3A_128 = vector.broadcast %parallel_loop3A_127 : i32 to vector<16xi32>
      tpu.vector_store_idx %arg5[%parallel_loop3A_52, %parallel_loop3A_128], %broadcast_in_dim3A_4 : memref<256x41xf32, #tpu.memory_space<vmem>>[vector<16xi32>, vector<16xi32>], vector<16xf32>,
      tpu.vector_store_idx %arg6[%parallel_loop3A_52, %parallel_loop3A_128], %broadcast_in_dim3A_4 : memref<256x41xf32, #tpu.memory_space<vmem>>[vector<16xi32>, vector<16xi32>], vector<16xf32>,
      %parallel_loop3A_129 = arith.constant 38 : i32
      %parallel_loop3A_130 = vector.broadcast %parallel_loop3A_129 : i32 to vector<16xi32>
      tpu.vector_store_idx %arg5[%parallel_loop3A_52, %parallel_loop3A_130], %broadcast_in_dim3A_4 : memref<256x41xf32, #tpu.memory_space<vmem>>[vector<16xi32>, vector<16xi32>], vector<16xf32>,
      tpu.vector_store_idx %arg6[%parallel_loop3A_52, %parallel_loop3A_130], %broadcast_in_dim3A_4 : memref<256x41xf32, #tpu.memory_space<vmem>>[vector<16xi32>, vector<16xi32>], vector<16xf32>,
      %parallel_loop3A_131 = arith.constant 39 : i32
      %parallel_loop3A_132 = vector.broadcast %parallel_loop3A_131 : i32 to vector<16xi32>
      tpu.vector_store_idx %arg5[%parallel_loop3A_52, %parallel_loop3A_132], %broadcast_in_dim3A_4 : memref<256x41xf32, #tpu.memory_space<vmem>>[vector<16xi32>, vector<16xi32>], vector<16xf32>,
      tpu.vector_store_idx %arg6[%parallel_loop3A_52, %parallel_loop3A_132], %broadcast_in_dim3A_4 : memref<256x41xf32, #tpu.memory_space<vmem>>[vector<16xi32>, vector<16xi32>], vector<16xf32>,
      %parallel_loop3A_133 = arith.constant 40 : i32
      %parallel_loop3A_134 = vector.broadcast %parallel_loop3A_133 : i32 to vector<16xi32>
      tpu.vector_store_idx %arg5[%parallel_loop3A_52, %parallel_loop3A_134], %broadcast_in_dim3A_4 : memref<256x41xf32, #tpu.memory_space<vmem>>[vector<16xi32>, vector<16xi32>], vector<16xf32>,
      tpu.vector_store_idx %arg6[%parallel_loop3A_52, %parallel_loop3A_134], %broadcast_in_dim3A_4 : memref<256x41xf32, #tpu.memory_space<vmem>>[vector<16xi32>, vector<16xi32>], vector<16xf32>,
    } {sc.loop_unroll_factor = 1 : i64, sc.parallel_access}
    %dma_wait3A = tpu.memref_slice %arg2[%mul3A_2] : memref<1048576xf32, #tpu.memory_space<hbm>> -> memref<32768xf32, #tpu.memory_space<hbm>>
    %dma_wait3A_12 = tpu.memref_slice %arg2[%mul3A_2] : memref<1048576xf32, #tpu.memory_space<hbm>> -> memref<32768xf32, #tpu.memory_space<hbm>>
    tpu.wait_dma2 semaphore(%arg11 : memref<!tpu.dma_semaphore, #tpu.memory_space<semaphore_mem>>) src(%dma_wait3A_12 : memref<32768xf32, #tpu.memory_space<hbm>>) dst(%arg4 : memref<32768xf32, #tpu.memory_space<vmem>>)
    %parallel_loop3A_13 = arith.constant 0 : i32
    %parallel_loop3A_14 = arith.constant 16 : i32
    %parallel_loop3A_15 = arith.constant 1 : i32
    scf.for %parallel_loop3A_48 = %parallel_loop3A_13 to %parallel_loop3A_14 step %parallel_loop3A_15  : i32 {
      %parallel_loop3A_49 = arith.constant 16 : i32
      %parallel_loop3A_50 = arith.muli %parallel_loop3A_48, %parallel_loop3A_49 : i32
      %parallel_loop3A_51 = vector.broadcast %parallel_loop3A_50 : i32 to vector<16xi32>
      %parallel_loop3A_52 = arith.addi %parallel_loop3A_51, %iota3A : vector<16xi32>
      %parallel_loop3A_53 = arith.constant 16 : i32
      %parallel_loop3A_54 = arith.muli %parallel_loop3A_48, %parallel_loop3A_53 : i32
      %parallel_loop3A_55 = arith.index_cast %parallel_loop3A_54 : i32 to index
      %parallel_loop3A_56 = tpu.vector_load %arg7[%parallel_loop3A_55] {strides = array<i32>} : memref<256xi32, #tpu.memory_space<vmem>>, vector<16xi32>,
      tpu.vector_store_idx %arg5[%parallel_loop3A_52, %parallel_loop3A_56], %broadcast_in_dim3A_4 : memref<256x41xf32, #tpu.memory_space<vmem>>[vector<16xi32>, vector<16xi32>], vector<16xf32>,
      %parallel_loop3A_57 = arith.constant 16 : i32
      %parallel_loop3A_58 = arith.muli %parallel_loop3A_48, %parallel_loop3A_57 : i32
      %parallel_loop3A_59 = arith.index_cast %parallel_loop3A_58 : i32 to index
      %parallel_loop3A_60 = tpu.vector_load %arg8[%parallel_loop3A_59] {strides = array<i32>} : memref<256xi32, #tpu.memory_space<vmem>>, vector<16xi32>,
      tpu.vector_store_idx %arg5[%parallel_loop3A_52, %parallel_loop3A_60], %broadcast_in_dim3A_4 : memref<256x41xf32, #tpu.memory_space<vmem>>[vector<16xi32>, vector<16xi32>], vector<16xf32>,
      %parallel_loop3A_61 = arith.constant 16 : i32
      %parallel_loop3A_62 = arith.muli %parallel_loop3A_48, %parallel_loop3A_61 : i32
      %parallel_loop3A_63 = arith.constant 0 : i32
      %parallel_loop3A_64 = arith.addi %parallel_loop3A_63, %parallel_loop3A_62 : i32
      %parallel_loop3A_65 = arith.index_cast %parallel_loop3A_64 : i32 to index
      %parallel_loop3A_66 = tpu.vector_load %arg4[%parallel_loop3A_65] {strides = array<i32>} : memref<32768xf32, #tpu.memory_space<vmem>>, vector<16xf32>,
      %parallel_loop3A_67 = math.absf %parallel_loop3A_66 : vector<16xf32>
      %parallel_loop3A_68 = arith.constant 1.000000e+00 : f32
      %parallel_loop3A_69 = vector.broadcast %parallel_loop3A_68 : f32 to vector<16xf32>
      %parallel_loop3A_70 = arith.addf %parallel_loop3A_67, %parallel_loop3A_69 : vector<16xf32>
      %parallel_loop3A_71 = tpu.bitcast %parallel_loop3A_70 : vector<16xf32> -> vector<16xi32>
      %parallel_loop3A_72 = arith.constant 23 : i32
      %parallel_loop3A_73 = vector.broadcast %parallel_loop3A_72 : i32 to vector<16xi32>
      %parallel_loop3A_74 = arith.shrui %parallel_loop3A_71, %parallel_loop3A_73 : vector<16xi32>
      %parallel_loop3A_75 = arith.constant 127 : i32
      %parallel_loop3A_76 = vector.broadcast %parallel_loop3A_75 : i32 to vector<16xi32>
      %parallel_loop3A_77 = arith.subi %parallel_loop3A_74, %parallel_loop3A_76 : vector<16xi32>
      %parallel_loop3A_78 = arith.constant 8388607 : i32
      %parallel_loop3A_79 = vector.broadcast %parallel_loop3A_78 : i32 to vector<16xi32>
      %parallel_loop3A_80 = arith.andi %parallel_loop3A_71, %parallel_loop3A_79 : vector<16xi32>
      %parallel_loop3A_81 = arith.constant 1065353216 : i32
      %parallel_loop3A_82 = vector.broadcast %parallel_loop3A_81 : i32 to vector<16xi32>
      %parallel_loop3A_83 = arith.ori %parallel_loop3A_80, %parallel_loop3A_82 : vector<16xi32>
      %parallel_loop3A_84 = tpu.bitcast %parallel_loop3A_83 : vector<16xi32> -> vector<16xf32>
      %parallel_loop3A_85 = arith.constant 1.41421354 : f32
      %parallel_loop3A_86 = vector.broadcast %parallel_loop3A_85 : f32 to vector<16xf32>
      %parallel_loop3A_87 = arith.cmpf ogt, %parallel_loop3A_84, %parallel_loop3A_86 : vector<16xf32>
      %parallel_loop3A_88 = arith.constant 5.000000e-01 : f32
      %parallel_loop3A_89 = vector.broadcast %parallel_loop3A_88 : f32 to vector<16xf32>
      %parallel_loop3A_90 = arith.mulf %parallel_loop3A_84, %parallel_loop3A_89 : vector<16xf32>
      %parallel_loop3A_91 = arith.select %parallel_loop3A_87, %parallel_loop3A_90, %parallel_loop3A_84 : vector<16xi1>, vector<16xf32>
      %parallel_loop3A_92 = arith.constant 1 : i32
      %parallel_loop3A_93 = arith.constant 0 : i32
      %parallel_loop3A_94 = vector.broadcast %parallel_loop3A_92 : i32 to vector<16xi32>
      %parallel_loop3A_95 = vector.broadcast %parallel_loop3A_93 : i32 to vector<16xi32>
      %parallel_loop3A_96 = arith.select %parallel_loop3A_87, %parallel_loop3A_94, %parallel_loop3A_95 : vector<16xi1>, vector<16xi32>
      %parallel_loop3A_97 = arith.addi %parallel_loop3A_77, %parallel_loop3A_96 : vector<16xi32>
      %parallel_loop3A_98 = arith.constant 1.000000e+00 : f32
      %parallel_loop3A_99 = vector.broadcast %parallel_loop3A_98 : f32 to vector<16xf32>
      %parallel_loop3A_100 = arith.subf %parallel_loop3A_91, %parallel_loop3A_99 : vector<16xf32>
      %parallel_loop3A_101 = arith.constant 1.000000e+00 : f32
      %parallel_loop3A_102 = vector.broadcast %parallel_loop3A_101 : f32 to vector<16xf32>
      %parallel_loop3A_103 = arith.addf %parallel_loop3A_91, %parallel_loop3A_102 : vector<16xf32>
      %parallel_loop3A_104 = arith.divf %parallel_loop3A_100, %parallel_loop3A_103 : vector<16xf32>
      %parallel_loop3A_105 = arith.mulf %parallel_loop3A_104, %parallel_loop3A_104 : vector<16xf32>
      %parallel_loop3A_106 = arith.constant 2.000000e+00 : f32
      %parallel_loop3A_107 = vector.broadcast %parallel_loop3A_106 : f32 to vector<16xf32>
      %parallel_loop3A_108 = arith.mulf %parallel_loop3A_107, %parallel_loop3A_104 : vector<16xf32>
      %parallel_loop3A_109 = arith.constant 0.142857149 : f32
      %parallel_loop3A_110 = vector.broadcast %parallel_loop3A_109 : f32 to vector<16xf32>
      %parallel_loop3A_111 = arith.mulf %parallel_loop3A_105, %parallel_loop3A_110 : vector<16xf32>
      %parallel_loop3A_112 = arith.constant 2.000000e-01 : f32
      %parallel_loop3A_113 = vector.broadcast %parallel_loop3A_112 : f32 to vector<16xf32>
      %parallel_loop3A_114 = arith.addf %parallel_loop3A_113, %parallel_loop3A_111 : vector<16xf32>
      %parallel_loop3A_115 = arith.mulf %parallel_loop3A_105, %parallel_loop3A_114 : vector<16xf32>
      %parallel_loop3A_116 = arith.constant 0.333333343 : f32
      %parallel_loop3A_117 = vector.broadcast %parallel_loop3A_116 : f32 to vector<16xf32>
      %parallel_loop3A_118 = arith.addf %parallel_loop3A_117, %parallel_loop3A_115 : vector<16xf32>
      %parallel_loop3A_119 = arith.mulf %parallel_loop3A_105, %parallel_loop3A_118 : vector<16xf32>
      %parallel_loop3A_120 = arith.constant 1.000000e+00 : f32
      %parallel_loop3A_121 = vector.broadcast %parallel_loop3A_120 : f32 to vector<16xf32>
      %parallel_loop3A_122 = arith.addf %parallel_loop3A_121, %parallel_loop3A_119 : vector<16xf32>
      %parallel_loop3A_123 = arith.mulf %parallel_loop3A_108, %parallel_loop3A_122 : vector<16xf32>
      %parallel_loop3A_124 = arith.sitofp %parallel_loop3A_97 : vector<16xi32> to vector<16xf32>
      %parallel_loop3A_125 = arith.constant 0.693147182 : f32
      %parallel_loop3A_126 = vector.broadcast %parallel_loop3A_125 : f32 to vector<16xf32>
      %parallel_loop3A_127 = arith.mulf %parallel_loop3A_124, %parallel_loop3A_126 : vector<16xf32>
      %parallel_loop3A_128 = arith.addf %parallel_loop3A_127, %parallel_loop3A_123 : vector<16xf32>
      %parallel_loop3A_129 = tpu.bitcast %parallel_loop3A_66 : vector<16xf32> -> vector<16xi32>
      %parallel_loop3A_130 = arith.constant -2147483648 : i32
      %parallel_loop3A_131 = vector.broadcast %parallel_loop3A_130 : i32 to vector<16xi32>
      %parallel_loop3A_132 = arith.andi %parallel_loop3A_129, %parallel_loop3A_131 : vector<16xi32>
      %parallel_loop3A_133 = tpu.bitcast %parallel_loop3A_128 : vector<16xf32> -> vector<16xi32>
      %parallel_loop3A_134 = arith.ori %parallel_loop3A_133, %parallel_loop3A_132 : vector<16xi32>
      %parallel_loop3A_135 = tpu.bitcast %parallel_loop3A_134 : vector<16xi32> -> vector<16xf32>
      %parallel_loop3A_136 = arith.constant -2.000000e+01 : f32
      %parallel_loop3A_137 = vector.broadcast %parallel_loop3A_136 : f32 to vector<16xf32>
      %parallel_loop3A_138 = arith.maximumf %parallel_loop3A_135, %parallel_loop3A_137 : vector<16xf32>
      %parallel_loop3A_139 = arith.constant 2.000000e+01 : f32
      %parallel_loop3A_140 = vector.broadcast %parallel_loop3A_139 : f32 to vector<16xf32>
      %parallel_loop3A_141 = arith.minimumf %parallel_loop3A_138, %parallel_loop3A_140 : vector<16xf32>
      %parallel_loop3A_142 = arith.fptosi %parallel_loop3A_141 : vector<16xf32> to vector<16xi32>
      %parallel_loop3A_143 = arith.sitofp %parallel_loop3A_142 : vector<16xi32> to vector<16xf32>
      %parallel_loop3A_144 = arith.cmpf olt, %parallel_loop3A_141, %parallel_loop3A_143 : vector<16xf32>
      %parallel_loop3A_145 = arith.constant 1.000000e+00 : f32
      %parallel_loop3A_146 = vector.broadcast %parallel_loop3A_145 : f32 to vector<16xf32>
      %parallel_loop3A_147 = arith.subf %parallel_loop3A_143, %parallel_loop3A_146 : vector<16xf32>
      %parallel_loop3A_148 = arith.select %parallel_loop3A_144, %parallel_loop3A_147, %parallel_loop3A_143 : vector<16xi1>, vector<16xf32>
      %parallel_loop3A_149 = arith.constant 1 : i32
      %parallel_loop3A_150 = vector.broadcast %parallel_loop3A_149 : i32 to vector<16xi32>
      %parallel_loop3A_151 = arith.subi %parallel_loop3A_142, %parallel_loop3A_150 : vector<16xi32>
      %parallel_loop3A_152 = arith.select %parallel_loop3A_144, %parallel_loop3A_151, %parallel_loop3A_142 : vector<16xi1>, vector<16xi32>
      %parallel_loop3A_153 = arith.subf %parallel_loop3A_141, %parallel_loop3A_148 : vector<16xf32>
      %parallel_loop3A_154 = arith.constant 20 : i32
      %parallel_loop3A_155 = vector.broadcast %parallel_loop3A_154 : i32 to vector<16xi32>
      %parallel_loop3A_156 = arith.addi %parallel_loop3A_152, %parallel_loop3A_155 : vector<16xi32>
      %parallel_loop3A_157 = arith.constant 1 : i32
      %parallel_loop3A_158 = vector.broadcast %parallel_loop3A_157 : i32 to vector<16xi32>
      %parallel_loop3A_159 = arith.addi %parallel_loop3A_156, %parallel_loop3A_158 : vector<16xi32>
      %parallel_loop3A_160 = arith.constant 41 : i32
      %parallel_loop3A_161 = vector.broadcast %parallel_loop3A_160 : i32 to vector<16xi32>
      %parallel_loop3A_162 = arith.cmpi slt, %parallel_loop3A_159, %parallel_loop3A_161 : vector<16xi32>
      %parallel_loop3A_163 = arith.constant 0.000000e+00 : f32
      %parallel_loop3A_164 = vector.broadcast %parallel_loop3A_163 : f32 to vector<16xf32>
      %parallel_loop3A_165 = arith.select %parallel_loop3A_162, %parallel_loop3A_153, %parallel_loop3A_164 : vector<16xi1>, vector<16xf32>
      %parallel_loop3A_166 = arith.constant 40 : i32
      %parallel_loop3A_167 = vector.broadcast %parallel_loop3A_166 : i32 to vector<16xi32>
      %parallel_loop3A_168 = arith.minsi %parallel_loop3A_159, %parallel_loop3A_167 : vector<16xi32>
      %parallel_loop3A_169 = arith.constant 1.000000e+00 : f32
      %parallel_loop3A_170 = vector.broadcast %parallel_loop3A_169 : f32 to vector<16xf32>
      %parallel_loop3A_171 = arith.subf %parallel_loop3A_170, %parallel_loop3A_153 : vector<16xf32>
      tpu.vector_store_idx %arg5[%parallel_loop3A_52, %parallel_loop3A_168], %parallel_loop3A_165 : memref<256x41xf32, #tpu.memory_space<vmem>>[vector<16xi32>, vector<16xi32>], vector<16xf32>,
      tpu.vector_store_idx %arg5[%parallel_loop3A_52, %parallel_loop3A_156], %parallel_loop3A_171 : memref<256x41xf32, #tpu.memory_space<vmem>>[vector<16xi32>, vector<16xi32>], vector<16xf32>,
      %parallel_loop3A_172 = arith.constant 16 : i32
      %parallel_loop3A_173 = arith.muli %parallel_loop3A_48, %parallel_loop3A_172 : i32
      %parallel_loop3A_174 = arith.index_cast %parallel_loop3A_173 : i32 to index
      %parallel_loop3A_175 = tpu.vector_load %arg7[%parallel_loop3A_174] {strides = array<i32>} : memref<256xi32, #tpu.memory_space<vmem>>, vector<16xi32>,
      tpu.vector_store %arg7[%parallel_loop3A_174], %parallel_loop3A_156 {strides = array<i32>} : memref<256xi32, #tpu.memory_space<vmem>>, vector<16xi32>,
      %parallel_loop3A_176 = arith.constant 16 : i32
      %parallel_loop3A_177 = arith.muli %parallel_loop3A_48, %parallel_loop3A_176 : i32
      %parallel_loop3A_178 = arith.index_cast %parallel_loop3A_177 : i32 to index
      %parallel_loop3A_179 = tpu.vector_load %arg8[%parallel_loop3A_178] {strides = array<i32>} : memref<256xi32, #tpu.memory_space<vmem>>, vector<16xi32>,
      tpu.vector_store %arg8[%parallel_loop3A_178], %parallel_loop3A_168 {strides = array<i32>} : memref<256xi32, #tpu.memory_space<vmem>>, vector<16xi32>,
    } {sc.loop_unroll_factor = 8 : i64, sc.parallel_access}
    %add3A_16 = arith.constant 0 : i32
    %add3A_17 = arith.addi %mul3A_2, %add3A_16 : i32
    %dma_start3A_18 = arith.constant 0 : i32
    %dma_start3A_19 = tpu.memref_slice %arg3[%add3A_17, %dma_start3A_18] : memref<1048576x41xf32, #tpu.memory_space<hbm>> -> memref<256x41xf32, #tpu.memory_space<hbm>>
    %dma_start3A_20 = arith.constant 0 : i32
    %dma_start3A_21 = tpu.memref_slice %arg3[%add3A_17, %dma_start3A_20] : memref<1048576x41xf32, #tpu.memory_space<hbm>> -> memref<256x41xf32, #tpu.memory_space<hbm>>
    tpu.enqueue_dma source(%arg5 : memref<256x41xf32, #tpu.memory_space<vmem>>) target(%dma_start3A_21 : memref<256x41xf32, #tpu.memory_space<hbm>>) target_semaphore(%arg12 : memref<!tpu.dma_semaphore, #tpu.memory_space<semaphore_mem>>)
    %parallel_loop3A_22 = arith.constant 0 : i32
    %parallel_loop3A_23 = arith.constant 16 : i32
    %parallel_loop3A_24 = arith.constant 1 : i32
    scf.for %parallel_loop3A_48 = %parallel_loop3A_22 to %parallel_loop3A_23 step %parallel_loop3A_24  : i32 {
      %parallel_loop3A_49 = arith.constant 16 : i32
      %parallel_loop3A_50 = arith.muli %parallel_loop3A_48, %parallel_loop3A_49 : i32
      %parallel_loop3A_51 = vector.broadcast %parallel_loop3A_50 : i32 to vector<16xi32>
      %parallel_loop3A_52 = arith.addi %parallel_loop3A_51, %iota3A : vector<16xi32>
      %parallel_loop3A_53 = arith.constant 16 : i32
      %parallel_loop3A_54 = arith.muli %parallel_loop3A_48, %parallel_loop3A_53 : i32
      %parallel_loop3A_55 = arith.index_cast %parallel_loop3A_54 : i32 to index
      %parallel_loop3A_56 = tpu.vector_load %arg9[%parallel_loop3A_55] {strides = array<i32>} : memref<256xi32, #tpu.memory_space<vmem>>, vector<16xi32>,
      tpu.vector_store_idx %arg6[%parallel_loop3A_52, %parallel_loop3A_56], %broadcast_in_dim3A_4 : memref<256x41xf32, #tpu.memory_space<vmem>>[vector<16xi32>, vector<16xi32>], vector<16xf32>,
      %parallel_loop3A_57 = arith.constant 16 : i32
      %parallel_loop3A_58 = arith.muli %parallel_loop3A_48, %parallel_loop3A_57 : i32
      %parallel_loop3A_59 = arith.index_cast %parallel_loop3A_58 : i32 to index
      %parallel_loop3A_60 = tpu.vector_load %arg10[%parallel_loop3A_59] {strides = array<i32>} : memref<256xi32, #tpu.memory_space<vmem>>, vector<16xi32>,
      tpu.vector_store_idx %arg6[%parallel_loop3A_52, %parallel_loop3A_60], %broadcast_in_dim3A_4 : memref<256x41xf32, #tpu.memory_space<vmem>>[vector<16xi32>, vector<16xi32>], vector<16xf32>,
      %parallel_loop3A_61 = arith.constant 16 : i32
      %parallel_loop3A_62 = arith.muli %parallel_loop3A_48, %parallel_loop3A_61 : i32
      %parallel_loop3A_63 = arith.constant 256 : i32
      %parallel_loop3A_64 = arith.addi %parallel_loop3A_63, %parallel_loop3A_62 : i32
      %parallel_loop3A_65 = arith.index_cast %parallel_loop3A_64 : i32 to index
      %parallel_loop3A_66 = tpu.vector_load %arg4[%parallel_loop3A_65] {strides = array<i32>} : memref<32768xf32, #tpu.memory_space<vmem>>, vector<16xf32>,
      %parallel_loop3A_67 = math.absf %parallel_loop3A_66 : vector<16xf32>
      %parallel_loop3A_68 = arith.constant 1.000000e+00 : f32
      %parallel_loop3A_69 = vector.broadcast %parallel_loop3A_68 : f32 to vector<16xf32>
      %parallel_loop3A_70 = arith.addf %parallel_loop3A_67, %parallel_loop3A_69 : vector<16xf32>
      %parallel_loop3A_71 = tpu.bitcast %parallel_loop3A_70 : vector<16xf32> -> vector<16xi32>
      %parallel_loop3A_72 = arith.constant 23 : i32
      %parallel_loop3A_73 = vector.broadcast %parallel_loop3A_72 : i32 to vector<16xi32>
      %parallel_loop3A_74 = arith.shrui %parallel_loop3A_71, %parallel_loop3A_73 : vector<16xi32>
      %parallel_loop3A_75 = arith.constant 127 : i32
      %parallel_loop3A_76 = vector.broadcast %parallel_loop3A_75 : i32 to vector<16xi32>
      %parallel_loop3A_77 = arith.subi %parallel_loop3A_74, %parallel_loop3A_76 : vector<16xi32>
      %parallel_loop3A_78 = arith.constant 8388607 : i32
      %parallel_loop3A_79 = vector.broadcast %parallel_loop3A_78 : i32 to vector<16xi32>
      %parallel_loop3A_80 = arith.andi %parallel_loop3A_71, %parallel_loop3A_79 : vector<16xi32>
      %parallel_loop3A_81 = arith.constant 1065353216 : i32
      %parallel_loop3A_82 = vector.broadcast %parallel_loop3A_81 : i32 to vector<16xi32>
      %parallel_loop3A_83 = arith.ori %parallel_loop3A_80, %parallel_loop3A_82 : vector<16xi32>
      %parallel_loop3A_84 = tpu.bitcast %parallel_loop3A_83 : vector<16xi32> -> vector<16xf32>
      %parallel_loop3A_85 = arith.constant 1.41421354 : f32
      %parallel_loop3A_86 = vector.broadcast %parallel_loop3A_85 : f32 to vector<16xf32>
      %parallel_loop3A_87 = arith.cmpf ogt, %parallel_loop3A_84, %parallel_loop3A_86 : vector<16xf32>
      %parallel_loop3A_88 = arith.constant 5.000000e-01 : f32
      %parallel_loop3A_89 = vector.broadcast %parallel_loop3A_88 : f32 to vector<16xf32>
      %parallel_loop3A_90 = arith.mulf %parallel_loop3A_84, %parallel_loop3A_89 : vector<16xf32>
      %parallel_loop3A_91 = arith.select %parallel_loop3A_87, %parallel_loop3A_90, %parallel_loop3A_84 : vector<16xi1>, vector<16xf32>
      %parallel_loop3A_92 = arith.constant 1 : i32
      %parallel_loop3A_93 = arith.constant 0 : i32
      %parallel_loop3A_94 = vector.broadcast %parallel_loop3A_92 : i32 to vector<16xi32>
      %parallel_loop3A_95 = vector.broadcast %parallel_loop3A_93 : i32 to vector<16xi32>
      %parallel_loop3A_96 = arith.select %parallel_loop3A_87, %parallel_loop3A_94, %parallel_loop3A_95 : vector<16xi1>, vector<16xi32>
      %parallel_loop3A_97 = arith.addi %parallel_loop3A_77, %parallel_loop3A_96 : vector<16xi32>
      %parallel_loop3A_98 = arith.constant 1.000000e+00 : f32
      %parallel_loop3A_99 = vector.broadcast %parallel_loop3A_98 : f32 to vector<16xf32>
      %parallel_loop3A_100 = arith.subf %parallel_loop3A_91, %parallel_loop3A_99 : vector<16xf32>
      %parallel_loop3A_101 = arith.constant 1.000000e+00 : f32
      %parallel_loop3A_102 = vector.broadcast %parallel_loop3A_101 : f32 to vector<16xf32>
      %parallel_loop3A_103 = arith.addf %parallel_loop3A_91, %parallel_loop3A_102 : vector<16xf32>
      %parallel_loop3A_104 = arith.divf %parallel_loop3A_100, %parallel_loop3A_103 : vector<16xf32>
      %parallel_loop3A_105 = arith.mulf %parallel_loop3A_104, %parallel_loop3A_104 : vector<16xf32>
      %parallel_loop3A_106 = arith.constant 2.000000e+00 : f32
      %parallel_loop3A_107 = vector.broadcast %parallel_loop3A_106 : f32 to vector<16xf32>
      %parallel_loop3A_108 = arith.mulf %parallel_loop3A_107, %parallel_loop3A_104 : vector<16xf32>
      %parallel_loop3A_109 = arith.constant 0.142857149 : f32
      %parallel_loop3A_110 = vector.broadcast %parallel_loop3A_109 : f32 to vector<16xf32>
      %parallel_loop3A_111 = arith.mulf %parallel_loop3A_105, %parallel_loop3A_110 : vector<16xf32>
      %parallel_loop3A_112 = arith.constant 2.000000e-01 : f32
      %parallel_loop3A_113 = vector.broadcast %parallel_loop3A_112 : f32 to vector<16xf32>
      %parallel_loop3A_114 = arith.addf %parallel_loop3A_113, %parallel_loop3A_111 : vector<16xf32>
      %parallel_loop3A_115 = arith.mulf %parallel_loop3A_105, %parallel_loop3A_114 : vector<16xf32>
      %parallel_loop3A_116 = arith.constant 0.333333343 : f32
      %parallel_loop3A_117 = vector.broadcast %parallel_loop3A_116 : f32 to vector<16xf32>
      %parallel_loop3A_118 = arith.addf %parallel_loop3A_117, %parallel_loop3A_115 : vector<16xf32>
      %parallel_loop3A_119 = arith.mulf %parallel_loop3A_105, %parallel_loop3A_118 : vector<16xf32>
      %parallel_loop3A_120 = arith.constant 1.000000e+00 : f32
      %parallel_loop3A_121 = vector.broadcast %parallel_loop3A_120 : f32 to vector<16xf32>
      %parallel_loop3A_122 = arith.addf %parallel_loop3A_121, %parallel_loop3A_119 : vector<16xf32>
      %parallel_loop3A_123 = arith.mulf %parallel_loop3A_108, %parallel_loop3A_122 : vector<16xf32>
      %parallel_loop3A_124 = arith.sitofp %parallel_loop3A_97 : vector<16xi32> to vector<16xf32>
      %parallel_loop3A_125 = arith.constant 0.693147182 : f32
      %parallel_loop3A_126 = vector.broadcast %parallel_loop3A_125 : f32 to vector<16xf32>
      %parallel_loop3A_127 = arith.mulf %parallel_loop3A_124, %parallel_loop3A_126 : vector<16xf32>
      %parallel_loop3A_128 = arith.addf %parallel_loop3A_127, %parallel_loop3A_123 : vector<16xf32>
      %parallel_loop3A_129 = tpu.bitcast %parallel_loop3A_66 : vector<16xf32> -> vector<16xi32>
      %parallel_loop3A_130 = arith.constant -2147483648 : i32
      %parallel_loop3A_131 = vector.broadcast %parallel_loop3A_130 : i32 to vector<16xi32>
      %parallel_loop3A_132 = arith.andi %parallel_loop3A_129, %parallel_loop3A_131 : vector<16xi32>
      %parallel_loop3A_133 = tpu.bitcast %parallel_loop3A_128 : vector<16xf32> -> vector<16xi32>
      %parallel_loop3A_134 = arith.ori %parallel_loop3A_133, %parallel_loop3A_132 : vector<16xi32>
      %parallel_loop3A_135 = tpu.bitcast %parallel_loop3A_134 : vector<16xi32> -> vector<16xf32>
      %parallel_loop3A_136 = arith.constant -2.000000e+01 : f32
      %parallel_loop3A_137 = vector.broadcast %parallel_loop3A_136 : f32 to vector<16xf32>
      %parallel_loop3A_138 = arith.maximumf %parallel_loop3A_135, %parallel_loop3A_137 : vector<16xf32>
      %parallel_loop3A_139 = arith.constant 2.000000e+01 : f32
      %parallel_loop3A_140 = vector.broadcast %parallel_loop3A_139 : f32 to vector<16xf32>
      %parallel_loop3A_141 = arith.minimumf %parallel_loop3A_138, %parallel_loop3A_140 : vector<16xf32>
      %parallel_loop3A_142 = arith.fptosi %parallel_loop3A_141 : vector<16xf32> to vector<16xi32>
      %parallel_loop3A_143 = arith.sitofp %parallel_loop3A_142 : vector<16xi32> to vector<16xf32>
      %parallel_loop3A_144 = arith.cmpf olt, %parallel_loop3A_141, %parallel_loop3A_143 : vector<16xf32>
      %parallel_loop3A_145 = arith.constant 1.000000e+00 : f32
      %parallel_loop3A_146 = vector.broadcast %parallel_loop3A_145 : f32 to vector<16xf32>
      %parallel_loop3A_147 = arith.subf %parallel_loop3A_143, %parallel_loop3A_146 : vector<16xf32>
      %parallel_loop3A_148 = arith.select %parallel_loop3A_144, %parallel_loop3A_147, %parallel_loop3A_143 : vector<16xi1>, vector<16xf32>
      %parallel_loop3A_149 = arith.constant 1 : i32
      %parallel_loop3A_150 = vector.broadcast %parallel_loop3A_149 : i32 to vector<16xi32>
      %parallel_loop3A_151 = arith.subi %parallel_loop3A_142, %parallel_loop3A_150 : vector<16xi32>
      %parallel_loop3A_152 = arith.select %parallel_loop3A_144, %parallel_loop3A_151, %parallel_loop3A_142 : vector<16xi1>, vector<16xi32>
      %parallel_loop3A_153 = arith.subf %parallel_loop3A_141, %parallel_loop3A_148 : vector<16xf32>
      %parallel_loop3A_154 = arith.constant 20 : i32
      %parallel_loop3A_155 = vector.broadcast %parallel_loop3A_154 : i32 to vector<16xi32>
      %parallel_loop3A_156 = arith.addi %parallel_loop3A_152, %parallel_loop3A_155 : vector<16xi32>
      %parallel_loop3A_157 = arith.constant 1 : i32
      %parallel_loop3A_158 = vector.broadcast %parallel_loop3A_157 : i32 to vector<16xi32>
      %parallel_loop3A_159 = arith.addi %parallel_loop3A_156, %parallel_loop3A_158 : vector<16xi32>
      %parallel_loop3A_160 = arith.constant 41 : i32
      %parallel_loop3A_161 = vector.broadcast %parallel_loop3A_160 : i32 to vector<16xi32>
      %parallel_loop3A_162 = arith.cmpi slt, %parallel_loop3A_159, %parallel_loop3A_161 : vector<16xi32>
      %parallel_loop3A_163 = arith.constant 0.000000e+00 : f32
      %parallel_loop3A_164 = vector.broadcast %parallel_loop3A_163 : f32 to vector<16xf32>
      %parallel_loop3A_165 = arith.select %parallel_loop3A_162, %parallel_loop3A_153, %parallel_loop3A_164 : vector<16xi1>, vector<16xf32>
      %parallel_loop3A_166 = arith.constant 40 : i32
      %parallel_loop3A_167 = vector.broadcast %parallel_loop3A_166 : i32 to vector<16xi32>
      %parallel_loop3A_168 = arith.minsi %parallel_loop3A_159, %parallel_loop3A_167 : vector<16xi32>
      %parallel_loop3A_169 = arith.constant 1.000000e+00 : f32
      %parallel_loop3A_170 = vector.broadcast %parallel_loop3A_169 : f32 to vector<16xf32>
      %parallel_loop3A_171 = arith.subf %parallel_loop3A_170, %parallel_loop3A_153 : vector<16xf32>
      tpu.vector_store_idx %arg6[%parallel_loop3A_52, %parallel_loop3A_168], %parallel_loop3A_165 : memref<256x41xf32, #tpu.memory_space<vmem>>[vector<16xi32>, vector<16xi32>], vector<16xf32>,
      tpu.vector_store_idx %arg6[%parallel_loop3A_52, %parallel_loop3A_156], %parallel_loop3A_171 : memref<256x41xf32, #tpu.memory_space<vmem>>[vector<16xi32>, vector<16xi32>], vector<16xf32>,
      %parallel_loop3A_172 = arith.constant 16 : i32
      %parallel_loop3A_173 = arith.muli %parallel_loop3A_48, %parallel_loop3A_172 : i32
      %parallel_loop3A_174 = arith.index_cast %parallel_loop3A_173 : i32 to index
      %parallel_loop3A_175 = tpu.vector_load %arg9[%parallel_loop3A_174] {strides = array<i32>} : memref<256xi32, #tpu.memory_space<vmem>>, vector<16xi32>,
      tpu.vector_store %arg9[%parallel_loop3A_174], %parallel_loop3A_156 {strides = array<i32>} : memref<256xi32, #tpu.memory_space<vmem>>, vector<16xi32>,
      %parallel_loop3A_176 = arith.constant 16 : i32
      %parallel_loop3A_177 = arith.muli %parallel_loop3A_48, %parallel_loop3A_176 : i32
      %parallel_loop3A_178 = arith.index_cast %parallel_loop3A_177 : i32 to index
      %parallel_loop3A_179 = tpu.vector_load %arg10[%parallel_loop3A_178] {strides = array<i32>} : memref<256xi32, #tpu.memory_space<vmem>>, vector<16xi32>,
      tpu.vector_store %arg10[%parallel_loop3A_178], %parallel_loop3A_168 {strides = array<i32>} : memref<256xi32, #tpu.memory_space<vmem>>, vector<16xi32>,
    } {sc.loop_unroll_factor = 8 : i64, sc.parallel_access}
    %add3A_25 = arith.constant 256 : i32
    %add3A_26 = arith.addi %mul3A_2, %add3A_25 : i32
    %dma_start3A_27 = arith.constant 0 : i32
    %dma_start3A_28 = tpu.memref_slice %arg3[%add3A_26, %dma_start3A_27] : memref<1048576x41xf32, #tpu.memory_space<hbm>> -> memref<256x41xf32, #tpu.memory_space<hbm>>
    %dma_start3A_29 = arith.constant 0 : i32
    %dma_start3A_30 = tpu.memref_slice %arg3[%add3A_26, %dma_start3A_29] : memref<1048576x41xf32, #tpu.memory_space<hbm>> -> memref<256x41xf32, #tpu.memory_space<hbm>>
    tpu.enqueue_dma source(%arg6 : memref<256x41xf32, #tpu.memory_space<vmem>>) target(%dma_start3A_30 : memref<256x41xf32, #tpu.memory_space<hbm>>) target_semaphore(%arg13 : memref<!tpu.dma_semaphore, #tpu.memory_space<semaphore_mem>>)
    %scan3A = arith.constant 0 : i32
    %scan3A_31 = arith.constant 1 : i32
    %scan3A_32 = arith.constant 63 : i32
    %scan3A_33 = arith.addi %scan3A_31, %scan3A_32 : i32
    %scan3A_34 = arith.constant 1 : i32
    scf.for %scan3A_48 = %scan3A_31 to %scan3A_33 step %scan3A_34  : i32 {
      %mul3A_49 = arith.constant 2 : i32
      %mul3A_50 = arith.muli %scan3A_48, %mul3A_49 : i32
      %sub3A = arith.constant 2 : i32
      %sub3A_51 = arith.subi %mul3A_50, %sub3A : i32
      %mul3A_52 = arith.constant 256 : i32
      %mul3A_53 = arith.muli %sub3A_51, %mul3A_52 : i32
      %add3A_54 = arith.addi %mul3A_2, %mul3A_53 : i32
      %dma_wait3A_55 = arith.constant 0 : i32
      %dma_wait3A_56 = tpu.memref_slice %arg3[%add3A_54, %dma_wait3A_55] : memref<1048576x41xf32, #tpu.memory_space<hbm>> -> memref<256x41xf32, #tpu.memory_space<hbm>>
      %dma_wait3A_57 = arith.constant 0 : i32
      %dma_wait3A_58 = tpu.memref_slice %arg3[%add3A_54, %dma_wait3A_57] : memref<1048576x41xf32, #tpu.memory_space<hbm>> -> memref<256x41xf32, #tpu.memory_space<hbm>>
      tpu.wait_dma2 semaphore(%arg12 : memref<!tpu.dma_semaphore, #tpu.memory_space<semaphore_mem>>) src(%arg5 : memref<256x41xf32, #tpu.memory_space<vmem>>) dst(%dma_wait3A_58 : memref<256x41xf32, #tpu.memory_space<hbm>>)
      %parallel_loop3A_59 = arith.constant 0 : i32
      %parallel_loop3A_60 = arith.constant 16 : i32
      %parallel_loop3A_61 = arith.constant 1 : i32
      scf.for %parallel_loop3A_92 = %parallel_loop3A_59 to %parallel_loop3A_60 step %parallel_loop3A_61  : i32 {
        %parallel_loop3A_93 = arith.constant 16 : i32
        %parallel_loop3A_94 = arith.muli %parallel_loop3A_92, %parallel_loop3A_93 : i32
        %parallel_loop3A_95 = vector.broadcast %parallel_loop3A_94 : i32 to vector<16xi32>
        %parallel_loop3A_96 = arith.addi %parallel_loop3A_95, %iota3A : vector<16xi32>
        %parallel_loop3A_97 = arith.constant 16 : i32
        %parallel_loop3A_98 = arith.muli %parallel_loop3A_92, %parallel_loop3A_97 : i32
        %parallel_loop3A_99 = arith.index_cast %parallel_loop3A_98 : i32 to index
        %parallel_loop3A_100 = tpu.vector_load %arg7[%parallel_loop3A_99] {strides = array<i32>} : memref<256xi32, #tpu.memory_space<vmem>>, vector<16xi32>,
        tpu.vector_store_idx %arg5[%parallel_loop3A_96, %parallel_loop3A_100], %broadcast_in_dim3A_4 : memref<256x41xf32, #tpu.memory_space<vmem>>[vector<16xi32>, vector<16xi32>], vector<16xf32>,
        %parallel_loop3A_101 = arith.constant 16 : i32
        %parallel_loop3A_102 = arith.muli %parallel_loop3A_92, %parallel_loop3A_101 : i32
        %parallel_loop3A_103 = arith.index_cast %parallel_loop3A_102 : i32 to index
        %parallel_loop3A_104 = tpu.vector_load %arg8[%parallel_loop3A_103] {strides = array<i32>} : memref<256xi32, #tpu.memory_space<vmem>>, vector<16xi32>,
        tpu.vector_store_idx %arg5[%parallel_loop3A_96, %parallel_loop3A_104], %broadcast_in_dim3A_4 : memref<256x41xf32, #tpu.memory_space<vmem>>[vector<16xi32>, vector<16xi32>], vector<16xf32>,
        %parallel_loop3A_105 = arith.constant 256 : i32
        %parallel_loop3A_106 = arith.muli %mul3A_50, %parallel_loop3A_105 : i32
        %parallel_loop3A_107 = arith.constant 16 : i32
        %parallel_loop3A_108 = arith.muli %parallel_loop3A_92, %parallel_loop3A_107 : i32
        %parallel_loop3A_109 = arith.addi %parallel_loop3A_106, %parallel_loop3A_108 : i32
        %parallel_loop3A_110 = arith.index_cast %parallel_loop3A_109 : i32 to index
        %parallel_loop3A_111 = tpu.vector_load %arg4[%parallel_loop3A_110] {strides = array<i32>} : memref<32768xf32, #tpu.memory_space<vmem>>, vector<16xf32>,
        %parallel_loop3A_112 = math.absf %parallel_loop3A_111 : vector<16xf32>
        %parallel_loop3A_113 = arith.constant 1.000000e+00 : f32
        %parallel_loop3A_114 = vector.broadcast %parallel_loop3A_113 : f32 to vector<16xf32>
        %parallel_loop3A_115 = arith.addf %parallel_loop3A_112, %parallel_loop3A_114 : vector<16xf32>
        %parallel_loop3A_116 = tpu.bitcast %parallel_loop3A_115 : vector<16xf32> -> vector<16xi32>
        %parallel_loop3A_117 = arith.constant 23 : i32
        %parallel_loop3A_118 = vector.broadcast %parallel_loop3A_117 : i32 to vector<16xi32>
        %parallel_loop3A_119 = arith.shrui %parallel_loop3A_116, %parallel_loop3A_118 : vector<16xi32>
        %parallel_loop3A_120 = arith.constant 127 : i32
        %parallel_loop3A_121 = vector.broadcast %parallel_loop3A_120 : i32 to vector<16xi32>
        %parallel_loop3A_122 = arith.subi %parallel_loop3A_119, %parallel_loop3A_121 : vector<16xi32>
        %parallel_loop3A_123 = arith.constant 8388607 : i32
        %parallel_loop3A_124 = vector.broadcast %parallel_loop3A_123 : i32 to vector<16xi32>
        %parallel_loop3A_125 = arith.andi %parallel_loop3A_116, %parallel_loop3A_124 : vector<16xi32>
        %parallel_loop3A_126 = arith.constant 1065353216 : i32
        %parallel_loop3A_127 = vector.broadcast %parallel_loop3A_126 : i32 to vector<16xi32>
        %parallel_loop3A_128 = arith.ori %parallel_loop3A_125, %parallel_loop3A_127 : vector<16xi32>
        %parallel_loop3A_129 = tpu.bitcast %parallel_loop3A_128 : vector<16xi32> -> vector<16xf32>
        %parallel_loop3A_130 = arith.constant 1.41421354 : f32
        %parallel_loop3A_131 = vector.broadcast %parallel_loop3A_130 : f32 to vector<16xf32>
        %parallel_loop3A_132 = arith.cmpf ogt, %parallel_loop3A_129, %parallel_loop3A_131 : vector<16xf32>
        %parallel_loop3A_133 = arith.constant 5.000000e-01 : f32
        %parallel_loop3A_134 = vector.broadcast %parallel_loop3A_133 : f32 to vector<16xf32>
        %parallel_loop3A_135 = arith.mulf %parallel_loop3A_129, %parallel_loop3A_134 : vector<16xf32>
        %parallel_loop3A_136 = arith.select %parallel_loop3A_132, %parallel_loop3A_135, %parallel_loop3A_129 : vector<16xi1>, vector<16xf32>
        %parallel_loop3A_137 = arith.constant 1 : i32
        %parallel_loop3A_138 = arith.constant 0 : i32
        %parallel_loop3A_139 = vector.broadcast %parallel_loop3A_137 : i32 to vector<16xi32>
        %parallel_loop3A_140 = vector.broadcast %parallel_loop3A_138 : i32 to vector<16xi32>
        %parallel_loop3A_141 = arith.select %parallel_loop3A_132, %parallel_loop3A_139, %parallel_loop3A_140 : vector<16xi1>, vector<16xi32>
        %parallel_loop3A_142 = arith.addi %parallel_loop3A_122, %parallel_loop3A_141 : vector<16xi32>
        %parallel_loop3A_143 = arith.constant 1.000000e+00 : f32
        %parallel_loop3A_144 = vector.broadcast %parallel_loop3A_143 : f32 to vector<16xf32>
        %parallel_loop3A_145 = arith.subf %parallel_loop3A_136, %parallel_loop3A_144 : vector<16xf32>
        %parallel_loop3A_146 = arith.constant 1.000000e+00 : f32
        %parallel_loop3A_147 = vector.broadcast %parallel_loop3A_146 : f32 to vector<16xf32>
        %parallel_loop3A_148 = arith.addf %parallel_loop3A_136, %parallel_loop3A_147 : vector<16xf32>
        %parallel_loop3A_149 = arith.divf %parallel_loop3A_145, %parallel_loop3A_148 : vector<16xf32>
        %parallel_loop3A_150 = arith.mulf %parallel_loop3A_149, %parallel_loop3A_149 : vector<16xf32>
        %parallel_loop3A_151 = arith.constant 2.000000e+00 : f32
        %parallel_loop3A_152 = vector.broadcast %parallel_loop3A_151 : f32 to vector<16xf32>
        %parallel_loop3A_153 = arith.mulf %parallel_loop3A_152, %parallel_loop3A_149 : vector<16xf32>
        %parallel_loop3A_154 = arith.constant 0.142857149 : f32
        %parallel_loop3A_155 = vector.broadcast %parallel_loop3A_154 : f32 to vector<16xf32>
        %parallel_loop3A_156 = arith.mulf %parallel_loop3A_150, %parallel_loop3A_155 : vector<16xf32>
        %parallel_loop3A_157 = arith.constant 2.000000e-01 : f32
        %parallel_loop3A_158 = vector.broadcast %parallel_loop3A_157 : f32 to vector<16xf32>
        %parallel_loop3A_159 = arith.addf %parallel_loop3A_158, %parallel_loop3A_156 : vector<16xf32>
        %parallel_loop3A_160 = arith.mulf %parallel_loop3A_150, %parallel_loop3A_159 : vector<16xf32>
        %parallel_loop3A_161 = arith.constant 0.333333343 : f32
        %parallel_loop3A_162 = vector.broadcast %parallel_loop3A_161 : f32 to vector<16xf32>
        %parallel_loop3A_163 = arith.addf %parallel_loop3A_162, %parallel_loop3A_160 : vector<16xf32>
        %parallel_loop3A_164 = arith.mulf %parallel_loop3A_150, %parallel_loop3A_163 : vector<16xf32>
        %parallel_loop3A_165 = arith.constant 1.000000e+00 : f32
        %parallel_loop3A_166 = vector.broadcast %parallel_loop3A_165 : f32 to vector<16xf32>
        %parallel_loop3A_167 = arith.addf %parallel_loop3A_166, %parallel_loop3A_164 : vector<16xf32>
        %parallel_loop3A_168 = arith.mulf %parallel_loop3A_153, %parallel_loop3A_167 : vector<16xf32>
        %parallel_loop3A_169 = arith.sitofp %parallel_loop3A_142 : vector<16xi32> to vector<16xf32>
        %parallel_loop3A_170 = arith.constant 0.693147182 : f32
        %parallel_loop3A_171 = vector.broadcast %parallel_loop3A_170 : f32 to vector<16xf32>
        %parallel_loop3A_172 = arith.mulf %parallel_loop3A_169, %parallel_loop3A_171 : vector<16xf32>
        %parallel_loop3A_173 = arith.addf %parallel_loop3A_172, %parallel_loop3A_168 : vector<16xf32>
        %parallel_loop3A_174 = tpu.bitcast %parallel_loop3A_111 : vector<16xf32> -> vector<16xi32>
        %parallel_loop3A_175 = arith.constant -2147483648 : i32
        %parallel_loop3A_176 = vector.broadcast %parallel_loop3A_175 : i32 to vector<16xi32>
        %parallel_loop3A_177 = arith.andi %parallel_loop3A_174, %parallel_loop3A_176 : vector<16xi32>
        %parallel_loop3A_178 = tpu.bitcast %parallel_loop3A_173 : vector<16xf32> -> vector<16xi32>
        %parallel_loop3A_179 = arith.ori %parallel_loop3A_178, %parallel_loop3A_177 : vector<16xi32>
        %parallel_loop3A_180 = tpu.bitcast %parallel_loop3A_179 : vector<16xi32> -> vector<16xf32>
        %parallel_loop3A_181 = arith.constant -2.000000e+01 : f32
        %parallel_loop3A_182 = vector.broadcast %parallel_loop3A_181 : f32 to vector<16xf32>
        %parallel_loop3A_183 = arith.maximumf %parallel_loop3A_180, %parallel_loop3A_182 : vector<16xf32>
        %parallel_loop3A_184 = arith.constant 2.000000e+01 : f32
        %parallel_loop3A_185 = vector.broadcast %parallel_loop3A_184 : f32 to vector<16xf32>
        %parallel_loop3A_186 = arith.minimumf %parallel_loop3A_183, %parallel_loop3A_185 : vector<16xf32>
        %parallel_loop3A_187 = arith.fptosi %parallel_loop3A_186 : vector<16xf32> to vector<16xi32>
        %parallel_loop3A_188 = arith.sitofp %parallel_loop3A_187 : vector<16xi32> to vector<16xf32>
        %parallel_loop3A_189 = arith.cmpf olt, %parallel_loop3A_186, %parallel_loop3A_188 : vector<16xf32>
        %parallel_loop3A_190 = arith.constant 1.000000e+00 : f32
        %parallel_loop3A_191 = vector.broadcast %parallel_loop3A_190 : f32 to vector<16xf32>
        %parallel_loop3A_192 = arith.subf %parallel_loop3A_188, %parallel_loop3A_191 : vector<16xf32>
        %parallel_loop3A_193 = arith.select %parallel_loop3A_189, %parallel_loop3A_192, %parallel_loop3A_188 : vector<16xi1>, vector<16xf32>
        %parallel_loop3A_194 = arith.constant 1 : i32
        %parallel_loop3A_195 = vector.broadcast %parallel_loop3A_194 : i32 to vector<16xi32>
        %parallel_loop3A_196 = arith.subi %parallel_loop3A_187, %parallel_loop3A_195 : vector<16xi32>
        %parallel_loop3A_197 = arith.select %parallel_loop3A_189, %parallel_loop3A_196, %parallel_loop3A_187 : vector<16xi1>, vector<16xi32>
        %parallel_loop3A_198 = arith.subf %parallel_loop3A_186, %parallel_loop3A_193 : vector<16xf32>
        %parallel_loop3A_199 = arith.constant 20 : i32
        %parallel_loop3A_200 = vector.broadcast %parallel_loop3A_199 : i32 to vector<16xi32>
        %parallel_loop3A_201 = arith.addi %parallel_loop3A_197, %parallel_loop3A_200 : vector<16xi32>
        %parallel_loop3A_202 = arith.constant 1 : i32
        %parallel_loop3A_203 = vector.broadcast %parallel_loop3A_202 : i32 to vector<16xi32>
        %parallel_loop3A_204 = arith.addi %parallel_loop3A_201, %parallel_loop3A_203 : vector<16xi32>
        %parallel_loop3A_205 = arith.constant 41 : i32
        %parallel_loop3A_206 = vector.broadcast %parallel_loop3A_205 : i32 to vector<16xi32>
        %parallel_loop3A_207 = arith.cmpi slt, %parallel_loop3A_204, %parallel_loop3A_206 : vector<16xi32>
        %parallel_loop3A_208 = arith.constant 0.000000e+00 : f32
        %parallel_loop3A_209 = vector.broadcast %parallel_loop3A_208 : f32 to vector<16xf32>
        %parallel_loop3A_210 = arith.select %parallel_loop3A_207, %parallel_loop3A_198, %parallel_loop3A_209 : vector<16xi1>, vector<16xf32>
        %parallel_loop3A_211 = arith.constant 40 : i32
        %parallel_loop3A_212 = vector.broadcast %parallel_loop3A_211 : i32 to vector<16xi32>
        %parallel_loop3A_213 = arith.minsi %parallel_loop3A_204, %parallel_loop3A_212 : vector<16xi32>
        %parallel_loop3A_214 = arith.constant 1.000000e+00 : f32
        %parallel_loop3A_215 = vector.broadcast %parallel_loop3A_214 : f32 to vector<16xf32>
        %parallel_loop3A_216 = arith.subf %parallel_loop3A_215, %parallel_loop3A_198 : vector<16xf32>
        tpu.vector_store_idx %arg5[%parallel_loop3A_96, %parallel_loop3A_213], %parallel_loop3A_210 : memref<256x41xf32, #tpu.memory_space<vmem>>[vector<16xi32>, vector<16xi32>], vector<16xf32>,
        tpu.vector_store_idx %arg5[%parallel_loop3A_96, %parallel_loop3A_201], %parallel_loop3A_216 : memref<256x41xf32, #tpu.memory_space<vmem>>[vector<16xi32>, vector<16xi32>], vector<16xf32>,
        %parallel_loop3A_217 = arith.constant 16 : i32
        %parallel_loop3A_218 = arith.muli %parallel_loop3A_92, %parallel_loop3A_217 : i32
        %parallel_loop3A_219 = arith.index_cast %parallel_loop3A_218 : i32 to index
        %parallel_loop3A_220 = tpu.vector_load %arg7[%parallel_loop3A_219] {strides = array<i32>} : memref<256xi32, #tpu.memory_space<vmem>>, vector<16xi32>,
        tpu.vector_store %arg7[%parallel_loop3A_219], %parallel_loop3A_201 {strides = array<i32>} : memref<256xi32, #tpu.memory_space<vmem>>, vector<16xi32>,
        %parallel_loop3A_221 = arith.constant 16 : i32
        %parallel_loop3A_222 = arith.muli %parallel_loop3A_92, %parallel_loop3A_221 : i32
        %parallel_loop3A_223 = arith.index_cast %parallel_loop3A_222 : i32 to index
        %parallel_loop3A_224 = tpu.vector_load %arg8[%parallel_loop3A_223] {strides = array<i32>} : memref<256xi32, #tpu.memory_space<vmem>>, vector<16xi32>,
        tpu.vector_store %arg8[%parallel_loop3A_223], %parallel_loop3A_213 {strides = array<i32>} : memref<256xi32, #tpu.memory_space<vmem>>, vector<16xi32>,
      } {sc.loop_unroll_factor = 8 : i64, sc.parallel_access}
      %mul3A_62 = arith.constant 256 : i32
      %mul3A_63 = arith.muli %mul3A_50, %mul3A_62 : i32
      %add3A_64 = arith.addi %mul3A_2, %mul3A_63 : i32
      %dma_start3A_65 = arith.constant 0 : i32
      %dma_start3A_66 = tpu.memref_slice %arg3[%add3A_64, %dma_start3A_65] : memref<1048576x41xf32, #tpu.memory_space<hbm>> -> memref<256x41xf32, #tpu.memory_space<hbm>>
      %dma_start3A_67 = arith.constant 0 : i32
      %dma_start3A_68 = tpu.memref_slice %arg3[%add3A_64, %dma_start3A_67] : memref<1048576x41xf32, #tpu.memory_space<hbm>> -> memref<256x41xf32, #tpu.memory_space<hbm>>
      tpu.enqueue_dma source(%arg5 : memref<256x41xf32, #tpu.memory_space<vmem>>) target(%dma_start3A_68 : memref<256x41xf32, #tpu.memory_space<hbm>>) target_semaphore(%arg12 : memref<!tpu.dma_semaphore, #tpu.memory_space<semaphore_mem>>)
      %mul3A_69 = arith.constant 2 : i32
      %mul3A_70 = arith.muli %scan3A_48, %mul3A_69 : i32
      %add3A_71 = arith.constant 1 : i32
      %add3A_72 = arith.addi %mul3A_70, %add3A_71 : i32
      %sub3A_73 = arith.constant 2 : i32
      %sub3A_74 = arith.subi %add3A_72, %sub3A_73 : i32
      %mul3A_75 = arith.constant 256 : i32
      %mul3A_76 = arith.muli %sub3A_74, %mul3A_75 : i32
      %add3A_77 = arith.addi %mul3A_2, %mul3A_76 : i32
      %dma_wait3A_78 = arith.constant 0 : i32
      %dma_wait3A_79 = tpu.memref_slice %arg3[%add3A_77, %dma_wait3A_78] : memref<1048576x41xf32, #tpu.memory_space<hbm>> -> memref<256x41xf32, #tpu.memory_space<hbm>>
      %dma_wait3A_80 = arith.constant 0 : i32
      %dma_wait3A_81 = tpu.memref_slice %arg3[%add3A_77, %dma_wait3A_80] : memref<1048576x41xf32, #tpu.memory_space<hbm>> -> memref<256x41xf32, #tpu.memory_space<hbm>>
      tpu.wait_dma2 semaphore(%arg13 : memref<!tpu.dma_semaphore, #tpu.memory_space<semaphore_mem>>) src(%arg6 : memref<256x41xf32, #tpu.memory_space<vmem>>) dst(%dma_wait3A_81 : memref<256x41xf32, #tpu.memory_space<hbm>>)
      %parallel_loop3A_82 = arith.constant 0 : i32
      %parallel_loop3A_83 = arith.constant 16 : i32
      %parallel_loop3A_84 = arith.constant 1 : i32
      scf.for %parallel_loop3A_92 = %parallel_loop3A_82 to %parallel_loop3A_83 step %parallel_loop3A_84  : i32 {
        %parallel_loop3A_93 = arith.constant 16 : i32
        %parallel_loop3A_94 = arith.muli %parallel_loop3A_92, %parallel_loop3A_93 : i32
        %parallel_loop3A_95 = vector.broadcast %parallel_loop3A_94 : i32 to vector<16xi32>
        %parallel_loop3A_96 = arith.addi %parallel_loop3A_95, %iota3A : vector<16xi32>
        %parallel_loop3A_97 = arith.constant 16 : i32
        %parallel_loop3A_98 = arith.muli %parallel_loop3A_92, %parallel_loop3A_97 : i32
        %parallel_loop3A_99 = arith.index_cast %parallel_loop3A_98 : i32 to index
        %parallel_loop3A_100 = tpu.vector_load %arg9[%parallel_loop3A_99] {strides = array<i32>} : memref<256xi32, #tpu.memory_space<vmem>>, vector<16xi32>,
        tpu.vector_store_idx %arg6[%parallel_loop3A_96, %parallel_loop3A_100], %broadcast_in_dim3A_4 : memref<256x41xf32, #tpu.memory_space<vmem>>[vector<16xi32>, vector<16xi32>], vector<16xf32>,
        %parallel_loop3A_101 = arith.constant 16 : i32
        %parallel_loop3A_102 = arith.muli %parallel_loop3A_92, %parallel_loop3A_101 : i32
        %parallel_loop3A_103 = arith.index_cast %parallel_loop3A_102 : i32 to index
        %parallel_loop3A_104 = tpu.vector_load %arg10[%parallel_loop3A_103] {strides = array<i32>} : memref<256xi32, #tpu.memory_space<vmem>>, vector<16xi32>,
        tpu.vector_store_idx %arg6[%parallel_loop3A_96, %parallel_loop3A_104], %broadcast_in_dim3A_4 : memref<256x41xf32, #tpu.memory_space<vmem>>[vector<16xi32>, vector<16xi32>], vector<16xf32>,
        %parallel_loop3A_105 = arith.constant 256 : i32
        %parallel_loop3A_106 = arith.muli %add3A_72, %parallel_loop3A_105 : i32
        %parallel_loop3A_107 = arith.constant 16 : i32
        %parallel_loop3A_108 = arith.muli %parallel_loop3A_92, %parallel_loop3A_107 : i32
        %parallel_loop3A_109 = arith.addi %parallel_loop3A_106, %parallel_loop3A_108 : i32
        %parallel_loop3A_110 = arith.index_cast %parallel_loop3A_109 : i32 to index
        %parallel_loop3A_111 = tpu.vector_load %arg4[%parallel_loop3A_110] {strides = array<i32>} : memref<32768xf32, #tpu.memory_space<vmem>>, vector<16xf32>,
        %parallel_loop3A_112 = math.absf %parallel_loop3A_111 : vector<16xf32>
        %parallel_loop3A_113 = arith.constant 1.000000e+00 : f32
        %parallel_loop3A_114 = vector.broadcast %parallel_loop3A_113 : f32 to vector<16xf32>
        %parallel_loop3A_115 = arith.addf %parallel_loop3A_112, %parallel_loop3A_114 : vector<16xf32>
        %parallel_loop3A_116 = tpu.bitcast %parallel_loop3A_115 : vector<16xf32> -> vector<16xi32>
        %parallel_loop3A_117 = arith.constant 23 : i32
        %parallel_loop3A_118 = vector.broadcast %parallel_loop3A_117 : i32 to vector<16xi32>
        %parallel_loop3A_119 = arith.shrui %parallel_loop3A_116, %parallel_loop3A_118 : vector<16xi32>
        %parallel_loop3A_120 = arith.constant 127 : i32
        %parallel_loop3A_121 = vector.broadcast %parallel_loop3A_120 : i32 to vector<16xi32>
        %parallel_loop3A_122 = arith.subi %parallel_loop3A_119, %parallel_loop3A_121 : vector<16xi32>
        %parallel_loop3A_123 = arith.constant 8388607 : i32
        %parallel_loop3A_124 = vector.broadcast %parallel_loop3A_123 : i32 to vector<16xi32>
        %parallel_loop3A_125 = arith.andi %parallel_loop3A_116, %parallel_loop3A_124 : vector<16xi32>
        %parallel_loop3A_126 = arith.constant 1065353216 : i32
        %parallel_loop3A_127 = vector.broadcast %parallel_loop3A_126 : i32 to vector<16xi32>
        %parallel_loop3A_128 = arith.ori %parallel_loop3A_125, %parallel_loop3A_127 : vector<16xi32>
        %parallel_loop3A_129 = tpu.bitcast %parallel_loop3A_128 : vector<16xi32> -> vector<16xf32>
        %parallel_loop3A_130 = arith.constant 1.41421354 : f32
        %parallel_loop3A_131 = vector.broadcast %parallel_loop3A_130 : f32 to vector<16xf32>
        %parallel_loop3A_132 = arith.cmpf ogt, %parallel_loop3A_129, %parallel_loop3A_131 : vector<16xf32>
        %parallel_loop3A_133 = arith.constant 5.000000e-01 : f32
        %parallel_loop3A_134 = vector.broadcast %parallel_loop3A_133 : f32 to vector<16xf32>
        %parallel_loop3A_135 = arith.mulf %parallel_loop3A_129, %parallel_loop3A_134 : vector<16xf32>
        %parallel_loop3A_136 = arith.select %parallel_loop3A_132, %parallel_loop3A_135, %parallel_loop3A_129 : vector<16xi1>, vector<16xf32>
        %parallel_loop3A_137 = arith.constant 1 : i32
        %parallel_loop3A_138 = arith.constant 0 : i32
        %parallel_loop3A_139 = vector.broadcast %parallel_loop3A_137 : i32 to vector<16xi32>
        %parallel_loop3A_140 = vector.broadcast %parallel_loop3A_138 : i32 to vector<16xi32>
        %parallel_loop3A_141 = arith.select %parallel_loop3A_132, %parallel_loop3A_139, %parallel_loop3A_140 : vector<16xi1>, vector<16xi32>
        %parallel_loop3A_142 = arith.addi %parallel_loop3A_122, %parallel_loop3A_141 : vector<16xi32>
        %parallel_loop3A_143 = arith.constant 1.000000e+00 : f32
        %parallel_loop3A_144 = vector.broadcast %parallel_loop3A_143 : f32 to vector<16xf32>
        %parallel_loop3A_145 = arith.subf %parallel_loop3A_136, %parallel_loop3A_144 : vector<16xf32>
        %parallel_loop3A_146 = arith.constant 1.000000e+00 : f32
        %parallel_loop3A_147 = vector.broadcast %parallel_loop3A_146 : f32 to vector<16xf32>
        %parallel_loop3A_148 = arith.addf %parallel_loop3A_136, %parallel_loop3A_147 : vector<16xf32>
        %parallel_loop3A_149 = arith.divf %parallel_loop3A_145, %parallel_loop3A_148 : vector<16xf32>
        %parallel_loop3A_150 = arith.mulf %parallel_loop3A_149, %parallel_loop3A_149 : vector<16xf32>
        %parallel_loop3A_151 = arith.constant 2.000000e+00 : f32
        %parallel_loop3A_152 = vector.broadcast %parallel_loop3A_151 : f32 to vector<16xf32>
        %parallel_loop3A_153 = arith.mulf %parallel_loop3A_152, %parallel_loop3A_149 : vector<16xf32>
        %parallel_loop3A_154 = arith.constant 0.142857149 : f32
        %parallel_loop3A_155 = vector.broadcast %parallel_loop3A_154 : f32 to vector<16xf32>
        %parallel_loop3A_156 = arith.mulf %parallel_loop3A_150, %parallel_loop3A_155 : vector<16xf32>
        %parallel_loop3A_157 = arith.constant 2.000000e-01 : f32
        %parallel_loop3A_158 = vector.broadcast %parallel_loop3A_157 : f32 to vector<16xf32>
        %parallel_loop3A_159 = arith.addf %parallel_loop3A_158, %parallel_loop3A_156 : vector<16xf32>
        %parallel_loop3A_160 = arith.mulf %parallel_loop3A_150, %parallel_loop3A_159 : vector<16xf32>
        %parallel_loop3A_161 = arith.constant 0.333333343 : f32
        %parallel_loop3A_162 = vector.broadcast %parallel_loop3A_161 : f32 to vector<16xf32>
        %parallel_loop3A_163 = arith.addf %parallel_loop3A_162, %parallel_loop3A_160 : vector<16xf32>
        %parallel_loop3A_164 = arith.mulf %parallel_loop3A_150, %parallel_loop3A_163 : vector<16xf32>
        %parallel_loop3A_165 = arith.constant 1.000000e+00 : f32
        %parallel_loop3A_166 = vector.broadcast %parallel_loop3A_165 : f32 to vector<16xf32>
        %parallel_loop3A_167 = arith.addf %parallel_loop3A_166, %parallel_loop3A_164 : vector<16xf32>
        %parallel_loop3A_168 = arith.mulf %parallel_loop3A_153, %parallel_loop3A_167 : vector<16xf32>
        %parallel_loop3A_169 = arith.sitofp %parallel_loop3A_142 : vector<16xi32> to vector<16xf32>
        %parallel_loop3A_170 = arith.constant 0.693147182 : f32
        %parallel_loop3A_171 = vector.broadcast %parallel_loop3A_170 : f32 to vector<16xf32>
        %parallel_loop3A_172 = arith.mulf %parallel_loop3A_169, %parallel_loop3A_171 : vector<16xf32>
        %parallel_loop3A_173 = arith.addf %parallel_loop3A_172, %parallel_loop3A_168 : vector<16xf32>
        %parallel_loop3A_174 = tpu.bitcast %parallel_loop3A_111 : vector<16xf32> -> vector<16xi32>
        %parallel_loop3A_175 = arith.constant -2147483648 : i32
        %parallel_loop3A_176 = vector.broadcast %parallel_loop3A_175 : i32 to vector<16xi32>
        %parallel_loop3A_177 = arith.andi %parallel_loop3A_174, %parallel_loop3A_176 : vector<16xi32>
        %parallel_loop3A_178 = tpu.bitcast %parallel_loop3A_173 : vector<16xf32> -> vector<16xi32>
        %parallel_loop3A_179 = arith.ori %parallel_loop3A_178, %parallel_loop3A_177 : vector<16xi32>
        %parallel_loop3A_180 = tpu.bitcast %parallel_loop3A_179 : vector<16xi32> -> vector<16xf32>
        %parallel_loop3A_181 = arith.constant -2.000000e+01 : f32
        %parallel_loop3A_182 = vector.broadcast %parallel_loop3A_181 : f32 to vector<16xf32>
        %parallel_loop3A_183 = arith.maximumf %parallel_loop3A_180, %parallel_loop3A_182 : vector<16xf32>
        %parallel_loop3A_184 = arith.constant 2.000000e+01 : f32
        %parallel_loop3A_185 = vector.broadcast %parallel_loop3A_184 : f32 to vector<16xf32>
        %parallel_loop3A_186 = arith.minimumf %parallel_loop3A_183, %parallel_loop3A_185 : vector<16xf32>
        %parallel_loop3A_187 = arith.fptosi %parallel_loop3A_186 : vector<16xf32> to vector<16xi32>
        %parallel_loop3A_188 = arith.sitofp %parallel_loop3A_187 : vector<16xi32> to vector<16xf32>
        %parallel_loop3A_189 = arith.cmpf olt, %parallel_loop3A_186, %parallel_loop3A_188 : vector<16xf32>
        %parallel_loop3A_190 = arith.constant 1.000000e+00 : f32
        %parallel_loop3A_191 = vector.broadcast %parallel_loop3A_190 : f32 to vector<16xf32>
        %parallel_loop3A_192 = arith.subf %parallel_loop3A_188, %parallel_loop3A_191 : vector<16xf32>
        %parallel_loop3A_193 = arith.select %parallel_loop3A_189, %parallel_loop3A_192, %parallel_loop3A_188 : vector<16xi1>, vector<16xf32>
        %parallel_loop3A_194 = arith.constant 1 : i32
        %parallel_loop3A_195 = vector.broadcast %parallel_loop3A_194 : i32 to vector<16xi32>
        %parallel_loop3A_196 = arith.subi %parallel_loop3A_187, %parallel_loop3A_195 : vector<16xi32>
        %parallel_loop3A_197 = arith.select %parallel_loop3A_189, %parallel_loop3A_196, %parallel_loop3A_187 : vector<16xi1>, vector<16xi32>
        %parallel_loop3A_198 = arith.subf %parallel_loop3A_186, %parallel_loop3A_193 : vector<16xf32>
        %parallel_loop3A_199 = arith.constant 20 : i32
        %parallel_loop3A_200 = vector.broadcast %parallel_loop3A_199 : i32 to vector<16xi32>
        %parallel_loop3A_201 = arith.addi %parallel_loop3A_197, %parallel_loop3A_200 : vector<16xi32>
        %parallel_loop3A_202 = arith.constant 1 : i32
        %parallel_loop3A_203 = vector.broadcast %parallel_loop3A_202 : i32 to vector<16xi32>
        %parallel_loop3A_204 = arith.addi %parallel_loop3A_201, %parallel_loop3A_203 : vector<16xi32>
        %parallel_loop3A_205 = arith.constant 41 : i32
        %parallel_loop3A_206 = vector.broadcast %parallel_loop3A_205 : i32 to vector<16xi32>
        %parallel_loop3A_207 = arith.cmpi slt, %parallel_loop3A_204, %parallel_loop3A_206 : vector<16xi32>
        %parallel_loop3A_208 = arith.constant 0.000000e+00 : f32
        %parallel_loop3A_209 = vector.broadcast %parallel_loop3A_208 : f32 to vector<16xf32>
        %parallel_loop3A_210 = arith.select %parallel_loop3A_207, %parallel_loop3A_198, %parallel_loop3A_209 : vector<16xi1>, vector<16xf32>
        %parallel_loop3A_211 = arith.constant 40 : i32
        %parallel_loop3A_212 = vector.broadcast %parallel_loop3A_211 : i32 to vector<16xi32>
        %parallel_loop3A_213 = arith.minsi %parallel_loop3A_204, %parallel_loop3A_212 : vector<16xi32>
        %parallel_loop3A_214 = arith.constant 1.000000e+00 : f32
        %parallel_loop3A_215 = vector.broadcast %parallel_loop3A_214 : f32 to vector<16xf32>
        %parallel_loop3A_216 = arith.subf %parallel_loop3A_215, %parallel_loop3A_198 : vector<16xf32>
        tpu.vector_store_idx %arg6[%parallel_loop3A_96, %parallel_loop3A_213], %parallel_loop3A_210 : memref<256x41xf32, #tpu.memory_space<vmem>>[vector<16xi32>, vector<16xi32>], vector<16xf32>,
        tpu.vector_store_idx %arg6[%parallel_loop3A_96, %parallel_loop3A_201], %parallel_loop3A_216 : memref<256x41xf32, #tpu.memory_space<vmem>>[vector<16xi32>, vector<16xi32>], vector<16xf32>,
        %parallel_loop3A_217 = arith.constant 16 : i32
        %parallel_loop3A_218 = arith.muli %parallel_loop3A_92, %parallel_loop3A_217 : i32
        %parallel_loop3A_219 = arith.index_cast %parallel_loop3A_218 : i32 to index
        %parallel_loop3A_220 = tpu.vector_load %arg9[%parallel_loop3A_219] {strides = array<i32>} : memref<256xi32, #tpu.memory_space<vmem>>, vector<16xi32>,
        tpu.vector_store %arg9[%parallel_loop3A_219], %parallel_loop3A_201 {strides = array<i32>} : memref<256xi32, #tpu.memory_space<vmem>>, vector<16xi32>,
        %parallel_loop3A_221 = arith.constant 16 : i32
        %parallel_loop3A_222 = arith.muli %parallel_loop3A_92, %parallel_loop3A_221 : i32
        %parallel_loop3A_223 = arith.index_cast %parallel_loop3A_222 : i32 to index
        %parallel_loop3A_224 = tpu.vector_load %arg10[%parallel_loop3A_223] {strides = array<i32>} : memref<256xi32, #tpu.memory_space<vmem>>, vector<16xi32>,
        tpu.vector_store %arg10[%parallel_loop3A_223], %parallel_loop3A_213 {strides = array<i32>} : memref<256xi32, #tpu.memory_space<vmem>>, vector<16xi32>,
      } {sc.loop_unroll_factor = 8 : i64, sc.parallel_access}
      %mul3A_85 = arith.constant 256 : i32
      %mul3A_86 = arith.muli %add3A_72, %mul3A_85 : i32
      %add3A_87 = arith.addi %mul3A_2, %mul3A_86 : i32
      %dma_start3A_88 = arith.constant 0 : i32
      %dma_start3A_89 = tpu.memref_slice %arg3[%add3A_87, %dma_start3A_88] : memref<1048576x41xf32, #tpu.memory_space<hbm>> -> memref<256x41xf32, #tpu.memory_space<hbm>>
      %dma_start3A_90 = arith.constant 0 : i32
      %dma_start3A_91 = tpu.memref_slice %arg3[%add3A_87, %dma_start3A_90] : memref<1048576x41xf32, #tpu.memory_space<hbm>> -> memref<256x41xf32, #tpu.memory_space<hbm>>
      tpu.enqueue_dma source(%arg6 : memref<256x41xf32, #tpu.memory_space<vmem>>) target(%dma_start3A_91 : memref<256x41xf32, #tpu.memory_space<hbm>>) target_semaphore(%arg13 : memref<!tpu.dma_semaphore, #tpu.memory_space<semaphore_mem>>)
    }
    %scan3A_35 = arith.constant 63 : i32
    %add3A_36 = arith.constant 32256 : i32
    %add3A_37 = arith.addi %mul3A_2, %add3A_36 : i32
    %dma_wait3A_38 = arith.constant 0 : i32
    %dma_wait3A_39 = tpu.memref_slice %arg3[%add3A_37, %dma_wait3A_38] : memref<1048576x41xf32, #tpu.memory_space<hbm>> -> memref<256x41xf32, #tpu.memory_space<hbm>>
    %dma_wait3A_40 = arith.constant 0 : i32
    %dma_wait3A_41 = tpu.memref_slice %arg3[%add3A_37, %dma_wait3A_40] : memref<1048576x41xf32, #tpu.memory_space<hbm>> -> memref<256x41xf32, #tpu.memory_space<hbm>>
    tpu.wait_dma2 semaphore(%arg12 : memref<!tpu.dma_semaphore, #tpu.memory_space<semaphore_mem>>) src(%arg5 : memref<256x41xf32, #tpu.memory_space<vmem>>) dst(%dma_wait3A_41 : memref<256x41xf32, #tpu.memory_space<hbm>>)
    %add3A_42 = arith.constant 32512 : i32
    %add3A_43 = arith.addi %mul3A_2, %add3A_42 : i32
    %dma_wait3A_44 = arith.constant 0 : i32
    %dma_wait3A_45 = tpu.memref_slice %arg3[%add3A_43, %dma_wait3A_44] : memref<1048576x41xf32, #tpu.memory_space<hbm>> -> memref<256x41xf32, #tpu.memory_space<hbm>>
    %dma_wait3A_46 = arith.constant 0 : i32
    %dma_wait3A_47 = tpu.memref_slice %arg3[%add3A_43, %dma_wait3A_46] : memref<1048576x41xf32, #tpu.memory_space<hbm>> -> memref<256x41xf32, #tpu.memory_space<hbm>>
    tpu.wait_dma2 semaphore(%arg13 : memref<!tpu.dma_semaphore, #tpu.memory_space<semaphore_mem>>) src(%arg6 : memref<256x41xf32, #tpu.memory_space<vmem>>) dst(%dma_wait3A_47 : memref<256x41xf32, #tpu.memory_space<hbm>>)
    return
  }
}

</mosaic_0001>

<sc_bundles>
// kernel: kernel.3.cloned.1.call-start
scs
__scs_entry_jumppad:
0x0: {  	(pc) =	sbr.rel $0x88, $3  }
0x1: {  	(tag) =	ssettag $0x0;
	lr =	simm.s32 $0x1  }
0x2: {  	[smem:$0x3FA0] =	sst lr;
	_ =	strace $0xD0000000  }
0x3: {  	_ = 	snop  }
0x4: {  	_ = 	snop  }
0x5: {  	_ = 	snop  }
0x6: {  	_ = 	snop  }
0x7: {  	_ = 	snop  }
__scs_overlays_trampoline_lowered:
0x8: {  	[smem:$0x3FAF] =	sst s0  }
0x9: {  	[smem:$0x3FB0] =	sst s1  }
0xa: {  	[smem:$0x3FB1] =	sst s2  }
0xb: {  	[smem:$0x3FB2] =	sst s3  }
0xc: {  	[smem:$0x3FB3] =	sst s4  }
0xd: {  	[smem:$0x3FB4] =	sst s5  }
0xe: {  	[smem:$0x3FB5] =	sst s6  }
0xf: {  	[smem:$0x3FB6] =	sst s7  }
0x10: {  	[smem:$0x3FB7] =	sst s8  }
0x11: {  	[smem:$0x3FB8] =	sst s9;
	s0 =	simm.s32 @!p0 $0x0  }
0x12: {  	s1 =	sld [smem:$0x3F9E];
	s0 =	simm.s32 @p0 $0x1  }
0x13: {  	[smem:$0x3FB9] =	sst s0;
	s0 =	simm.s32 @!p1 $0x0  }
0x14: {  	s2 =	sld [smem:$0x3F9D];
	s0 =	simm.s32 @p1 $0x1  }
0x15: {  	[smem:$0x3FBA] =	sst s0;
	s0 =	simm.s32 @!p2 $0x0  }
0x16: {  	s3 =	sld [smem:$0x3FDB];
	s0 =	simm.s32 @p2 $0x1  }
0x17: {  	s4 =	simm.s32 $0x1BF5;
	[smem:$0x3FBC] =	sst s0  }
0x18: {  	s0 =	sld [smem:$0x3F9F];
	_ =	swait.ge [sflag:s4], $0x0  }
0x19: {  	s7 =	sld [smem:$0x3FA0]  }
0x1a: {  	s8 =	sadd.s32 $0xFFFFE003, lr  }
0x1b: {  	s9 =	sadd.s32 $0xFFFFFEF7, lr;
	s5 =	simm.s32 $0xFFFFFFFF;
	p2 =	slt.u32 s8, $0xFFFFF086  }
0x1c: {  	p1 =	slt.u32 s9, $0xF7A;
	s5 =	simm.s32 @!p2 $0x0  }
0x1d: {  	s5 =	simm.s32 @p1 $0x1;
	p0 =	seq.s32 s7, s2  }
0x1e: {  	s7 =	smul.u32 @!p0 $0xF7A, s2;
	p2 =	seq.s32 @!p0 s5, $0x0  }
0x1f: {  	s9 =	smul.u32 $0xF7A, s1;
	s8 =	simm.s32 @!p0 $0x1BF5;
	p2 =	por !p2, p0  }
0x20: {  	[sflag:s8] =	ssyncset.s32 @!p0 $0xFFFFF086;
	s6 =	sadd.s32 @!p0 s3, s7;
	s7 =	simm.s32 @!p0 $0x108  }
0x21: {  	s3 =	sadd.s32 s3, s9;
	s6 =	sadd.s32 @!p0 $0x88, s6;
	s7 =	simm.s32 @p2 $0x1082  }
0x22: {  	[simem:s7], [sflag:s8] =	dma.local @!p0 [hbm:s6], $0xF7A  }
0x23: {  	s9 =	sor.u32 $0xD0000000, s2;
	s6 =	simm.s32 $0x108;
	_ =	swait.ge @!p0 [sflag:s8], $0x0  }
0x24: {  	s3 =	sadd.s32 $0x88, s3;
	s6 =	simm.s32 @!p1 $0x1082;
	[sflag:s4] =	ssyncset.s32 $0xFFFFF086  }
0x25: {  	[simem:s6], [sflag:s4] =	dma.local [hbm:s3], $0xF7A  }
0x26: {  	[smem:$0x3FA0] =	sst s1;
	(tag) =	ssettag s2;
	_ =	strace s9  }
0x27: {  	s1 =	sld [smem:$0x3FB0]  }
0x28: {  	s2 =	sld [smem:$0x3FB1]  }
0x29: {  	s4 =	sld [smem:$0x3FB3]  }
0x2a: {  	p0 =	seq.s32 s5, $0x0;
	s5 =	sld [smem:$0x3FB4]  }
0x2b: {  	s6 =	sld [smem:$0x3FB5]  }
0x2c: {  	s7 =	sld [smem:$0x3FB6]  }
0x2d: {  	s3 =	simm.s32 $0x108;
	s8 =	sld [smem:$0x3FB7]  }
0x2e: {  	s3 =	simm.s32 @!p0 $0x1082;
	s9 =	sld [smem:$0x3FB8]  }
0x2f: {  	lr =	sadd.s32 s0, s3;
	s0 =	sld [smem:$0x3FAF]  }
0x30: {  	s3 =	sld [smem:$0x3FB2]  }
0x31: {  	[smem:$0x3FBB] =	sst s10  }
0x32: {  	s10 =	sld [smem:$0x3FB9];
	_ =	sdelay $0x3  }
0x33: {  	p0 =	seq.s32 s10, $0x1;
	s10 =	sld [smem:$0x3FBB];
	_ =	sdelay $0x3  }
0x34: {  	[smem:$0x3FBB] =	sst s10  }
0x35: {  	s10 =	sld [smem:$0x3FBA];
	_ =	sdelay $0x3  }
0x36: {  	p1 =	seq.s32 s10, $0x1;
	s10 =	sld [smem:$0x3FBB];
	_ =	sdelay $0x3  }
0x37: {  	[smem:$0x3FBB] =	sst s10  }
0x38: {  	s10 =	sld [smem:$0x3FBC]  }
0x39: {  	_ = 	snop;
	(pc) =	sbr.ind lr, $3  }
0x3a: {  	_ = 	snop  }
0x3b: {  	_ = 	snop  }
0x3c: {  	p2 =	seq.s32 s10, $0x1;
	s10 =	sld [smem:$0x3FBB]  }
0x3d: {  	_ =	shalt  }
0x3e: {  	_ =	shalt  }
0x3f: {  	_ =	shalt  }
0x40: {  	_ =	shalt  }
0x41: {  	_ =	shalt  }
0x42: {  	_ =	shalt  }
0x43: {  	_ =	shalt  }
0x44: {  	_ =	shalt  }
0x45: {  	_ =	shalt  }
0x46: {  	_ =	shalt  }
0x47: {  	_ =	shalt  }
0x48: {  	_ =	shalt  }
0x49: {  	_ =	shalt  }
0x4a: {  	_ =	shalt  }
0x4b: {  	_ =	shalt  }
0x4c: {  	_ =	shalt  }
0x4d: {  	_ =	shalt  }
0x4e: {  	_ =	shalt  }
0x4f: {  	_ =	shalt  }
0x50: {  	_ =	shalt  }
0x51: {  	_ =	shalt  }
0x52: {  	_ =	shalt  }
0x53: {  	_ =	shalt  }
0x54: {  	_ =	shalt  }
0x55: {  	_ =	shalt  }
0x56: {  	_ =	shalt  }
0x57: {  	_ =	shalt  }
0x58: {  	_ =	shalt  }
0x59: {  	_ =	shalt  }
0x5a: {  	_ =	shalt  }
0x5b: {  	_ =	shalt  }
0x5c: {  	_ =	shalt  }
0x5d: {  	_ =	shalt  }
0x5e: {  	_ =	shalt  }
0x5f: {  	_ =	shalt  }
0x60: {  	_ =	shalt  }
0x61: {  	_ =	shalt  }
0x62: {  	_ =	shalt  }
0x63: {  	_ =	shalt  }
0x64: {  	_ =	shalt  }
0x65: {  	_ =	shalt  }
0x66: {  	_ =	shalt  }
0x67: {  	_ =	shalt  }
0x68: {  	_ =	shalt  }
0x69: {  	_ =	shalt  }
0x6a: {  	_ =	shalt  }
0x6b: {  	_ =	shalt  }
0x6c: {  	_ =	shalt  }
0x6d: {  	_ =	shalt  }
0x6e: {  	_ =	shalt  }
0x6f: {  	_ =	shalt  }
0x70: {  	_ =	shalt  }
0x71: {  	_ =	shalt  }
0x72: {  	_ =	shalt  }
0x73: {  	_ =	shalt  }
0x74: {  	_ =	shalt  }
0x75: {  	_ =	shalt  }
0x76: {  	_ =	shalt  }
0x77: {  	_ =	shalt  }
0x78: {  	_ =	shalt  }
0x79: {  	_ =	shalt  }
0x7a: {  	_ =	shalt  }
0x7b: {  	_ =	shalt  }
0x7c: {  	_ =	shalt  }
0x7d: {  	_ =	shalt  }
0x7e: {  	_ =	shalt  }
0x7f: {  	_ =	shalt  }
0x80: {  	_ =	shalt  }
0x81: {  	_ =	shalt  }
0x82: {  	_ =	shalt  }
0x83: {  	_ =	shalt  }
0x84: {  	_ =	shalt  }
0x85: {  	_ =	shalt  }
0x86: {  	_ =	shalt  }
0x87: {  	_ =	shalt  }
.Lfunc_end0:
.L_simem_size_0:
called_computation_lowered:
.L_overlay_start_0:
0x88: {  	s2 =	sld [smem:$0x3FD9]  }
0x89: {  	s3 =	sld [smem:$0x3FFE];
	_ =	sdelay $0x1  }
0x8a: {  	s1 =	srdreg.scid  }
0x8b: {  	s0 =	sand.u32 $0x1, s1  }
0x8c: {  	s17 =	sshll.u32 s0, $0xA;
	s2 =	sadd.s32 s3, s2  }
0x8d: {  	s2 =	sadd.s32 s2, s17  }
0x8e: {  	[smem:$0x3FC7] =	sst s2  }
0x8f: {  	_ = 	snop  }
0x90: {  	s2 =	sld [smem:$0x3FC9];
	(tm) =	ssettm $0x1  }
0x91: {  	s18 =	sld [smem:$0x3FFB];
	_ =	sdelay $0x3  }
0x92: {  	_ =	strace s18  }
0x93: {  	s3 =	sld [smem:$0x3FFC];
	_ =	sdelay $0x3  }
0x94: {  	_ =	strace s3  }
0x95: {  	s3 =	sld [smem:$0x3FFD];
	_ =	sdelay $0x3  }
0x96: {  	_ =	strace s3  }
0x97: {  	_ =	strace $0x8FFFFFFF  }
0x98: {  	s19 =	sld [smem:$0x3FDB];
	_ =	sdelay $0x1  }
0x99: {  	s4 =	simm.s32 $_scs_section_size  }
0x9a: {  	s5 =	simm.s32 $_size__tile_overlayer_lowered;
	s6 =	simm.s32 $_tile_overlayer_lowered  }
0x9b: {  	s22 =	simm.s32 $0x1BFF;
	s21 =	sshll.u32 s6, $0x1;
	s3 =	sadd.s32 s4, s19  }
0x9c: {  	s7 =	simm.s32 $0x0;
	s20 =	sshll.u32 s5, $0x1;
	s5 =	sadd.s32 s21, s3  }
0x9d: {  	[timem:s7], [sflag:s22] =	dma.local [hbm:s5], s20  }
0x9e: {  	_ =	swait.ge [sflag:s22], s20  }
0x9f: {  	s4 =	ssub.s32 $0x0, s20;
	[sflag:s22] =	ssyncset.done $0x0  }
0xa0: {  	[sflag:s22] =	ssyncadd.s32 s4;
	_ =	sdelay $0x1  }
0xa1: {  	s23 =	simm.s32 $0x1B8B  }
0xa2: {  	_ =	swait.ge [sflag:s23], $0x1  }
0xa3: {  	[sflag:s23] =	ssyncset.done $0x0  }
0xa4: {  	s25 =	simm.s32 $0x1B8E;
	s24 =	sld [smem:$0x3FFE];
	[sflag:s23] =	ssyncadd.s32 $0xFFFFFFFF  }
0xa5: {  	s26 =	simm.s32 $execute0_lowered;
	[smem:$0x3FD2] =	sst s25  }
0xa6: {  	s5 =	sshll.u32 s26, $0x1;
	_ =	strace $0x80000046;
	[dreg:$0x1] =	wrdreg $0xFFFFFFFF  }
0xa7: {  	s28 =	simm.s32 $_size_execute0_lowered;
	s3 =	sadd.s32 s3, s5;
	[dreg:$0x0] =	wrdreg $0x0  }
0xa8: {  	s5 =	sshll.u32 s28, $0x1;
	[dreg:$0x2] =	wrdreg s3  }
0xa9: {  	[dreg:$0x3] =	wrdreg s5  }
0xaa: {  	[dreg:$0x4] =	wrdreg $0xC0  }
0xab: {  	_ =	task [dreg:s7], $0x5FFFF  }
0xac: {  	[dreg:$0x1] =	wrdreg $0xFFFFFFFF  }
0xad: {  	[dreg:$0x0] =	wrdreg $0x60  }
0xae: {  	[dreg:$0x2] =	wrdreg s2  }
0xaf: {  	[dreg:$0x3] =	wrdreg s24  }
0xb0: {  	[dreg:$0x4] =	wrdreg $0x9  }
0xb1: {  	_ =	task.clear_ibuf [dreg:s7], $0x5FFFF;
	_ =	strace $0x90000046  }
0xb2: {  	s29 =	simm.s32 $0x9;
	_ =	strace $0x80000048  }
0xb3: {  	_ =	swait.ge [sflag:s29], $0x1  }
0xb4: {  	[sflag:s29] =	ssyncadd.s32 $0xFFFFFFFF  }
0xb5: {  	_ =	strace $0x90000048  }
0xb6: {  	_ =	sfence  }
0xb7: {  	s30 =	sld [smem:$0x0];
	_ =	sdelay $0x2  }
0xb8: {  	s31 =	sshll.u32 s1, $0xD;
	s1 =	sshrl.u32 s1, $0x2  }
0xb9: {  	s3 =	sand.u32 $0x4000, s31;
	s1 =	sadd.s32 s1, s30  }
0xba: {  	s0 =	sor.u32 s3, s0;
	s1 =	sshll.u32 s1, $0x11  }
0xbb: {  	s0 =	sor.u32 s1, s0  }
0xbc: {  	s0 =	sadd.s32 $0x8F2B, s0  }
0xbd: {  	[sflag:s0] =	ssyncadd.remote.s32 $0x1  }
0xbe: {  	_ =	sfence.sel $0xFFFF  }
0xbf: {  	[dreg:$0x0] =	wrdreg $0xFFFFFFFF;
	(pc) =	sbr.abs _section_cstart, $3  }
0xc0: {  	[dreg:$0x1] =	wrdreg $0xFFFFFFFF  }
0xc1: {  	_ =	task.clear_ibuf [dreg:s7], $0x2FFFF;
	_ =	strace $0x9FFFFFFF  }
0xc2: {  	(tm) =	ssettm $0x7FFFFFFF  }
0xc3: {  	_ =	shalt  }
tec
execute0_lowered:
.L_overlay_start_1:
0x0: {  	(tag) =	ssettag $0x1  }
0x1: {  	s3 =	rddreg [dreg:$0x0]  }
0x2: {  	s4 =	rddreg [dreg:$0x1]  }
0x3: {  	s0 =	rddreg [dreg:$0x2];
	s5 =	srdreg.scid  }
0x4: {  	s2 =	simm.s32 $0x0;
	s1 =	stileid.u32;
	s9 =	simm.s32 $0x1  }
0x5: {  	s10 =	simm.s32 $0x2;
	s11 =	simm.s32 $0x3;
	s5 =	sand.u32 $0x1, s5  }
0x6: {  	s12 =	simm.s32 $0x0;
	s6 =	sshll.u32 s1, $0x10;
	s7 =	sshll.u32 s5, $0xF  }
0x7: {  	[smem:$0x7FF] =	sst s2;
	s5 =	ssub.s32 $0x2, s5;
	s6 =	sor.u32 s7, s6  }
0x8: {  	_ =	strace $0x80000047;
	s8 =	sshrl.u32 s5, $0x1;
	s7 =	sshll.u32 s6, $0x4  }
0x9: {  	s6 =	sshrl.u32 s6, $0x3;
	s8 =	ssub.s32 s5, s8;
	s7 =	sadd.s32 s7, s4  }
0xa: {  	v1 =	vlaneseq.u32;
	s3 =	sadd.s32 s3, s6;
	s6 =	smax.u32 s8, $0x1;
	s8 =	simm.s32 $0x10000  }
0xb: {  	v0 =	vimm.s32 $0x0;
	v2 =	vimm.f32 $0.0e+00;
	v1 =	vmul.u32 $0x80, v1;
	s4 =	sadd.s32 $0x400, s7;
	s5 =	sadd.s32 $0x1400, s7;
	s7 =	simm.s32 $0x8000  }
.LBB2_1:
0xc: {  	[tilespmem:s2], [sflag:$0x1] =	stream.linear.gather [hbm4b:s3+s2], $0x8000, $0x38;
	[tilespmem:$0x18400] =	vst v63  }
0xd: {  	s16 =	simm.s32 $0x18020  }
0xe: {  	[tilespmem:s16+$0xFFFFFFF0] =	vst v0  }
0xf: {  	[tilespmem:s16+$0x0] =	vst v0  }
0x10: {  	[tilespmem:s16+$0x10] =	vst v0  }
0x11: {  	s13 =	simm.s32 $0x18120;
	[tilespmem:s16+$0xFFFFFFE0] =	vst v0  }
0x12: {  	[tilespmem:s13+$0xFFFFFFF0] =	vst v0  }
0x13: {  	[tilespmem:s13+$0x0] =	vst v0  }
0x14: {  	[tilespmem:s13+$0x10] =	vst v0  }
0x15: {  	s14 =	simm.s32 $0x18220;
	[tilespmem:s13+$0xFFFFFFE0] =	vst v0  }
0x16: {  	[tilespmem:s14+$0xFFFFFFF0] =	vst v0  }
0x17: {  	[tilespmem:s14+$0x0] =	vst v0  }
0x18: {  	[tilespmem:s14+$0x10] =	vst v0  }
0x19: {  	s15 =	simm.s32 $0x18320;
	[tilespmem:s14+$0xFFFFFFE0] =	vst v0  }
0x1a: {  	[tilespmem:s15+$0xFFFFFFF0] =	vst v0  }
0x1b: {  	[tilespmem:s15+$0x0] =	vst v0  }
0x1c: {  	[tilespmem:s15+$0x10] =	vst v0  }
0x1d: {  	s17 =	simm.s32 $0x18060;
	s16 =	simm.s32 $0x0;
	[tilespmem:s15+$0xFFFFFFE0] =	vst v0  }
.LBB2_2:
0x1e: {  	[tilespmem:s17+$0xFFFFFFF0] =	vst v0;
	s13 =	sadd.s32 $0x40, s13  }
0x1f: {  	s14 =	sadd.s32 $0x40, s14;
	[tilespmem:s13+$0xFFFFFFF0] =	vst v0  }
0x20: {  	s15 =	sadd.s32 $0x40, s15;
	[tilespmem:s14+$0xFFFFFFF0] =	vst v0  }
0x21: {  	[tilespmem:s15+$0xFFFFFFF0] =	vst v0  }
0x22: {  	[tilespmem:s17+$0x0] =	vst v0  }
0x23: {  	[tilespmem:s13+$0x0] =	vst v0  }
0x24: {  	[tilespmem:s14+$0x0] =	vst v0  }
0x25: {  	[tilespmem:s15+$0x0] =	vst v0  }
0x26: {  	[tilespmem:s17+$0x10] =	vst v0  }
0x27: {  	s16 =	sadd.s32 $0x4, s16;
	[tilespmem:s13+$0x10] =	vst v0  }
0x28: {  	p0 =	slt.u32 s16, $0xC;
	[tilespmem:s14+$0x10] =	vst v0  }
.Ltmp0:
0x29: {  	[tilespmem:s15+$0x10] =	vst v0;
	(pc) =	sbr.rel @p0 .LBB2_2-.Ltmp0, $4  }
0x2a: {  	[tilespmem:s17+$0xFFFFFFE0] =	vst v0  }
0x2b: {  	[tilespmem:s13+$0xFFFFFFE0] =	vst v0  }
0x2c: {  	[tilespmem:s14+$0xFFFFFFE0] =	vst v0  }
0x2d: {  	s18 =	simm.s32 $0x0;
	s17 =	sadd.s32 $0x40, s17;
	[tilespmem:s15+$0xFFFFFFE0] =	vst v0  }
0x2e: {  	v3 =	vmov s18  }
0x2f: {  	v3 =	vshll.u32 v3, $0x7  }
0x30: {  	v3 =	vor.u32 v1, v3;
	_ =	sdelay $0x1  }
0x31: {  	v4 =	vor.u32 $0x1, v3;
	_ =	sdelay $0x1  }
0x32: {  	v5 =	vor.u32 $0x2, v3  }
0x33: {  	[tilespmem:v3+s7+$0x0] =	vst.idx.msk $0xffff, v2  }
0x34: {  	v6 =	vor.u32 $0x3, v3;
	[tilespmem:v3+s8+$0x0] =	vst.idx.msk $0xffff, v2  }
0x35: {  	[tilespmem:v4+s7+$0x0] =	vst.idx.msk $0xffff, v2  }
0x36: {  	[tilespmem:v4+s8+$0x0] =	vst.idx.msk $0xffff, v2;
	v4 =	vor.u32 $0x4, v3  }
0x37: {  	[tilespmem:v5+s7+$0x0] =	vst.idx.msk $0xffff, v2  }
0x38: {  	[tilespmem:v5+s8+$0x0] =	vst.idx.msk $0xffff, v2;
	v5 =	vor.u32 $0x5, v3  }
0x39: {  	[tilespmem:v6+s7+$0x0] =	vst.idx.msk $0xffff, v2  }
0x3a: {  	[tilespmem:v6+s8+$0x0] =	vst.idx.msk $0xffff, v2;
	v6 =	vor.u32 $0x6, v3  }
0x3b: {  	[tilespmem:v4+s7+$0x0] =	vst.idx.msk $0xffff, v2  }
0x3c: {  	[tilespmem:v4+s8+$0x0] =	vst.idx.msk $0xffff, v2;
	v4 =	vor.u32 $0x7, v3  }
0x3d: {  	[tilespmem:v5+s7+$0x0] =	vst.idx.msk $0xffff, v2  }
0x3e: {  	[tilespmem:v5+s8+$0x0] =	vst.idx.msk $0xffff, v2;
	v5 =	vor.u32 $0x8, v3  }
0x3f: {  	[tilespmem:v6+s7+$0x0] =	vst.idx.msk $0xffff, v2  }
0x40: {  	[tilespmem:v6+s8+$0x0] =	vst.idx.msk $0xffff, v2;
	v6 =	vor.u32 $0x9, v3  }
0x41: {  	[tilespmem:v4+s7+$0x0] =	vst.idx.msk $0xffff, v2  }
0x42: {  	[tilespmem:v4+s8+$0x0] =	vst.idx.msk $0xffff, v2;
	v4 =	vor.u32 $0xA, v3  }
0x43: {  	[tilespmem:v5+s7+$0x0] =	vst.idx.msk $0xffff, v2  }
0x44: {  	[tilespmem:v5+s8+$0x0] =	vst.idx.msk $0xffff, v2;
	v5 =	vor.u32 $0xB, v3  }
0x45: {  	[tilespmem:v6+s7+$0x0] =	vst.idx.msk $0xffff, v2  }
0x46: {  	[tilespmem:v6+s8+$0x0] =	vst.idx.msk $0xffff, v2;
	v6 =	vor.u32 $0xC, v3  }
0x47: {  	[tilespmem:v4+s7+$0x0] =	vst.idx.msk $0xffff, v2  }
0x48: {  	[tilespmem:v4+s8+$0x0] =	vst.idx.msk $0xffff, v2;
	v4 =	vor.u32 $0xD, v3  }
0x49: {  	[tilespmem:v5+s7+$0x0] =	vst.idx.msk $0xffff, v2  }
0x4a: {  	[tilespmem:v5+s8+$0x0] =	vst.idx.msk $0xffff, v2;
	v5 =	vor.u32 $0xE, v3  }
0x4b: {  	[tilespmem:v6+s7+$0x0] =	vst.idx.msk $0xffff, v2  }
0x4c: {  	[tilespmem:v6+s8+$0x0] =	vst.idx.msk $0xffff, v2;
	v6 =	vor.u32 $0xF, v3  }
0x4d: {  	[tilespmem:v4+s7+$0x0] =	vst.idx.msk $0xffff, v2  }
0x4e: {  	[tilespmem:v4+s8+$0x0] =	vst.idx.msk $0xffff, v2;
	v4 =	vor.u32 $0x10, v3  }
0x4f: {  	[tilespmem:v5+s7+$0x0] =	vst.idx.msk $0xffff, v2  }
0x50: {  	[tilespmem:v5+s8+$0x0] =	vst.idx.msk $0xffff, v2;
	v5 =	vor.u32 $0x11, v3  }
0x51: {  	[tilespmem:v6+s7+$0x0] =	vst.idx.msk $0xffff, v2  }
0x52: {  	[tilespmem:v6+s8+$0x0] =	vst.idx.msk $0xffff, v2;
	v6 =	vor.u32 $0x12, v3  }
0x53: {  	[tilespmem:v4+s7+$0x0] =	vst.idx.msk $0xffff, v2  }
0x54: {  	[tilespmem:v4+s8+$0x0] =	vst.idx.msk $0xffff, v2;
	v4 =	vor.u32 $0x13, v3  }
0x55: {  	[tilespmem:v5+s7+$0x0] =	vst.idx.msk $0xffff, v2  }
0x56: {  	[tilespmem:v5+s8+$0x0] =	vst.idx.msk $0xffff, v2;
	v5 =	vor.u32 $0x14, v3  }
0x57: {  	[tilespmem:v6+s7+$0x0] =	vst.idx.msk $0xffff, v2  }
0x58: {  	[tilespmem:v6+s8+$0x0] =	vst.idx.msk $0xffff, v2;
	v6 =	vor.u32 $0x15, v3  }
0x59: {  	[tilespmem:v4+s7+$0x0] =	vst.idx.msk $0xffff, v2  }
0x5a: {  	[tilespmem:v4+s8+$0x0] =	vst.idx.msk $0xffff, v2;
	v4 =	vor.u32 $0x16, v3  }
0x5b: {  	[tilespmem:v5+s7+$0x0] =	vst.idx.msk $0xffff, v2  }
0x5c: {  	[tilespmem:v5+s8+$0x0] =	vst.idx.msk $0xffff, v2;
	v5 =	vor.u32 $0x17, v3  }
0x5d: {  	[tilespmem:v6+s7+$0x0] =	vst.idx.msk $0xffff, v2  }
0x5e: {  	[tilespmem:v6+s8+$0x0] =	vst.idx.msk $0xffff, v2;
	v6 =	vor.u32 $0x18, v3  }
0x5f: {  	[tilespmem:v4+s7+$0x0] =	vst.idx.msk $0xffff, v2  }
0x60: {  	[tilespmem:v4+s8+$0x0] =	vst.idx.msk $0xffff, v2;
	v4 =	vor.u32 $0x19, v3  }
0x61: {  	[tilespmem:v5+s7+$0x0] =	vst.idx.msk $0xffff, v2  }
0x62: {  	[tilespmem:v5+s8+$0x0] =	vst.idx.msk $0xffff, v2;
	v5 =	vor.u32 $0x1A, v3  }
0x63: {  	[tilespmem:v6+s7+$0x0] =	vst.idx.msk $0xffff, v2  }
0x64: {  	[tilespmem:v6+s8+$0x0] =	vst.idx.msk $0xffff, v2;
	v6 =	vor.u32 $0x1B, v3  }
0x65: {  	[tilespmem:v4+s7+$0x0] =	vst.idx.msk $0xffff, v2  }
0x66: {  	[tilespmem:v4+s8+$0x0] =	vst.idx.msk $0xffff, v2;
	v4 =	vor.u32 $0x1C, v3  }
0x67: {  	[tilespmem:v5+s7+$0x0] =	vst.idx.msk $0xffff, v2  }
0x68: {  	[tilespmem:v5+s8+$0x0] =	vst.idx.msk $0xffff, v2;
	v5 =	vor.u32 $0x1D, v3  }
0x69: {  	[tilespmem:v6+s7+$0x0] =	vst.idx.msk $0xffff, v2  }
0x6a: {  	[tilespmem:v6+s8+$0x0] =	vst.idx.msk $0xffff, v2;
	v6 =	vor.u32 $0x1E, v3  }
0x6b: {  	[tilespmem:v4+s7+$0x0] =	vst.idx.msk $0xffff, v2  }
0x6c: {  	[tilespmem:v4+s8+$0x0] =	vst.idx.msk $0xffff, v2;
	v4 =	vor.u32 $0x1F, v3  }
0x6d: {  	[tilespmem:v5+s7+$0x0] =	vst.idx.msk $0xffff, v2  }
0x6e: {  	[tilespmem:v5+s8+$0x0] =	vst.idx.msk $0xffff, v2;
	v5 =	vor.u32 $0x20, v3  }
0x6f: {  	[tilespmem:v6+s7+$0x0] =	vst.idx.msk $0xffff, v2  }
0x70: {  	[tilespmem:v6+s8+$0x0] =	vst.idx.msk $0xffff, v2;
	v6 =	vor.u32 $0x21, v3  }
0x71: {  	[tilespmem:v4+s7+$0x0] =	vst.idx.msk $0xffff, v2  }
0x72: {  	[tilespmem:v4+s8+$0x0] =	vst.idx.msk $0xffff, v2;
	v4 =	vor.u32 $0x22, v3  }
0x73: {  	[tilespmem:v5+s7+$0x0] =	vst.idx.msk $0xffff, v2  }
0x74: {  	[tilespmem:v5+s8+$0x0] =	vst.idx.msk $0xffff, v2;
	v5 =	vor.u32 $0x23, v3  }
0x75: {  	[tilespmem:v6+s7+$0x0] =	vst.idx.msk $0xffff, v2  }
0x76: {  	v7 =	vor.u32 $0x24, v3;
	[tilespmem:v6+s8+$0x0] =	vst.idx.msk $0xffff, v2  }
0x77: {  	[tilespmem:v4+s7+$0x0] =	vst.idx.msk $0xffff, v2  }
0x78: {  	v6 =	vor.u32 $0x25, v3;
	[tilespmem:v4+s8+$0x0] =	vst.idx.msk $0xffff, v2  }
0x79: {  	[tilespmem:v5+s7+$0x0] =	vst.idx.msk $0xffff, v2  }
0x7a: {  	v4 =	vor.u32 $0x26, v3;
	[tilespmem:v5+s8+$0x0] =	vst.idx.msk $0xffff, v2  }
0x7b: {  	[tilespmem:v7+s7+$0x0] =	vst.idx.msk $0xffff, v2  }
0x7c: {  	s13 =	simm.s32 $0x10;
	v5 =	vor.u32 $0x27, v3;
	[tilespmem:v7+s8+$0x0] =	vst.idx.msk $0xffff, v2  }
.LBB2_4:
0x7d: {  	p0 =	sne.s32 s13, $0xF0;
	[tilespmem:v6+s7+$0x0] =	vst.idx.msk $0xffff, v2  }
0x7e: {  	v7 =	vmov s13;
	[tilespmem:v6+s8+$0x0] =	vst.idx.msk $0xffff, v2;
	v6 =	vor.u32 $0x28, v3  }
0x7f: {  	v3 =	vshll.u32 v7, $0x7;
	[tilespmem:v4+s7+$0x0] =	vst.idx.msk $0xffff, v2  }
0x80: {  	v3 =	vor.u32 v1, v3;
	[tilespmem:v4+s8+$0x0] =	vst.idx.msk $0xffff, v2  }
0x81: {  	[tilespmem:v5+s7+$0x0] =	vst.idx.msk $0xffff, v2  }
0x82: {  	v4 =	vor.u32 $0x1, v3;
	[tilespmem:v5+s8+$0x0] =	vst.idx.msk $0xffff, v2  }
0x83: {  	[tilespmem:v6+s7+$0x0] =	vst.idx.msk $0xffff, v2  }
0x84: {  	v5 =	vor.u32 $0x2, v3;
	[tilespmem:v6+s8+$0x0] =	vst.idx.msk $0xffff, v2  }
0x85: {  	[tilespmem:v3+s7+$0x0] =	vst.idx.msk $0xffff, v2  }
0x86: {  	v6 =	vor.u32 $0x3, v3;
	[tilespmem:v3+s8+$0x0] =	vst.idx.msk $0xffff, v2  }
0x87: {  	[tilespmem:v4+s7+$0x0] =	vst.idx.msk $0xffff, v2  }
0x88: {  	[tilespmem:v4+s8+$0x0] =	vst.idx.msk $0xffff, v2;
	v4 =	vor.u32 $0x4, v3  }
0x89: {  	[tilespmem:v5+s7+$0x0] =	vst.idx.msk $0xffff, v2  }
0x8a: {  	[tilespmem:v5+s8+$0x0] =	vst.idx.msk $0xffff, v2;
	v5 =	vor.u32 $0x5, v3  }
0x8b: {  	[tilespmem:v6+s7+$0x0] =	vst.idx.msk $0xffff, v2  }
0x8c: {  	[tilespmem:v6+s8+$0x0] =	vst.idx.msk $0xffff, v2;
	v6 =	vor.u32 $0x6, v3  }
0x8d: {  	[tilespmem:v4+s7+$0x0] =	vst.idx.msk $0xffff, v2  }
0x8e: {  	[tilespmem:v4+s8+$0x0] =	vst.idx.msk $0xffff, v2;
	v4 =	vor.u32 $0x7, v3  }
0x8f: {  	[tilespmem:v5+s7+$0x0] =	vst.idx.msk $0xffff, v2  }
0x90: {  	[tilespmem:v5+s8+$0x0] =	vst.idx.msk $0xffff, v2;
	v5 =	vor.u32 $0x8, v3  }
0x91: {  	[tilespmem:v6+s7+$0x0] =	vst.idx.msk $0xffff, v2  }
0x92: {  	[tilespmem:v6+s8+$0x0] =	vst.idx.msk $0xffff, v2;
	v6 =	vor.u32 $0x9, v3  }
0x93: {  	[tilespmem:v4+s7+$0x0] =	vst.idx.msk $0xffff, v2  }
0x94: {  	[tilespmem:v4+s8+$0x0] =	vst.idx.msk $0xffff, v2;
	v4 =	vor.u32 $0xA, v3  }
0x95: {  	[tilespmem:v5+s7+$0x0] =	vst.idx.msk $0xffff, v2  }
0x96: {  	[tilespmem:v5+s8+$0x0] =	vst.idx.msk $0xffff, v2;
	v5 =	vor.u32 $0xB, v3  }
0x97: {  	[tilespmem:v6+s7+$0x0] =	vst.idx.msk $0xffff, v2  }
0x98: {  	[tilespmem:v6+s8+$0x0] =	vst.idx.msk $0xffff, v2;
	v6 =	vor.u32 $0xC, v3  }
0x99: {  	[tilespmem:v4+s7+$0x0] =	vst.idx.msk $0xffff, v2  }
0x9a: {  	[tilespmem:v4+s8+$0x0] =	vst.idx.msk $0xffff, v2;
	v4 =	vor.u32 $0xD, v3  }
0x9b: {  	[tilespmem:v5+s7+$0x0] =	vst.idx.msk $0xffff, v2  }
0x9c: {  	[tilespmem:v5+s8+$0x0] =	vst.idx.msk $0xffff, v2;
	v5 =	vor.u32 $0xE, v3  }
0x9d: {  	[tilespmem:v6+s7+$0x0] =	vst.idx.msk $0xffff, v2  }
0x9e: {  	[tilespmem:v6+s8+$0x0] =	vst.idx.msk $0xffff, v2;
	v6 =	vor.u32 $0xF, v3  }
0x9f: {  	[tilespmem:v4+s7+$0x0] =	vst.idx.msk $0xffff, v2  }
0xa0: {  	[tilespmem:v4+s8+$0x0] =	vst.idx.msk $0xffff, v2;
	v4 =	vor.u32 $0x10, v3  }
0xa1: {  	[tilespmem:v5+s7+$0x0] =	vst.idx.msk $0xffff, v2  }
0xa2: {  	[tilespmem:v5+s8+$0x0] =	vst.idx.msk $0xffff, v2;
	v5 =	vor.u32 $0x11, v3  }
0xa3: {  	[tilespmem:v6+s7+$0x0] =	vst.idx.msk $0xffff, v2  }
0xa4: {  	[tilespmem:v6+s8+$0x0] =	vst.idx.msk $0xffff, v2;
	v6 =	vor.u32 $0x12, v3  }
0xa5: {  	[tilespmem:v4+s7+$0x0] =	vst.idx.msk $0xffff, v2  }
0xa6: {  	[tilespmem:v4+s8+$0x0] =	vst.idx.msk $0xffff, v2;
	v4 =	vor.u32 $0x13, v3  }
0xa7: {  	[tilespmem:v5+s7+$0x0] =	vst.idx.msk $0xffff, v2  }
0xa8: {  	[tilespmem:v5+s8+$0x0] =	vst.idx.msk $0xffff, v2;
	v5 =	vor.u32 $0x14, v3  }
0xa9: {  	[tilespmem:v6+s7+$0x0] =	vst.idx.msk $0xffff, v2  }
0xaa: {  	[tilespmem:v6+s8+$0x0] =	vst.idx.msk $0xffff, v2;
	v6 =	vor.u32 $0x15, v3  }
0xab: {  	[tilespmem:v4+s7+$0x0] =	vst.idx.msk $0xffff, v2  }
0xac: {  	[tilespmem:v4+s8+$0x0] =	vst.idx.msk $0xffff, v2;
	v4 =	vor.u32 $0x16, v3  }
0xad: {  	[tilespmem:v5+s7+$0x0] =	vst.idx.msk $0xffff, v2  }
0xae: {  	[tilespmem:v5+s8+$0x0] =	vst.idx.msk $0xffff, v2;
	v5 =	vor.u32 $0x17, v3  }
0xaf: {  	[tilespmem:v6+s7+$0x0] =	vst.idx.msk $0xffff, v2  }
0xb0: {  	[tilespmem:v6+s8+$0x0] =	vst.idx.msk $0xffff, v2;
	v6 =	vor.u32 $0x18, v3  }
0xb1: {  	[tilespmem:v4+s7+$0x0] =	vst.idx.msk $0xffff, v2  }
0xb2: {  	[tilespmem:v4+s8+$0x0] =	vst.idx.msk $0xffff, v2;
	v4 =	vor.u32 $0x19, v3  }
0xb3: {  	[tilespmem:v5+s7+$0x0] =	vst.idx.msk $0xffff, v2  }
0xb4: {  	[tilespmem:v5+s8+$0x0] =	vst.idx.msk $0xffff, v2;
	v5 =	vor.u32 $0x1A, v3  }
0xb5: {  	[tilespmem:v6+s7+$0x0] =	vst.idx.msk $0xffff, v2  }
0xb6: {  	[tilespmem:v6+s8+$0x0] =	vst.idx.msk $0xffff, v2;
	v6 =	vor.u32 $0x1B, v3  }
0xb7: {  	[tilespmem:v4+s7+$0x0] =	vst.idx.msk $0xffff, v2  }
0xb8: {  	[tilespmem:v4+s8+$0x0] =	vst.idx.msk $0xffff, v2;
	v4 =	vor.u32 $0x1C, v3  }
0xb9: {  	[tilespmem:v5+s7+$0x0] =	vst.idx.msk $0xffff, v2  }
0xba: {  	[tilespmem:v5+s8+$0x0] =	vst.idx.msk $0xffff, v2;
	v5 =	vor.u32 $0x1D, v3  }
0xbb: {  	[tilespmem:v6+s7+$0x0] =	vst.idx.msk $0xffff, v2  }
0xbc: {  	[tilespmem:v6+s8+$0x0] =	vst.idx.msk $0xffff, v2;
	v6 =	vor.u32 $0x1E, v3  }
0xbd: {  	[tilespmem:v4+s7+$0x0] =	vst.idx.msk $0xffff, v2  }
0xbe: {  	[tilespmem:v4+s8+$0x0] =	vst.idx.msk $0xffff, v2;
	v4 =	vor.u32 $0x1F, v3  }
0xbf: {  	[tilespmem:v5+s7+$0x0] =	vst.idx.msk $0xffff, v2  }
0xc0: {  	[tilespmem:v5+s8+$0x0] =	vst.idx.msk $0xffff, v2;
	v5 =	vor.u32 $0x20, v3  }
0xc1: {  	[tilespmem:v6+s7+$0x0] =	vst.idx.msk $0xffff, v2  }
0xc2: {  	[tilespmem:v6+s8+$0x0] =	vst.idx.msk $0xffff, v2;
	v6 =	vor.u32 $0x21, v3  }
0xc3: {  	[tilespmem:v4+s7+$0x0] =	vst.idx.msk $0xffff, v2  }
0xc4: {  	[tilespmem:v4+s8+$0x0] =	vst.idx.msk $0xffff, v2;
	v4 =	vor.u32 $0x22, v3  }
0xc5: {  	[tilespmem:v5+s7+$0x0] =	vst.idx.msk $0xffff, v2  }
0xc6: {  	[tilespmem:v5+s8+$0x0] =	vst.idx.msk $0xffff, v2;
	v5 =	vor.u32 $0x23, v3  }
0xc7: {  	[tilespmem:v6+s7+$0x0] =	vst.idx.msk $0xffff, v2  }
0xc8: {  	v7 =	vor.u32 $0x24, v3;
	[tilespmem:v6+s8+$0x0] =	vst.idx.msk $0xffff, v2  }
0xc9: {  	[tilespmem:v4+s7+$0x0] =	vst.idx.msk $0xffff, v2  }
.Ltmp1:
0xca: {  	v6 =	vor.u32 $0x25, v3;
	[tilespmem:v4+s8+$0x0] =	vst.idx.msk $0xffff, v2;
	(pc) =	sbr.rel @p0 .LBB2_4-.Ltmp1, $4  }
0xcb: {  	[tilespmem:v5+s7+$0x0] =	vst.idx.msk $0xffff, v2  }
0xcc: {  	v4 =	vor.u32 $0x26, v3;
	[tilespmem:v5+s8+$0x0] =	vst.idx.msk $0xffff, v2  }
0xcd: {  	[tilespmem:v7+s7+$0x0] =	vst.idx.msk $0xffff, v2  }
0xce: {  	s13 =	sadd.s32 $0x10, s13;
	v5 =	vor.u32 $0x27, v3;
	[tilespmem:v7+s8+$0x0] =	vst.idx.msk $0xffff, v2  }
0xcf: {  	_ =	sdelay $0x3  }
0xd0: {  	[tilespmem:v6+s7+$0x0] =	vst.idx.msk $0xffff, v2  }
0xd1: {  	v3 =	vor.u32 $0x28, v3;
	[tilespmem:v6+s8+$0x0] =	vst.idx.msk $0xffff, v2  }
0xd2: {  	[tilespmem:v4+s7+$0x0] =	vst.idx.msk $0xffff, v2  }
0xd3: {  	[tilespmem:v4+s8+$0x0] =	vst.idx.msk $0xffff, v2  }
0xd4: {  	[tilespmem:v5+s7+$0x0] =	vst.idx.msk $0xffff, v2  }
0xd5: {  	[tilespmem:v5+s8+$0x0] =	vst.idx.msk $0xffff, v2  }
0xd6: {  	[tilespmem:v3+s7+$0x0] =	vst.idx.msk $0xffff, v2  }
0xd7: {  	[tilespmem:v3+s8+$0x0] =	vst.idx.msk $0xffff, v2  }
0xd8: {  	_ =	swait.ge [sflag:s9], $0x8000  }
0xd9: {  	[sflag:s9] =	ssyncset.done $0x0  }
0xda: {  	s13 =	simm.s32 $0x0;
	p0 =	por $0x1, $0x1;
	[sflag:s9] =	ssyncadd.s32 $0xFFFF8000  }
.LBB2_6:
0xdb: {  	v3 =	vld [tilespmem:s13+$0x18000];
	_ =	sdelay $0x2  }
0xdc: {  	v4 =	vmov s13  }
0xdd: {  	v4 =	vshll.u32 v4, $0x7  }
0xde: {  	v14 =	vor.u32 v1, v4;
	v5 =	vand.u32 $0xFFFFFF80, v3  }
0xdf: {  	v3 =	vand.u32 $0x7F, v3;
	v4 =	vadd.s32 v14, v5  }
0xe0: {  	v3 =	vor.u32 v3, v4;
	_ =	sdelay $0x4  }
0xe1: {  	[tilespmem:v3+s7+$0x0] =	vst.idx.msk $0xffff, v2  }
0xe2: {  	v3 =	vld [tilespmem:s13+$0x18100];
	_ =	sdelay $0x3  }
0xe3: {  	v32 =	vld [tilespmem:s13+$0x18010]  }
0xe4: {  	v33 =	vand.u32 $0xFFFFFF80, v3  }
0xe5: {  	s14 =	sor.u32 $0x10, s13;
	v3 =	vand.u32 $0x7F, v3;
	v5 =	vadd.s32 v14, v33  }
0xe6: {  	v5 =	vor.u32 v3, v5;
	v3 =	vmov s14  }
0xe7: {  	v3 =	vshll.u32 v3, $0x7  }
0xe8: {  	v6 =	vand.u32 $0xFFFFFF80, v32;
	v3 =	vor.u32 v1, v3  }
0xe9: {  	v4 =	vand.u32 $0x7F, v32;
	v6 =	vadd.s32 v3, v6  }
0xea: {  	v4 =	vor.u32 v4, v6;
	_ =	sdelay $0x2  }
0xeb: {  	[tilespmem:v5+s7+$0x0] =	vst.idx.msk $0xffff, v2  }
0xec: {  	v5 =	vld [tilespmem:s13+$0x0]  }
0xed: {  	[tilespmem:v4+s7+$0x0] =	vst.idx.msk $0xffff, v2  }
0xee: {  	v4 =	vld [tilespmem:s13+$0x18110];
	_ =	sdelay $0x2  }
0xef: {  	v34 =	vand.u32 $0x7FFFFFFF, v5  }
0xf0: {  	v6 =	vadd.f32 $1.000000000e+00, v34  }
0xf1: {  	v8 =	vand.u32 $0xFFFFFF80, v4  }
0xf2: {  	v7 =	vand.u32 $0x7FFFFF, v6;
	v4 =	vand.u32 $0x7F, v4;
	v8 =	vadd.s32 v3, v8  }
0xf3: {  	v35 =	vld [tilespmem:s13+$0x18020];
	v7 =	vor.u32 $0x3F800000, v7;
	v4 =	vor.u32 v4, v8  }
0xf4: {  	v9 =	vmul.f32 $5.000000000e-01, v7  }
0xf5: {  	s16 =	sor.u32 $0x20, s13;
	vm1 =	vgt.f32 v7, $1.414213540e+00  }
0xf6: {  	v36 =	vmov s16;
	v7 =	vsel vm1, v9, v7  }
0xf7: {  	v37 =	vshll.u32 v36, $0x7;
	v9 =	vadd.f32 $1.000000000e+00, v7  }
0xf8: {  	v38 =	vand.u32 $0xFFFFFF80, v35;
	[tilespmem:v4+s7+$0x0] =	vst.idx.msk $0xffff, v2;
	v4 =	vor.u32 v1, v37  }
0xf9: {  	v8 =	vand.u32 $0x7F, v35;
	(erf) = vrcp.f32 v9;
	v9 =	vadd.s32 v4, v38  }
0xfa: {  	v8 =	vor.u32 v8, v9  }
0xfb: {  	v12 =	vld [tilespmem:s14+$0x0];
	_ =	sdelay $0x3  }
0xfc: {  	[tilespmem:v8+s7+$0x0] =	vst.idx.msk $0xffff, v2  }
0xfd: {  	v39 =	vand.u32 $0x7FFFFFFF, v12;
	v41 =	vld [tilespmem:s13+$0x18120]  }
0xfe: {  	v7 =	vadd.f32 $-1.000000000e+00, v7;
	v9 =	vadd.f32 $1.000000000e+00, v39  }
0xff: {  	v10 =	vpop (erf)  }
0x100: {  	v7 =	vmul.f32 v10, v7;
	v40 =	vand.u32 $0x7FFFFF, v9  }
0x101: {  	v42 =	vld [tilespmem:s13+$0x18030];
	v8 =	vor.u32 $0x3F800000, v40  }
0x102: {  	v11 =	vmul.f32 v7, v7;
	v13 =	vmul.f32 $5.000000000e-01, v8;
	v16 =	vand.u32 $0xFFFFFF80, v41  }
0x103: {  	vm0 =	vgt.f32 v8, $1.414213540e+00;
	v10 =	vand.u32 $0x7F, v41;
	v16 =	vadd.s32 v4, v16  }
0x104: {  	s15 =	sor.u32 $0x30, s13;
	v15 =	vmul.f32 $1.428571490e-01, v11;
	v8 =	vsel vm0, v13, v8;
	v10 =	vor.u32 v10, v16  }
0x105: {  	v17 =	vmov s15;
	v13 =	vadd.f32 $1.000000000e+00, v8  }
0x106: {  	v44 =	vshll.u32 v17, $0x7;
	v45 =	vand.u32 $0xFFFFFF80, v42;
	v15 =	vadd.f32 $2.000000030e-01, v15  }
0x107: {  	v6 =	vshrl.u32 v6, $0x17;
	v43 =	vsel vm1, $0x1, v0;
	(erf) = vrcp.f32 v13  }
0x108: {  	v16 =	vadd.s32 v43, v6;
	v6 =	vor.u32 v1, v44;
	v15 =	vmul.f32 v15, v11  }
0x109: {  	v13 =	vand.u32 $0x7F, v42;
	[tilespmem:v10+s7+$0x0] =	vst.idx.msk $0xffff, v2;
	v10 =	vadd.s32 v6, v45  }
0x10a: {  	v15 =	vadd.f32 $3.333333430e-01, v15;
	v10 =	vor.u32 v13, v10  }
0x10b: {  	s28 =	sor.u32 $0x40, s13;
	s29 =	sor.u32 $0x50, s13  }
0x10c: {  	v26 =	vmov s28;
	v47 =	vmov s29;
	v15 =	vmul.f32 v15, v11;
	v46 =	vld [tilespmem:s16+$0x0]  }
0x10d: {  	v9 =	vshrl.u32 v9, $0x17;
	v7 =	vadd.f32 v7, v7;
	v16 =	vadd.s32 $0xFFFFFF81, v16  }
0x10e: {  	v25 =	vsel vm0, $0x1, v0;
	v60 =	vcvt.s32.f32 v16;
	v15 =	vadd.f32 $1.000000000e+00, v15  }
0x10f: {  	v5 =	vand.u32 $0x80000000, v5;
	v9 =	vadd.s32 v25, v9;
	v8 =	vadd.f32 $-1.000000000e+00, v8;
	[tilespmem:v10+s7+$0x0] =	vst.idx.msk $0xffff, v2  }
0x110: {  	v9 =	vadd.s32 $0xFFFFFF81, v9;
	v13 =	vmul.f32 $6.931471820e-01, v60;
	v7 =	vmul.f32 v15, v7;
	v61 =	vpop (erf);
	v10 =	vld [tilespmem:s13+$0x18130]  }
0x111: {  	v9 =	vcvt.s32.f32 v9;
	v8 =	vmul.f32 v61, v8;
	v62 =	vand.u32 $0x7FFFFFFF, v46  }
0x112: {  	v36 =	vand.u32 $0x80000000, v12;
	v7 =	vadd.f32 v7, v13;
	v15 =	vadd.f32 $1.000000000e+00, v62  }
0x113: {  	v30 =	vmul.f32 $6.931471820e-01, v9;
	v11 =	vand.u32 $0x80000000, v46;
	v63 =	vmul.f32 v8, v8  }
0x114: {  	v13 =	vshll.u32 v26, $0x7;
	v5 =	vor.u32 v7, v5;
	v21 =	vand.u32 $0x7FFFFF, v15  }
0x115: {  	v20 =	vmul.f32 $1.428571490e-01, v63;
	v16 =	vor.u32 $0x3F800000, v21;
	v23 =	vand.u32 $0xFFFFFF80, v10  }
0x116: {  	v33 =	vld [tilespmem:s13+$0x18050];
	v22 =	vmul.f32 $5.000000000e-01, v16;
	v10 =	vand.u32 $0x7F, v10;
	v17 =	vadd.s32 v6, v23  }
0x117: {  	vm13 =	vgt.f32 v16, $1.414213540e+00;
	v7 =	vadd.f32 $2.000000030e-01, v20;
	v20 =	vld [tilespmem:s13+$0x18040];
	v10 =	vor.u32 v10, v17  }
0x118: {  	v8 =	vadd.f32 v8, v8;
	v5 =	vmax.f32 v5, $-2.000000000e+01;
	v16 =	vsel vm13, v22, v16  }
0x119: {  	v5 =	vmin.f32 v5, $2.000000000e+01;
	v7 =	vmul.f32 v7, v63;
	v19 =	vadd.f32 $1.000000000e+00, v16  }
0x11a: {  	v15 =	vshrl.u32 v15, $0x17;
	v18 =	vtrunc.f32 v5;
	v58 =	vsel vm13, $0x1, v0  }
0x11b: {  	v18 =	vcvt.f32.s32 v18;
	v7 =	vadd.f32 $3.333333430e-01, v7;
	(erf) = vrcp.f32 v19  }
0x11c: {  	v22 =	vand.u32 $0xFFFFFF80, v33;
	v21 =	vand.u32 $0xFFFFFF80, v20;
	[tilespmem:v10+s7+$0x0] =	vst.idx.msk $0xffff, v2;
	v10 =	vor.u32 v1, v13  }
0x11d: {  	v27 =	vand.u32 $0x7F, v20;
	v7 =	vmul.f32 v7, v63;
	v28 =	vadd.s32 v10, v21  }
0x11e: {  	v15 =	vadd.s32 v58, v15;
	v24 =	vcvt.s32.f32 v18;
	v17 =	vld [tilespmem:s15+$0x0];
	v13 =	vor.u32 v27, v28  }
0x11f: {  	v16 =	vadd.f32 $-1.000000000e+00, v16;
	v15 =	vadd.s32 $0xFFFFFF81, v15;
	v7 =	vadd.f32 $1.000000000e+00, v7  }
0x120: {  	v15 =	vcvt.s32.f32 v15;
	v29 =	vadd.f32 $-1.000000000e+00, v24;
	vm14 =	vlt.f32 v5, v24  }
0x121: {  	v20 =	vand.u32 $0x7F, v33;
	v32 =	vsel vm14, $0xFFFFFFFF, v0;
	v7 =	vmul.f32 v7, v8  }
0x122: {  	v15 =	vmul.f32 $6.931471820e-01, v15;
	v31 =	vsel vm14, v29, v24;
	v18 =	vadd.s32 v18, v32  }
0x123: {  	v9 =	vsub.f32 v5, v31;
	v34 =	vadd.f32 v7, v30;
	v37 =	vand.u32 $0x7FFFFFFF, v17;
	[tilespmem:v13+s7+$0x0] =	vst.idx.msk $0xffff, v2  }
0x124: {  	v53 =	vadd.s32 $0x15, v18;
	v7 =	vshll.u32 v47, $0x7;
	v35 =	vpop (erf);
	v38 =	vadd.f32 $1.000000000e+00, v37;
	v13 =	vld [tilespmem:s13+$0x18140]  }
0x125: {  	v8 =	vor.u32 v1, v7;
	v16 =	vmul.f32 v35, v16;
	v5 =	vor.u32 v34, v36  }
0x126: {  	v51 =	vadd.s32 v8, v22;
	v5 =	vmax.f32 v5, $-2.000000000e+01;
	v49 =	vand.u32 $0x7FFFFF, v38  }
0x127: {  	v20 =	vor.u32 v20, v51;
	v48 =	vmul.f32 v16, v16;
	v50 =	vor.u32 $0x3F800000, v49  }
0x128: {  	vm15 =	vlt.s32 v53, $0x28;
	v24 =	vmin.f32 v5, $2.000000000e+01;
	v23 =	vmul.f32 $5.000000000e-01, v50  }
0x129: {  	v52 =	vmul.f32 $1.428571490e-01, v48;
	vm3 =	vgt.f32 v50, $1.414213540e+00;
	v54 =	vand.u32 $0xFFFFFF80, v13  }
0x12a: {  	v23 =	vsel vm3, v23, v50;
	v13 =	vand.u32 $0x7F, v13;
	v5 =	vadd.s32 v10, v54  }
0x12b: {  	vm0 =	vlt.s32 v53, $0x29;
	v7 =	vadd.f32 $1.000000000e+00, v23;
	v13 =	vor.u32 v13, v5  }
0x12c: {  	v17 =	vand.u32 $0x80000000, v17;
	v25 =	vtrunc.f32 v24;
	v22 =	vadd.f32 $2.000000030e-01, v52;
	[tilespmem:v20+s7+$0x0] =	vst.idx.msk $0xffff, v2  }
0x12d: {  	v16 =	vadd.f32 v16, v16;
	v25 =	vcvt.f32.s32 v25;
	v26 =	vld [tilespmem:s13+$0x18150];
	(erf) = vrcp.f32 v7  }
0x12e: {  	v19 =	vshrl.u32 v38, $0x17;
	v33 =	vsel vm3, $0x1, v0;
	v22 =	vmul.f32 v22, v48  }
0x12f: {  	v57 =	vcvt.s32.f32 v25;
	v19 =	vadd.s32 v33, v19;
	v23 =	vadd.f32 $-1.000000000e+00, v23  }
0x130: {  	v19 =	vadd.s32 $0xFFFFFF81, v19;
	v5 =	vnsel vm15, $0x28, v53;
	v56 =	vadd.f32 $3.333333430e-01, v22;
	[tilespmem:v13+s7+$0x0] =	vst.idx.msk $0xffff, v2  }
0x131: {  	v60 =	vadd.f32 $-1.000000000e+00, v57;
	vm4 =	vlt.f32 v24, v57;
	v19 =	vcvt.s32.f32 v19;
	v20 =	vld [tilespmem:s28+$0x0]  }
0x132: {  	v7 =	vadd.s32 $0x14, v18;
	v59 =	vmul.f32 v56, v48;
	v62 =	vand.u32 $0xFFFFFF80, v26  }
0x133: {  	v55 =	vand.u32 $0xFFFFFF80, v5;
	v26 =	vand.u32 $0x7F, v26;
	v22 =	vadd.s32 v8, v62  }
0x134: {  	v27 =	vand.u32 $0x7F, v5;
	v61 =	vadd.f32 $1.000000000e+00, v59;
	v22 =	vor.u32 v26, v22  }
0x135: {  	v41 =	vsel vm4, $0xFFFFFFFF, v0;
	v18 =	vadd.s32 v14, v55;
	v63 =	vsel vm4, v60, v57  }
0x136: {  	v25 =	vadd.s32 v25, v41;
	v39 =	vmul.f32 v61, v16;
	v40 =	vpop (erf);
	v43 =	vand.u32 $0x7FFFFFFF, v20  }
0x137: {  	s30 =	sor.u32 $0x60, s13;
	v30 =	vand.u32 $0xFFFFFF80, v7;
	v42 =	vmul.f32 v40, v23;
	v28 =	vadd.f32 $1.000000000e+00, v43  }
0x138: {  	v49 =	vand.u32 $0x7F, v7;
	v55 =	vmov s30;
	v13 =	vadd.f32 v39, v15  }
0x139: {  	v53 =	vld [tilespmem:s13+$0x18060];
	v12 =	vor.u32 v27, v18;
	[tilespmem:v22+s7+$0x0] =	vst.idx.msk $0xffff, v2;
	v44 =	vmul.f32 v42, v42;
	v45 =	vand.u32 $0x7FFFFF, v28  }
0x13a: {  	v56 =	vmul.f32 $6.931471820e-01, v19;
	v11 =	vor.u32 v13, v11;
	v22 =	vld [tilespmem:s29+$0x0];
	v13 =	vor.u32 $0x3F800000, v45  }
0x13b: {  	v14 =	vadd.s32 v14, v30;
	v47 =	vmul.f32 $1.428571490e-01, v44;
	v48 =	vmul.f32 $5.000000000e-01, v13  }
0x13c: {  	v18 =	vor.u32 v49, v14;
	v19 =	vsub.f32 v24, v63;
	vm2 =	vgt.f32 v13, $1.414213540e+00  }
0x13d: {  	v46 =	vmax.f32 v11, $-2.000000000e+01;
	v23 =	vadd.f32 $2.000000030e-01, v47;
	v13 =	vsel vm2, v48, v13  }
0x13e: {  	v37 =	vand.u32 $0xFFFFFF80, v53;
	v21 =	vmin.f32 v46, $2.000000000e+01;
	v31 =	vadd.f32 $1.000000000e+00, v13  }
0x13f: {  	v29 =	vtrunc.f32 v21;
	v34 =	vand.u32 $0x7FFFFFFF, v22;
	v23 =	vmul.f32 v23, v44  }
0x140: {  	v29 =	vcvt.f32.s32 v29;
	(erf) = vrcp.f32 v31;
	v31 =	vadd.f32 $1.000000000e+00, v34  }
0x141: {  	v59 =	vand.u32 $0x7F, v53;
	v16 =	vadd.s32 $0x15, v25;
	v23 =	vadd.f32 $3.333333430e-01, v23  }
0x142: {  	vm5 =	vlt.s32 v16, $0x28;
	v32 =	vcvt.s32.f32 v29;
	v51 =	vand.u32 $0x7FFFFF, v31  }
0x143: {  	v20 =	vand.u32 $0x80000000, v20;
	v15 =	vmul.f32 v23, v44;
	v52 =	vor.u32 $0x3F800000, v51  }
0x144: {  	v27 =	vadd.f32 v42, v42;
	v50 =	vadd.f32 $-1.000000000e+00, v32;
	v54 =	vmul.f32 $5.000000000e-01, v52  }
0x145: {  	s31 =	sor.u32 $0x70, s13;
	v40 =	vld [tilespmem:s13+$0x18070];
	vm6 =	vlt.f32 v21, v32;
	v15 =	vadd.f32 $1.000000000e+00, v15;
	vm7 =	vgt.f32 v52, $1.414213540e+00  }
0x146: {  	v43 =	vmov s31;
	v23 =	vsel vm6, v50, v32;
	v32 =	vsel vm7, v54, v52  }
0x147: {  	v15 =	vmul.f32 v15, v27;
	v27 =	vshll.u32 v55, $0x7;
	v57 =	vadd.f32 $1.000000000e+00, v32  }
0x148: {  	v11 =	vnsel vm5, $0x28, v16;
	v36 =	vadd.f32 $-1.000000000e+00, v13;
	v13 =	vor.u32 v1, v27  }
0x149: {  	vm5 =	vlt.s32 v16, $0x29;
	v60 =	vadd.s32 v13, v37;
	v58 =	vpop (erf);
	(erf) = vrcp.f32 v57  }
0x14a: {  	v41 =	vand.u32 $0xFFFFFF80, v11;
	v45 =	vand.u32 $0xFFFFFF80, v40;
	v33 =	vor.u32 v59, v60  }
0x14b: {  	v47 =	vshrl.u32 v28, $0x17;
	v48 =	vsel vm2, $0x1, v0;
	v61 =	vmul.f32 v58, v36  }
0x14c: {  	v26 =	vadd.s32 v48, v47;
	v47 =	vand.u32 $0x80000000, v22;
	v62 =	vadd.f32 v15, v56  }
0x14d: {  	v26 =	vadd.s32 $0xFFFFFF81, v26;
	v35 =	vsel vm6, $0xFFFFFFFF, v0;
	v63 =	vmul.f32 v61, v61  }
0x14e: {  	v34 =	vand.u32 $0x7F, v11;
	v26 =	vcvt.s32.f32 v26;
	v14 =	vor.u32 v62, v17  }
0x14f: {  	v29 =	vadd.s32 v29, v35;
	v14 =	vmax.f32 v14, $-2.000000000e+01;
	v42 =	vmul.f32 $1.428571490e-01, v63;
	[tilespmem:v33+s7+$0x0] =	vst.idx.msk $0xffff, v2  }
0x150: {  	v24 =	vadd.s32 $0x15, v29;
	v27 =	vmin.f32 v14, $2.000000000e+01;
	v14 =	vshll.u32 v43, $0x7;
	v33 =	vld [tilespmem:s13+$0x18160]  }
0x151: {  	v32 =	vadd.f32 $-1.000000000e+00, v32;
	v14 =	vor.u32 v1, v14;
	v17 =	vadd.f32 $2.000000030e-01, v42  }
0x152: {  	v15 =	vadd.s32 $0x14, v25;
	v25 =	vand.u32 $0x7F, v40;
	v35 =	vadd.s32 v14, v45;
	v46 =	vpop (erf)  }
0x153: {  	v25 =	vor.u32 v25, v35;
	v17 =	vmul.f32 v17, v63;
	v32 =	vmul.f32 v46, v32  }
0x154: {  	v26 =	vmul.f32 $6.931471820e-01, v26;
	v31 =	vshrl.u32 v31, $0x17;
	vm8 =	vlt.s32 v24, $0x28  }
0x155: {  	v17 =	vadd.f32 $3.333333430e-01, v17;
	v50 =	vand.u32 $0xFFFFFF80, v33;
	v49 =	vmul.f32 v32, v32  }
0x156: {  	v21 =	vsub.f32 v21, v23;
	v51 =	vand.u32 $0x7F, v33;
	v52 =	vadd.s32 v13, v50  }
0x157: {  	v17 =	vmul.f32 v17, v63;
	v33 =	vor.u32 v51, v52;
	v53 =	vmul.f32 $1.428571490e-01, v49  }
0x158: {  	vm6 =	vlt.s32 v24, $0x29;
	v56 =	vsel vm7, $0x1, v0;
	v30 =	vadd.f32 v61, v61;
	[tilespmem:v25+s7+$0x0] =	vst.idx.msk $0xffff, v2  }
0x159: {  	v44 =	vtrunc.f32 v27;
	v55 =	vld [tilespmem:s13+$0x18170];
	v17 =	vadd.f32 $1.000000000e+00, v17;
	v35 =	vadd.f32 $2.000000030e-01, v53  }
0x15a: {  	v31 =	vadd.s32 v56, v31;
	v36 =	vadd.s32 v3, v41;
	v38 =	vcvt.f32.s32 v44  }
0x15b: {  	v59 =	vadd.s32 $0xFFFFFF81, v31;
	v30 =	vmul.f32 v17, v30;
	v35 =	vmul.f32 v35, v49  }
0x15c: {  	v34 =	vor.u32 v34, v36;
	v44 =	vand.u32 $0xFFFFFF80, v15;
	v54 =	vcvt.s32.f32 v38;
	[tilespmem:v33+s7+$0x0] =	vst.idx.msk $0xffff, v2  }
0x15d: {  	v3 =	vadd.s32 v3, v44;
	v30 =	vadd.f32 v30, v26;
	v26 =	vld [tilespmem:s30+$0x0];
	v35 =	vadd.f32 $3.333333430e-01, v35  }
0x15e: {  	vm9 =	vlt.f32 v27, v54;
	v39 =	vadd.f32 $-1.000000000e+00, v54;
	v57 =	vand.u32 $0xFFFFFF80, v55  }
0x15f: {  	v58 =	vand.u32 $0x7F, v55;
	v33 =	vadd.s32 v14, v57;
	v28 =	vmul.f32 v35, v49  }
0x160: {  	v40 =	vsel vm9, $0xFFFFFFFF, v0;
	v17 =	vnsel vm8, $0x28, v24;
	v60 =	vor.u32 v58, v33  }
0x161: {  	v32 =	vadd.f32 v32, v32;
	v57 =	vand.u32 $0xFFFFFF80, v17;
	v28 =	vadd.f32 $1.000000000e+00, v28  }
0x162: {  	v33 =	vadd.s32 v38, v40;
	v20 =	vor.u32 v30, v20;
	v61 =	vand.u32 $0x7FFFFFFF, v26  }
0x163: {  	v30 =	vcvt.s32.f32 v59;
	v28 =	vmul.f32 v28, v32;
	v32 =	vadd.f32 $1.000000000e+00, v61  }
0x164: {  	v58 =	vand.u32 $0x7F, v17;
	v37 =	vadd.s32 $0x15, v33;
	v20 =	vmax.f32 v20, $-2.000000000e+01  }
0x165: {  	v30 =	vmul.f32 $6.931471820e-01, v30;
	v38 =	vmin.f32 v20, $2.000000000e+01;
	[tilespmem:v60+s7+$0x0] =	vst.idx.msk $0xffff, v2;
	v62 =	vand.u32 $0x7FFFFF, v32  }
0x166: {  	vm10 =	vlt.s32 v37, $0x28;
	v20 =	vtrunc.f32 v38;
	v25 =	vld [tilespmem:s31+$0x0];
	v48 =	vor.u32 $0x3F800000, v62  }
0x167: {  	v63 =	vcvt.f32.s32 v20;
	v28 =	vadd.f32 v28, v30;
	v49 =	vmul.f32 $5.000000000e-01, v48  }
0x168: {  	vm7 =	vlt.s32 v37, $0x29;
	v35 =	vsel vm9, v39, v54;
	vm11 =	vgt.f32 v48, $1.414213540e+00  }
0x169: {  	v50 =	vcvt.s32.f32 v63;
	v20 =	vor.u32 v28, v47;
	v28 =	vsel vm11, v49, v48  }
0x16a: {  	v27 =	vsub.f32 v27, v35;
	v26 =	vand.u32 $0x80000000, v26;
	v53 =	vadd.f32 $1.000000000e+00, v28  }
0x16b: {  	v32 =	vshrl.u32 v32, $0x17;
	vm12 =	vlt.f32 v38, v50;
	v54 =	vand.u32 $0x7FFFFFFF, v25  }
0x16c: {  	v41 =	vadd.f32 $-1.000000000e+00, v50;
	v40 =	vadd.f32 $1.000000000e+00, v54;
	(erf) = vrcp.f32 v53  }
0x16d: {  	v43 =	vsel vm12, $0xFFFFFFFF, v0;
	v25 =	vand.u32 $0x80000000, v25;
	v51 =	vmax.f32 v20, $-2.000000000e+01  }
0x16e: {  	v20 =	vnsel vm10, $0x28, v37;
	v30 =	vadd.s32 v63, v43;
	v22 =	vand.u32 $0x7FFFFF, v40  }
0x16f: {  	v31 =	vsel vm12, v41, v50;
	v39 =	vmin.f32 v51, $2.000000000e+01;
	v46 =	vor.u32 $0x3F800000, v22  }
0x170: {  	v41 =	vadd.s32 $0x15, v30;
	v48 =	vand.u32 $0x7F, v15;
	v47 =	vmul.f32 $5.000000000e-01, v46  }
0x171: {  	v62 =	vand.u32 $0xFFFFFF80, v20;
	v63 =	vand.u32 $0x7F, v20;
	vm15 =	vgt.f32 v46, $1.414213540e+00  }
0x172: {  	v31 =	vsub.f32 v38, v31;
	v49 =	vsel vm11, $0x1, v0;
	v44 =	vsel vm15, v47, v46  }
0x173: {  	v52 =	vtrunc.f32 v39;
	vm13 =	vlt.s32 v41, $0x28;
	v46 =	vadd.f32 $1.000000000e+00, v44  }
0x174: {  	v36 =	vor.u32 v48, v3;
	v3 =	vadd.s32 $0x14, v29;
	v56 =	vadd.f32 $-1.000000000e+00, v28  }
0x175: {  	v28 =	vadd.s32 v4, v57;
	v32 =	vadd.s32 v49, v32;
	v59 =	vpop (erf);
	(erf) = vrcp.f32 v46  }
0x176: {  	vm8 =	vlt.s32 v41, $0x29;
	v42 =	vcvt.f32.s32 v52;
	v22 =	vnsel vm13, $0x28, v41  }
0x177: {  	v60 =	vand.u32 $0xFFFFFF80, v3;
	v28 =	vor.u32 v58, v28;
	v61 =	vand.u32 $0x7F, v3  }
0x178: {  	v32 =	vadd.s32 $0xFFFFFF81, v32;
	v4 =	vadd.s32 v4, v60;
	v23 =	vmul.f32 v59, v56  }
0x179: {  	v57 =	vand.u32 $0x7F, v22;
	v55 =	vcvt.s32.f32 v42;
	v29 =	vor.u32 v61, v4  }
0x17a: {  	v4 =	vadd.s32 $0x14, v33;
	v33 =	vadd.s32 v6, v62;
	v35 =	vmul.f32 v23, v23  }
0x17b: {  	v32 =	vcvt.s32.f32 v32;
	v52 =	vand.u32 $0xFFFFFF80, v4;
	v33 =	vor.u32 v63, v33  }
0x17c: {  	v54 =	vand.u32 $0x7F, v4;
	v45 =	vadd.f32 $-1.000000000e+00, v55;
	v53 =	vmul.f32 $1.428571490e-01, v35  }
0x17d: {  	v32 =	vmul.f32 $6.931471820e-01, v32;
	vm14 =	vlt.f32 v39, v55;
	v44 =	vadd.f32 $-1.000000000e+00, v44  }
0x17e: {  	v43 =	vsel vm14, v45, v55;
	v45 =	vsel vm14, $0xFFFFFFFF, v0;
	v55 =	vadd.f32 $2.000000030e-01, v53;
	v58 =	vpop (erf)  }
0x17f: {  	v6 =	vadd.s32 v6, v52;
	v42 =	vadd.s32 v42, v45;
	v44 =	vmul.f32 v58, v44  }
0x180: {  	v39 =	vsub.f32 v39, v43;
	v45 =	vadd.s32 $0x15, v42;
	v38 =	vmul.f32 v55, v35  }
0x181: {  	vm4 =	vlt.s32 v45, $0x28;
	vm9 =	vlt.s32 v45, $0x29;
	v61 =	vmul.f32 v44, v44  }
0x182: {  	v46 =	vor.u32 v54, v6;
	v6 =	vadd.s32 $0x14, v30;
	v38 =	vadd.f32 $3.333333430e-01, v38  }
0x183: {  	v49 =	vnsel vm4, $0x28, v45;
	v54 =	vsel vm15, $0x1, v0;
	v62 =	vmul.f32 $1.428571490e-01, v61  }
0x184: {  	v56 =	vand.u32 $0xFFFFFF80, v22;
	v59 =	vand.u32 $0xFFFFFF80, v6;
	v35 =	vmul.f32 v38, v35  }
0x185: {  	v60 =	vand.u32 $0x7F, v6;
	v50 =	vand.u32 $0xFFFFFF80, v49;
	v38 =	vadd.f32 $2.000000030e-01, v62  }
0x186: {  	v63 =	vand.u32 $0x7F, v49;
	v23 =	vadd.f32 v23, v23;
	v35 =	vadd.f32 $1.000000000e+00, v35  }
0x187: {  	v30 =	vadd.s32 v10, v56;
	v10 =	vadd.s32 v10, v59;
	v38 =	vmul.f32 v38, v61  }
0x188: {  	v56 =	vnsel vm0, $0x0, v9;
	v9 =	vsub.f32 $1.000000000e+00, v9;
	v23 =	vmul.f32 v35, v23  }
0x189: {  	v30 =	vor.u32 v57, v30;
	v53 =	vshrl.u32 v40, $0x17;
	v52 =	vadd.f32 $3.333333430e-01, v38  }
0x18a: {  	v10 =	vor.u32 v60, v10;
	v55 =	vadd.s32 v54, v53;
	v23 =	vadd.f32 v23, v32  }
0x18b: {  	v57 =	vnsel vm5, $0x0, v19;
	v59 =	vadd.s32 $0xFFFFFF81, v55;
	v16 =	vmul.f32 v52, v61  }
0x18c: {  	v19 =	vsub.f32 $1.000000000e+00, v19;
	[tilespmem:v12+s7+$0x0] =	vst.idx.msk $0xffff, v56;
	v12 =	vcvt.s32.f32 v59;
	v23 =	vor.u32 v23, v26  }
0x18d: {  	[tilespmem:v18+s7+$0x0] =	vst.idx.msk $0xffff, v9;
	v60 =	vadd.f32 v44, v44;
	v23 =	vmax.f32 v23, $-2.000000000e+01;
	v16 =	vadd.f32 $1.000000000e+00, v16  }
0x18e: {  	v50 =	vadd.s32 v8, v50;
	[tilespmem:v34+s7+$0x0] =	vst.idx.msk $0xffff, v57;
	v12 =	vmul.f32 $6.931471820e-01, v12;
	v62 =	vmin.f32 v23, $2.000000000e+01  }
0x18f: {  	[tilespmem:v36+s7+$0x0] =	vst.idx.msk $0xffff, v19;
	v40 =	vnsel vm9, $0x0, v39;
	v23 =	vtrunc.f32 v62;
	v16 =	vmul.f32 v16, v60  }
0x190: {  	[tilespmem:s13+$0x18000] =	vst v7;
	v58 =	vnsel vm6, $0x0, v21;
	v61 =	vsub.f32 $1.000000000e+00, v21;
	v23 =	vcvt.f32.s32 v23  }
0x191: {  	[tilespmem:v28+s7+$0x0] =	vst.idx.msk $0xffff, v58;
	v35 =	vor.u32 v63, v50;
	v63 =	vadd.s32 $0x14, v42;
	v12 =	vadd.f32 v16, v12  }
0x192: {  	v28 =	vsub.f32 $1.000000000e+00, v27;
	v24 =	vand.u32 $0xFFFFFF80, v63;
	[tilespmem:v29+s7+$0x0] =	vst.idx.msk $0xffff, v61;
	v29 =	vcvt.s32.f32 v23  }
0x193: {  	[tilespmem:s13+$0x18100] =	vst v5;
	v36 =	vand.u32 $0x7F, v63;
	v8 =	vadd.s32 v8, v24;
	v34 =	vor.u32 v12, v25  }
0x194: {  	[tilespmem:s13+$0x18010] =	vst v15;
	v32 =	vnsel vm8, $0x0, v31;
	vm10 =	vlt.f32 v62, v29;
	v9 =	vmax.f32 v34, $-2.000000000e+01  }
0x195: {  	[tilespmem:v30+s7+$0x0] =	vst.idx.msk $0xffff, v32;
	v26 =	vnsel vm7, $0x0, v27;
	v37 =	vsel vm10, $0xFFFFFFFF, v0;
	v9 =	vmin.f32 v9, $2.000000000e+01  }
0x196: {  	v8 =	vor.u32 v36, v8;
	[tilespmem:v33+s7+$0x0] =	vst.idx.msk $0xffff, v26;
	v38 =	vadd.s32 v23, v37;
	v42 =	vtrunc.f32 v9  }
0x197: {  	v33 =	vsub.f32 $1.000000000e+00, v31;
	[tilespmem:v35+s7+$0x0] =	vst.idx.msk $0xffff, v40;
	v41 =	vadd.s32 $0x15, v38;
	v19 =	vcvt.f32.s32 v42  }
0x198: {  	v43 =	vsub.f32 $1.000000000e+00, v39;
	[tilespmem:v46+s7+$0x0] =	vst.idx.msk $0xffff, v28;
	v45 =	vadd.f32 $-1.000000000e+00, v29;
	vm11 =	vlt.s32 v41, $0x28  }
0x199: {  	[tilespmem:v10+s7+$0x0] =	vst.idx.msk $0xffff, v33;
	v10 =	vadd.s32 $0x14, v38;
	v44 =	vnsel vm11, $0x28, v41;
	v47 =	vcvt.s32.f32 v19  }
0x19a: {  	[tilespmem:s13+$0x18020] =	vst v3;
	v50 =	vand.u32 $0xFFFFFF80, v10;
	v3 =	vand.u32 $0x7F, v10;
	v46 =	vand.u32 $0xFFFFFF80, v44  }
0x19b: {  	[tilespmem:v8+s7+$0x0] =	vst.idx.msk $0xffff, v43;
	v48 =	vand.u32 $0x7F, v44;
	v8 =	vadd.s32 v13, v46;
	vm12 =	vlt.f32 v9, v47  }
0x19c: {  	[tilespmem:s13+$0x18110] =	vst v11;
	v11 =	vadd.s32 v13, v50;
	v8 =	vor.u32 v48, v8;
	v51 =	vsel vm12, $0xFFFFFFFF, v0  }
0x19d: {  	[tilespmem:s13+$0x18030] =	vst v4;
	v7 =	vsel vm10, v45, v29;
	v3 =	vor.u32 v3, v11;
	v52 =	vadd.s32 v19, v51  }
0x19e: {  	[tilespmem:s13+$0x18130] =	vst v20;
	v53 =	vsub.f32 v62, v7;
	v54 =	vadd.s32 $0x15, v52  }
0x19f: {  	[tilespmem:s13+$0x18120] =	vst v17;
	vm13 =	vlt.s32 v41, $0x29;
	vm14 =	vlt.s32 v54, $0x28  }
0x1a0: {  	[tilespmem:s13+$0x18040] =	vst v6;
	v12 =	vnsel vm13, $0x0, v53;
	v4 =	vsub.f32 $1.000000000e+00, v53;
	v55 =	vnsel vm14, $0x28, v54  }
0x1a1: {  	v56 =	vadd.f32 $-1.000000000e+00, v47;
	v57 =	vadd.s32 $0x14, v52;
	[tilespmem:v8+s7+$0x0] =	vst.idx.msk $0xffff, v12;
	v58 =	vand.u32 $0xFFFFFF80, v55  }
0x1a2: {  	v60 =	vand.u32 $0xFFFFFF80, v57;
	[tilespmem:v3+s7+$0x0] =	vst.idx.msk $0xffff, v4;
	v3 =	vand.u32 $0x7F, v55;
	v59 =	vadd.s32 v14, v58  }
0x1a3: {  	[tilespmem:s13+$0x18140] =	vst v22;
	v62 =	vand.u32 $0x7F, v57;
	v61 =	vadd.s32 v14, v60;
	v3 =	vor.u32 v3, v59  }
0x1a4: {  	[tilespmem:s13+$0x18050] =	vst v63;
	v6 =	vsel vm12, v56, v47;
	v4 =	vor.u32 v62, v61  }
0x1a5: {  	[tilespmem:s13+$0x18150] =	vst v49;
	v6 =	vsub.f32 v9, v6  }
0x1a6: {  	p1 =	por p0, p0;
	vm15 =	vlt.s32 v54, $0x29;
	[tilespmem:s13+$0x18060] =	vst v10  }
.Ltmp2:
0x1a7: {  	v63 =	vnsel vm15, $0x0, v6;
	v6 =	vsub.f32 $1.000000000e+00, v6;
	[tilespmem:s13+$0x18160] =	vst v44;
	(pc) =	sbr.rel @p1 .LBB2_6-.Ltmp2, $4  }
0x1a8: {  	[tilespmem:v3+s7+$0x0] =	vst.idx.msk $0xffff, v63  }
0x1a9: {  	[tilespmem:v4+s7+$0x0] =	vst.idx.msk $0xffff, v6  }
0x1aa: {  	[tilespmem:s13+$0x18070] =	vst v57  }
0x1ab: {  	p0 =	por $0x0, $0x0;
	[tilespmem:s13+$0x18170] =	vst v55;
	s13 =	simm.s32 $0x80  }
0x1ac: {  	s13 =	simm.s32 $0x0;
	p0 =	por $0x1, $0x1  }
0x1ad: {  	[hbm4b:s4+s13] =	stream.linear.scatter [tilespmem:s7], [sflag:$0x2], $0x8000, $0x38;
	[tilespmem:$0x18400] =	vst v63  }
.LBB2_8:
0x1ae: {  	v3 =	vld [tilespmem:s13+$0x18200];
	_ =	sdelay $0x2  }
0x1af: {  	v4 =	vmov s13  }
0x1b0: {  	v4 =	vshll.u32 v4, $0x7  }
0x1b1: {  	v14 =	vor.u32 v1, v4;
	v5 =	vand.u32 $0xFFFFFF80, v3  }
0x1b2: {  	v3 =	vand.u32 $0x7F, v3;
	v4 =	vadd.s32 v14, v5  }
0x1b3: {  	v3 =	vor.u32 v3, v4;
	_ =	sdelay $0x4  }
0x1b4: {  	[tilespmem:v3+s8+$0x0] =	vst.idx.msk $0xffff, v2  }
0x1b5: {  	v3 =	vld [tilespmem:s13+$0x18300];
	_ =	sdelay $0x3  }
0x1b6: {  	v32 =	vld [tilespmem:s13+$0x18210]  }
0x1b7: {  	v33 =	vand.u32 $0xFFFFFF80, v3  }
0x1b8: {  	s14 =	sor.u32 $0x10, s13;
	v3 =	vand.u32 $0x7F, v3;
	v5 =	vadd.s32 v14, v33  }
0x1b9: {  	v5 =	vor.u32 v3, v5;
	v3 =	vmov s14  }
0x1ba: {  	v3 =	vshll.u32 v3, $0x7  }
0x1bb: {  	v6 =	vand.u32 $0xFFFFFF80, v32;
	v3 =	vor.u32 v1, v3  }
0x1bc: {  	v4 =	vand.u32 $0x7F, v32;
	v6 =	vadd.s32 v3, v6  }
0x1bd: {  	v4 =	vor.u32 v4, v6;
	_ =	sdelay $0x2  }
0x1be: {  	[tilespmem:v5+s8+$0x0] =	vst.idx.msk $0xffff, v2  }
0x1bf: {  	v5 =	vld [tilespmem:s13+$0x100]  }
0x1c0: {  	[tilespmem:v4+s8+$0x0] =	vst.idx.msk $0xffff, v2  }
0x1c1: {  	v4 =	vld [tilespmem:s13+$0x18310];
	_ =	sdelay $0x2  }
0x1c2: {  	v34 =	vand.u32 $0x7FFFFFFF, v5  }
0x1c3: {  	v6 =	vadd.f32 $1.000000000e+00, v34  }
0x1c4: {  	v8 =	vand.u32 $0xFFFFFF80, v4  }
0x1c5: {  	v7 =	vand.u32 $0x7FFFFF, v6;
	v4 =	vand.u32 $0x7F, v4;
	v8 =	vadd.s32 v3, v8  }
0x1c6: {  	v35 =	vld [tilespmem:s13+$0x18220];
	v7 =	vor.u32 $0x3F800000, v7;
	v4 =	vor.u32 v4, v8  }
0x1c7: {  	v9 =	vmul.f32 $5.000000000e-01, v7  }
0x1c8: {  	s25 =	sor.u32 $0x20, s13;
	vm1 =	vgt.f32 v7, $1.414213540e+00  }
0x1c9: {  	v36 =	vmov s25;
	v7 =	vsel vm1, v9, v7  }
0x1ca: {  	v37 =	vshll.u32 v36, $0x7;
	v9 =	vadd.f32 $1.000000000e+00, v7  }
0x1cb: {  	v38 =	vand.u32 $0xFFFFFF80, v35;
	[tilespmem:v4+s8+$0x0] =	vst.idx.msk $0xffff, v2;
	v4 =	vor.u32 v1, v37  }
0x1cc: {  	v8 =	vand.u32 $0x7F, v35;
	(erf) = vrcp.f32 v9;
	v9 =	vadd.s32 v4, v38  }
0x1cd: {  	v8 =	vor.u32 v8, v9  }
0x1ce: {  	v12 =	vld [tilespmem:s13+$0x110];
	_ =	sdelay $0x3  }
0x1cf: {  	[tilespmem:v8+s8+$0x0] =	vst.idx.msk $0xffff, v2  }
0x1d0: {  	v39 =	vand.u32 $0x7FFFFFFF, v12;
	v41 =	vld [tilespmem:s13+$0x18320]  }
0x1d1: {  	v7 =	vadd.f32 $-1.000000000e+00, v7;
	v9 =	vadd.f32 $1.000000000e+00, v39  }
0x1d2: {  	v10 =	vpop (erf)  }
0x1d3: {  	v7 =	vmul.f32 v10, v7;
	v40 =	vand.u32 $0x7FFFFF, v9  }
0x1d4: {  	v42 =	vld [tilespmem:s13+$0x18230];
	v8 =	vor.u32 $0x3F800000, v40  }
0x1d5: {  	v11 =	vmul.f32 v7, v7;
	v13 =	vmul.f32 $5.000000000e-01, v8;
	v16 =	vand.u32 $0xFFFFFF80, v41  }
0x1d6: {  	vm0 =	vgt.f32 v8, $1.414213540e+00;
	v10 =	vand.u32 $0x7F, v41;
	v16 =	vadd.s32 v4, v16  }
0x1d7: {  	s26 =	sor.u32 $0x30, s13;
	v15 =	vmul.f32 $1.428571490e-01, v11;
	v8 =	vsel vm0, v13, v8;
	v10 =	vor.u32 v10, v16  }
0x1d8: {  	v17 =	vmov s26;
	v13 =	vadd.f32 $1.000000000e+00, v8  }
0x1d9: {  	v44 =	vshll.u32 v17, $0x7;
	v45 =	vand.u32 $0xFFFFFF80, v42;
	v15 =	vadd.f32 $2.000000030e-01, v15  }
0x1da: {  	v6 =	vshrl.u32 v6, $0x17;
	v43 =	vsel vm1, $0x1, v0;
	(erf) = vrcp.f32 v13  }
0x1db: {  	v16 =	vadd.s32 v43, v6;
	v6 =	vor.u32 v1, v44;
	v15 =	vmul.f32 v15, v11  }
0x1dc: {  	v13 =	vand.u32 $0x7F, v42;
	[tilespmem:v10+s8+$0x0] =	vst.idx.msk $0xffff, v2;
	v10 =	vadd.s32 v6, v45  }
0x1dd: {  	v15 =	vadd.f32 $3.333333430e-01, v15;
	v10 =	vor.u32 v13, v10  }
0x1de: {  	s28 =	sor.u32 $0x40, s13;
	s29 =	sor.u32 $0x50, s13  }
0x1df: {  	v26 =	vmov s28;
	v47 =	vmov s29;
	v15 =	vmul.f32 v15, v11;
	v46 =	vld [tilespmem:s13+$0x120]  }
0x1e0: {  	v9 =	vshrl.u32 v9, $0x17;
	v7 =	vadd.f32 v7, v7;
	v16 =	vadd.s32 $0xFFFFFF81, v16  }
0x1e1: {  	v25 =	vsel vm0, $0x1, v0;
	v60 =	vcvt.s32.f32 v16;
	v15 =	vadd.f32 $1.000000000e+00, v15  }
0x1e2: {  	v5 =	vand.u32 $0x80000000, v5;
	v9 =	vadd.s32 v25, v9;
	v8 =	vadd.f32 $-1.000000000e+00, v8;
	[tilespmem:v10+s8+$0x0] =	vst.idx.msk $0xffff, v2  }
0x1e3: {  	v9 =	vadd.s32 $0xFFFFFF81, v9;
	v13 =	vmul.f32 $6.931471820e-01, v60;
	v7 =	vmul.f32 v15, v7;
	v61 =	vpop (erf);
	v10 =	vld [tilespmem:s13+$0x18330]  }
0x1e4: {  	v9 =	vcvt.s32.f32 v9;
	v8 =	vmul.f32 v61, v8;
	v62 =	vand.u32 $0x7FFFFFFF, v46  }
0x1e5: {  	v36 =	vand.u32 $0x80000000, v12;
	v7 =	vadd.f32 v7, v13;
	v15 =	vadd.f32 $1.000000000e+00, v62  }
0x1e6: {  	v30 =	vmul.f32 $6.931471820e-01, v9;
	v11 =	vand.u32 $0x80000000, v46;
	v63 =	vmul.f32 v8, v8  }
0x1e7: {  	v13 =	vshll.u32 v26, $0x7;
	v5 =	vor.u32 v7, v5;
	v21 =	vand.u32 $0x7FFFFF, v15  }
0x1e8: {  	v20 =	vmul.f32 $1.428571490e-01, v63;
	v16 =	vor.u32 $0x3F800000, v21;
	v23 =	vand.u32 $0xFFFFFF80, v10  }
0x1e9: {  	v33 =	vld [tilespmem:s13+$0x18250];
	v22 =	vmul.f32 $5.000000000e-01, v16;
	v10 =	vand.u32 $0x7F, v10;
	v17 =	vadd.s32 v6, v23  }
0x1ea: {  	vm13 =	vgt.f32 v16, $1.414213540e+00;
	v7 =	vadd.f32 $2.000000030e-01, v20;
	v20 =	vld [tilespmem:s13+$0x18240];
	v10 =	vor.u32 v10, v17  }
0x1eb: {  	v8 =	vadd.f32 v8, v8;
	v5 =	vmax.f32 v5, $-2.000000000e+01;
	v16 =	vsel vm13, v22, v16  }
0x1ec: {  	v5 =	vmin.f32 v5, $2.000000000e+01;
	v7 =	vmul.f32 v7, v63;
	v19 =	vadd.f32 $1.000000000e+00, v16  }
0x1ed: {  	v15 =	vshrl.u32 v15, $0x17;
	v18 =	vtrunc.f32 v5;
	v58 =	vsel vm13, $0x1, v0  }
0x1ee: {  	v18 =	vcvt.f32.s32 v18;
	v7 =	vadd.f32 $3.333333430e-01, v7;
	(erf) = vrcp.f32 v19  }
0x1ef: {  	v22 =	vand.u32 $0xFFFFFF80, v33;
	v21 =	vand.u32 $0xFFFFFF80, v20;
	[tilespmem:v10+s8+$0x0] =	vst.idx.msk $0xffff, v2;
	v10 =	vor.u32 v1, v13  }
0x1f0: {  	v27 =	vand.u32 $0x7F, v20;
	v7 =	vmul.f32 v7, v63;
	v28 =	vadd.s32 v10, v21  }
0x1f1: {  	v15 =	vadd.s32 v58, v15;
	v24 =	vcvt.s32.f32 v18;
	v17 =	vld [tilespmem:s13+$0x130];
	v13 =	vor.u32 v27, v28  }
0x1f2: {  	v16 =	vadd.f32 $-1.000000000e+00, v16;
	v15 =	vadd.s32 $0xFFFFFF81, v15;
	v7 =	vadd.f32 $1.000000000e+00, v7  }
0x1f3: {  	v15 =	vcvt.s32.f32 v15;
	v29 =	vadd.f32 $-1.000000000e+00, v24;
	vm14 =	vlt.f32 v5, v24  }
0x1f4: {  	v20 =	vand.u32 $0x7F, v33;
	v32 =	vsel vm14, $0xFFFFFFFF, v0;
	v7 =	vmul.f32 v7, v8  }
0x1f5: {  	v15 =	vmul.f32 $6.931471820e-01, v15;
	v31 =	vsel vm14, v29, v24;
	v18 =	vadd.s32 v18, v32  }
0x1f6: {  	v9 =	vsub.f32 v5, v31;
	v34 =	vadd.f32 v7, v30;
	v37 =	vand.u32 $0x7FFFFFFF, v17;
	[tilespmem:v13+s8+$0x0] =	vst.idx.msk $0xffff, v2  }
0x1f7: {  	v53 =	vadd.s32 $0x15, v18;
	v7 =	vshll.u32 v47, $0x7;
	v35 =	vpop (erf);
	v38 =	vadd.f32 $1.000000000e+00, v37;
	v13 =	vld [tilespmem:s13+$0x18340]  }
0x1f8: {  	v8 =	vor.u32 v1, v7;
	v16 =	vmul.f32 v35, v16;
	v5 =	vor.u32 v34, v36  }
0x1f9: {  	v51 =	vadd.s32 v8, v22;
	v5 =	vmax.f32 v5, $-2.000000000e+01;
	v49 =	vand.u32 $0x7FFFFF, v38  }
0x1fa: {  	v20 =	vor.u32 v20, v51;
	v48 =	vmul.f32 v16, v16;
	v50 =	vor.u32 $0x3F800000, v49  }
0x1fb: {  	vm15 =	vlt.s32 v53, $0x28;
	v24 =	vmin.f32 v5, $2.000000000e+01;
	v23 =	vmul.f32 $5.000000000e-01, v50  }
0x1fc: {  	v52 =	vmul.f32 $1.428571490e-01, v48;
	vm3 =	vgt.f32 v50, $1.414213540e+00;
	v54 =	vand.u32 $0xFFFFFF80, v13  }
0x1fd: {  	v23 =	vsel vm3, v23, v50;
	v13 =	vand.u32 $0x7F, v13;
	v5 =	vadd.s32 v10, v54  }
0x1fe: {  	vm0 =	vlt.s32 v53, $0x29;
	v7 =	vadd.f32 $1.000000000e+00, v23;
	v13 =	vor.u32 v13, v5  }
0x1ff: {  	v17 =	vand.u32 $0x80000000, v17;
	v25 =	vtrunc.f32 v24;
	v22 =	vadd.f32 $2.000000030e-01, v52;
	[tilespmem:v20+s8+$0x0] =	vst.idx.msk $0xffff, v2  }
0x200: {  	v16 =	vadd.f32 v16, v16;
	v25 =	vcvt.f32.s32 v25;
	v26 =	vld [tilespmem:s13+$0x18350];
	(erf) = vrcp.f32 v7  }
0x201: {  	v19 =	vshrl.u32 v38, $0x17;
	v33 =	vsel vm3, $0x1, v0;
	v22 =	vmul.f32 v22, v48  }
0x202: {  	v57 =	vcvt.s32.f32 v25;
	v19 =	vadd.s32 v33, v19;
	v23 =	vadd.f32 $-1.000000000e+00, v23  }
0x203: {  	v19 =	vadd.s32 $0xFFFFFF81, v19;
	v5 =	vnsel vm15, $0x28, v53;
	v56 =	vadd.f32 $3.333333430e-01, v22;
	[tilespmem:v13+s8+$0x0] =	vst.idx.msk $0xffff, v2  }
0x204: {  	v60 =	vadd.f32 $-1.000000000e+00, v57;
	vm4 =	vlt.f32 v24, v57;
	v19 =	vcvt.s32.f32 v19;
	v20 =	vld [tilespmem:s13+$0x140]  }
0x205: {  	v7 =	vadd.s32 $0x14, v18;
	v59 =	vmul.f32 v56, v48;
	v62 =	vand.u32 $0xFFFFFF80, v26  }
0x206: {  	v55 =	vand.u32 $0xFFFFFF80, v5;
	v26 =	vand.u32 $0x7F, v26;
	v22 =	vadd.s32 v8, v62  }
0x207: {  	v27 =	vand.u32 $0x7F, v5;
	v61 =	vadd.f32 $1.000000000e+00, v59;
	v22 =	vor.u32 v26, v22  }
0x208: {  	v41 =	vsel vm4, $0xFFFFFFFF, v0;
	v18 =	vadd.s32 v14, v55;
	v63 =	vsel vm4, v60, v57  }
0x209: {  	v25 =	vadd.s32 v25, v41;
	v39 =	vmul.f32 v61, v16;
	v40 =	vpop (erf);
	v43 =	vand.u32 $0x7FFFFFFF, v20  }
0x20a: {  	s30 =	sor.u32 $0x60, s13;
	v30 =	vand.u32 $0xFFFFFF80, v7;
	v42 =	vmul.f32 v40, v23;
	v28 =	vadd.f32 $1.000000000e+00, v43  }
0x20b: {  	v49 =	vand.u32 $0x7F, v7;
	v55 =	vmov s30;
	v13 =	vadd.f32 v39, v15  }
0x20c: {  	v53 =	vld [tilespmem:s13+$0x18260];
	v12 =	vor.u32 v27, v18;
	[tilespmem:v22+s8+$0x0] =	vst.idx.msk $0xffff, v2;
	v44 =	vmul.f32 v42, v42;
	v45 =	vand.u32 $0x7FFFFF, v28  }
0x20d: {  	v56 =	vmul.f32 $6.931471820e-01, v19;
	v11 =	vor.u32 v13, v11;
	v22 =	vld [tilespmem:s13+$0x150];
	v13 =	vor.u32 $0x3F800000, v45  }
0x20e: {  	v14 =	vadd.s32 v14, v30;
	v47 =	vmul.f32 $1.428571490e-01, v44;
	v48 =	vmul.f32 $5.000000000e-01, v13  }
0x20f: {  	v18 =	vor.u32 v49, v14;
	v19 =	vsub.f32 v24, v63;
	vm2 =	vgt.f32 v13, $1.414213540e+00  }
0x210: {  	v46 =	vmax.f32 v11, $-2.000000000e+01;
	v23 =	vadd.f32 $2.000000030e-01, v47;
	v13 =	vsel vm2, v48, v13  }
0x211: {  	v37 =	vand.u32 $0xFFFFFF80, v53;
	v21 =	vmin.f32 v46, $2.000000000e+01;
	v31 =	vadd.f32 $1.000000000e+00, v13  }
0x212: {  	v29 =	vtrunc.f32 v21;
	v34 =	vand.u32 $0x7FFFFFFF, v22;
	v23 =	vmul.f32 v23, v44  }
0x213: {  	v29 =	vcvt.f32.s32 v29;
	(erf) = vrcp.f32 v31;
	v31 =	vadd.f32 $1.000000000e+00, v34  }
0x214: {  	v59 =	vand.u32 $0x7F, v53;
	v16 =	vadd.s32 $0x15, v25;
	v23 =	vadd.f32 $3.333333430e-01, v23  }
0x215: {  	vm5 =	vlt.s32 v16, $0x28;
	v32 =	vcvt.s32.f32 v29;
	v51 =	vand.u32 $0x7FFFFF, v31  }
0x216: {  	v20 =	vand.u32 $0x80000000, v20;
	v15 =	vmul.f32 v23, v44;
	v52 =	vor.u32 $0x3F800000, v51  }
0x217: {  	v27 =	vadd.f32 v42, v42;
	v50 =	vadd.f32 $-1.000000000e+00, v32;
	v54 =	vmul.f32 $5.000000000e-01, v52  }
0x218: {  	s31 =	sor.u32 $0x70, s13;
	v40 =	vld [tilespmem:s13+$0x18270];
	vm6 =	vlt.f32 v21, v32;
	v15 =	vadd.f32 $1.000000000e+00, v15;
	vm7 =	vgt.f32 v52, $1.414213540e+00  }
0x219: {  	v43 =	vmov s31;
	v23 =	vsel vm6, v50, v32;
	v32 =	vsel vm7, v54, v52  }
0x21a: {  	v15 =	vmul.f32 v15, v27;
	v27 =	vshll.u32 v55, $0x7;
	v57 =	vadd.f32 $1.000000000e+00, v32  }
0x21b: {  	v11 =	vnsel vm5, $0x28, v16;
	v36 =	vadd.f32 $-1.000000000e+00, v13;
	v13 =	vor.u32 v1, v27  }
0x21c: {  	vm5 =	vlt.s32 v16, $0x29;
	v60 =	vadd.s32 v13, v37;
	v58 =	vpop (erf);
	(erf) = vrcp.f32 v57  }
0x21d: {  	v41 =	vand.u32 $0xFFFFFF80, v11;
	v45 =	vand.u32 $0xFFFFFF80, v40;
	v33 =	vor.u32 v59, v60  }
0x21e: {  	v47 =	vshrl.u32 v28, $0x17;
	v48 =	vsel vm2, $0x1, v0;
	v61 =	vmul.f32 v58, v36  }
0x21f: {  	v26 =	vadd.s32 v48, v47;
	v47 =	vand.u32 $0x80000000, v22;
	v62 =	vadd.f32 v15, v56  }
0x220: {  	v26 =	vadd.s32 $0xFFFFFF81, v26;
	v35 =	vsel vm6, $0xFFFFFFFF, v0;
	v63 =	vmul.f32 v61, v61  }
0x221: {  	v34 =	vand.u32 $0x7F, v11;
	v26 =	vcvt.s32.f32 v26;
	v14 =	vor.u32 v62, v17  }
0x222: {  	v29 =	vadd.s32 v29, v35;
	v14 =	vmax.f32 v14, $-2.000000000e+01;
	v42 =	vmul.f32 $1.428571490e-01, v63;
	[tilespmem:v33+s8+$0x0] =	vst.idx.msk $0xffff, v2  }
0x223: {  	v24 =	vadd.s32 $0x15, v29;
	v27 =	vmin.f32 v14, $2.000000000e+01;
	v14 =	vshll.u32 v43, $0x7;
	v33 =	vld [tilespmem:s13+$0x18360]  }
0x224: {  	v32 =	vadd.f32 $-1.000000000e+00, v32;
	v14 =	vor.u32 v1, v14;
	v17 =	vadd.f32 $2.000000030e-01, v42  }
0x225: {  	v15 =	vadd.s32 $0x14, v25;
	v25 =	vand.u32 $0x7F, v40;
	v35 =	vadd.s32 v14, v45;
	v46 =	vpop (erf)  }
0x226: {  	v25 =	vor.u32 v25, v35;
	v17 =	vmul.f32 v17, v63;
	v32 =	vmul.f32 v46, v32  }
0x227: {  	v26 =	vmul.f32 $6.931471820e-01, v26;
	v31 =	vshrl.u32 v31, $0x17;
	vm8 =	vlt.s32 v24, $0x28  }
0x228: {  	v17 =	vadd.f32 $3.333333430e-01, v17;
	v50 =	vand.u32 $0xFFFFFF80, v33;
	v49 =	vmul.f32 v32, v32  }
0x229: {  	v21 =	vsub.f32 v21, v23;
	v51 =	vand.u32 $0x7F, v33;
	v52 =	vadd.s32 v13, v50  }
0x22a: {  	v17 =	vmul.f32 v17, v63;
	v33 =	vor.u32 v51, v52;
	v53 =	vmul.f32 $1.428571490e-01, v49  }
0x22b: {  	vm6 =	vlt.s32 v24, $0x29;
	v56 =	vsel vm7, $0x1, v0;
	v30 =	vadd.f32 v61, v61;
	[tilespmem:v25+s8+$0x0] =	vst.idx.msk $0xffff, v2  }
0x22c: {  	v44 =	vtrunc.f32 v27;
	v55 =	vld [tilespmem:s13+$0x18370];
	v17 =	vadd.f32 $1.000000000e+00, v17;
	v35 =	vadd.f32 $2.000000030e-01, v53  }
0x22d: {  	v31 =	vadd.s32 v56, v31;
	v36 =	vadd.s32 v3, v41;
	v38 =	vcvt.f32.s32 v44  }
0x22e: {  	v59 =	vadd.s32 $0xFFFFFF81, v31;
	v30 =	vmul.f32 v17, v30;
	v35 =	vmul.f32 v35, v49  }
0x22f: {  	v34 =	vor.u32 v34, v36;
	v44 =	vand.u32 $0xFFFFFF80, v15;
	v54 =	vcvt.s32.f32 v38;
	[tilespmem:v33+s8+$0x0] =	vst.idx.msk $0xffff, v2  }
0x230: {  	v3 =	vadd.s32 v3, v44;
	v30 =	vadd.f32 v30, v26;
	v26 =	vld [tilespmem:s13+$0x160];
	v35 =	vadd.f32 $3.333333430e-01, v35  }
0x231: {  	vm9 =	vlt.f32 v27, v54;
	v39 =	vadd.f32 $-1.000000000e+00, v54;
	v57 =	vand.u32 $0xFFFFFF80, v55  }
0x232: {  	v58 =	vand.u32 $0x7F, v55;
	v33 =	vadd.s32 v14, v57;
	v28 =	vmul.f32 v35, v49  }
0x233: {  	v40 =	vsel vm9, $0xFFFFFFFF, v0;
	v17 =	vnsel vm8, $0x28, v24;
	v60 =	vor.u32 v58, v33  }
0x234: {  	v32 =	vadd.f32 v32, v32;
	v57 =	vand.u32 $0xFFFFFF80, v17;
	v28 =	vadd.f32 $1.000000000e+00, v28  }
0x235: {  	v33 =	vadd.s32 v38, v40;
	v20 =	vor.u32 v30, v20;
	v61 =	vand.u32 $0x7FFFFFFF, v26  }
0x236: {  	v30 =	vcvt.s32.f32 v59;
	v28 =	vmul.f32 v28, v32;
	v32 =	vadd.f32 $1.000000000e+00, v61  }
0x237: {  	v58 =	vand.u32 $0x7F, v17;
	v37 =	vadd.s32 $0x15, v33;
	v20 =	vmax.f32 v20, $-2.000000000e+01  }
0x238: {  	v30 =	vmul.f32 $6.931471820e-01, v30;
	v38 =	vmin.f32 v20, $2.000000000e+01;
	[tilespmem:v60+s8+$0x0] =	vst.idx.msk $0xffff, v2;
	v62 =	vand.u32 $0x7FFFFF, v32  }
0x239: {  	vm10 =	vlt.s32 v37, $0x28;
	v20 =	vtrunc.f32 v38;
	v25 =	vld [tilespmem:s13+$0x170];
	v48 =	vor.u32 $0x3F800000, v62  }
0x23a: {  	v63 =	vcvt.f32.s32 v20;
	v28 =	vadd.f32 v28, v30;
	v49 =	vmul.f32 $5.000000000e-01, v48  }
0x23b: {  	vm7 =	vlt.s32 v37, $0x29;
	v35 =	vsel vm9, v39, v54;
	vm11 =	vgt.f32 v48, $1.414213540e+00  }
0x23c: {  	v50 =	vcvt.s32.f32 v63;
	v20 =	vor.u32 v28, v47;
	v28 =	vsel vm11, v49, v48  }
0x23d: {  	v27 =	vsub.f32 v27, v35;
	v26 =	vand.u32 $0x80000000, v26;
	v53 =	vadd.f32 $1.000000000e+00, v28  }
0x23e: {  	v32 =	vshrl.u32 v32, $0x17;
	vm12 =	vlt.f32 v38, v50;
	v54 =	vand.u32 $0x7FFFFFFF, v25  }
0x23f: {  	v41 =	vadd.f32 $-1.000000000e+00, v50;
	v40 =	vadd.f32 $1.000000000e+00, v54;
	(erf) = vrcp.f32 v53  }
0x240: {  	v43 =	vsel vm12, $0xFFFFFFFF, v0;
	v25 =	vand.u32 $0x80000000, v25;
	v51 =	vmax.f32 v20, $-2.000000000e+01  }
0x241: {  	v20 =	vnsel vm10, $0x28, v37;
	v30 =	vadd.s32 v63, v43;
	v22 =	vand.u32 $0x7FFFFF, v40  }
0x242: {  	v31 =	vsel vm12, v41, v50;
	v39 =	vmin.f32 v51, $2.000000000e+01;
	v46 =	vor.u32 $0x3F800000, v22  }
0x243: {  	v41 =	vadd.s32 $0x15, v30;
	v48 =	vand.u32 $0x7F, v15;
	v47 =	vmul.f32 $5.000000000e-01, v46  }
0x244: {  	v62 =	vand.u32 $0xFFFFFF80, v20;
	v63 =	vand.u32 $0x7F, v20;
	vm15 =	vgt.f32 v46, $1.414213540e+00  }
0x245: {  	v31 =	vsub.f32 v38, v31;
	v49 =	vsel vm11, $0x1, v0;
	v44 =	vsel vm15, v47, v46  }
0x246: {  	v52 =	vtrunc.f32 v39;
	vm13 =	vlt.s32 v41, $0x28;
	v46 =	vadd.f32 $1.000000000e+00, v44  }
0x247: {  	v36 =	vor.u32 v48, v3;
	v3 =	vadd.s32 $0x14, v29;
	v56 =	vadd.f32 $-1.000000000e+00, v28  }
0x248: {  	v28 =	vadd.s32 v4, v57;
	v32 =	vadd.s32 v49, v32;
	v59 =	vpop (erf);
	(erf) = vrcp.f32 v46  }
0x249: {  	vm8 =	vlt.s32 v41, $0x29;
	v42 =	vcvt.f32.s32 v52;
	v22 =	vnsel vm13, $0x28, v41  }
0x24a: {  	v60 =	vand.u32 $0xFFFFFF80, v3;
	v28 =	vor.u32 v58, v28;
	v61 =	vand.u32 $0x7F, v3  }
0x24b: {  	v32 =	vadd.s32 $0xFFFFFF81, v32;
	v4 =	vadd.s32 v4, v60;
	v23 =	vmul.f32 v59, v56  }
0x24c: {  	v57 =	vand.u32 $0x7F, v22;
	v55 =	vcvt.s32.f32 v42;
	v29 =	vor.u32 v61, v4  }
0x24d: {  	v4 =	vadd.s32 $0x14, v33;
	v33 =	vadd.s32 v6, v62;
	v35 =	vmul.f32 v23, v23  }
0x24e: {  	v32 =	vcvt.s32.f32 v32;
	v52 =	vand.u32 $0xFFFFFF80, v4;
	v33 =	vor.u32 v63, v33  }
0x24f: {  	v54 =	vand.u32 $0x7F, v4;
	v45 =	vadd.f32 $-1.000000000e+00, v55;
	v53 =	vmul.f32 $1.428571490e-01, v35  }
0x250: {  	v32 =	vmul.f32 $6.931471820e-01, v32;
	vm14 =	vlt.f32 v39, v55;
	v44 =	vadd.f32 $-1.000000000e+00, v44  }
0x251: {  	v43 =	vsel vm14, v45, v55;
	v45 =	vsel vm14, $0xFFFFFFFF, v0;
	v55 =	vadd.f32 $2.000000030e-01, v53;
	v58 =	vpop (erf)  }
0x252: {  	v6 =	vadd.s32 v6, v52;
	v42 =	vadd.s32 v42, v45;
	v44 =	vmul.f32 v58, v44  }
0x253: {  	v39 =	vsub.f32 v39, v43;
	v45 =	vadd.s32 $0x15, v42;
	v38 =	vmul.f32 v55, v35  }
0x254: {  	vm4 =	vlt.s32 v45, $0x28;
	vm9 =	vlt.s32 v45, $0x29;
	v61 =	vmul.f32 v44, v44  }
0x255: {  	v46 =	vor.u32 v54, v6;
	v6 =	vadd.s32 $0x14, v30;
	v38 =	vadd.f32 $3.333333430e-01, v38  }
0x256: {  	v49 =	vnsel vm4, $0x28, v45;
	v54 =	vsel vm15, $0x1, v0;
	v62 =	vmul.f32 $1.428571490e-01, v61  }
0x257: {  	v56 =	vand.u32 $0xFFFFFF80, v22;
	v59 =	vand.u32 $0xFFFFFF80, v6;
	v35 =	vmul.f32 v38, v35  }
0x258: {  	v60 =	vand.u32 $0x7F, v6;
	v50 =	vand.u32 $0xFFFFFF80, v49;
	v38 =	vadd.f32 $2.000000030e-01, v62  }
0x259: {  	v63 =	vand.u32 $0x7F, v49;
	v23 =	vadd.f32 v23, v23;
	v35 =	vadd.f32 $1.000000000e+00, v35  }
0x25a: {  	v30 =	vadd.s32 v10, v56;
	v10 =	vadd.s32 v10, v59;
	v38 =	vmul.f32 v38, v61  }
0x25b: {  	v56 =	vnsel vm0, $0x0, v9;
	v9 =	vsub.f32 $1.000000000e+00, v9;
	v23 =	vmul.f32 v35, v23  }
0x25c: {  	v30 =	vor.u32 v57, v30;
	v53 =	vshrl.u32 v40, $0x17;
	v52 =	vadd.f32 $3.333333430e-01, v38  }
0x25d: {  	v10 =	vor.u32 v60, v10;
	v55 =	vadd.s32 v54, v53;
	v23 =	vadd.f32 v23, v32  }
0x25e: {  	v57 =	vnsel vm5, $0x0, v19;
	v59 =	vadd.s32 $0xFFFFFF81, v55;
	v16 =	vmul.f32 v52, v61  }
0x25f: {  	v19 =	vsub.f32 $1.000000000e+00, v19;
	[tilespmem:v12+s8+$0x0] =	vst.idx.msk $0xffff, v56;
	v12 =	vcvt.s32.f32 v59;
	v23 =	vor.u32 v23, v26  }
0x260: {  	[tilespmem:v18+s8+$0x0] =	vst.idx.msk $0xffff, v9;
	v60 =	vadd.f32 v44, v44;
	v23 =	vmax.f32 v23, $-2.000000000e+01;
	v16 =	vadd.f32 $1.000000000e+00, v16  }
0x261: {  	v50 =	vadd.s32 v8, v50;
	[tilespmem:v34+s8+$0x0] =	vst.idx.msk $0xffff, v57;
	v12 =	vmul.f32 $6.931471820e-01, v12;
	v62 =	vmin.f32 v23, $2.000000000e+01  }
0x262: {  	[tilespmem:v36+s8+$0x0] =	vst.idx.msk $0xffff, v19;
	v40 =	vnsel vm9, $0x0, v39;
	v23 =	vtrunc.f32 v62;
	v16 =	vmul.f32 v16, v60  }
0x263: {  	[tilespmem:s13+$0x18200] =	vst v7;
	v58 =	vnsel vm6, $0x0, v21;
	v61 =	vsub.f32 $1.000000000e+00, v21;
	v23 =	vcvt.f32.s32 v23  }
0x264: {  	[tilespmem:v28+s8+$0x0] =	vst.idx.msk $0xffff, v58;
	v35 =	vor.u32 v63, v50;
	v63 =	vadd.s32 $0x14, v42;
	v12 =	vadd.f32 v16, v12  }
0x265: {  	v28 =	vsub.f32 $1.000000000e+00, v27;
	v24 =	vand.u32 $0xFFFFFF80, v63;
	[tilespmem:v29+s8+$0x0] =	vst.idx.msk $0xffff, v61;
	v29 =	vcvt.s32.f32 v23  }
0x266: {  	[tilespmem:s13+$0x18300] =	vst v5;
	v36 =	vand.u32 $0x7F, v63;
	v8 =	vadd.s32 v8, v24;
	v34 =	vor.u32 v12, v25  }
0x267: {  	[tilespmem:s13+$0x18210] =	vst v15;
	v32 =	vnsel vm8, $0x0, v31;
	vm10 =	vlt.f32 v62, v29;
	v9 =	vmax.f32 v34, $-2.000000000e+01  }
0x268: {  	[tilespmem:v30+s8+$0x0] =	vst.idx.msk $0xffff, v32;
	v26 =	vnsel vm7, $0x0, v27;
	v37 =	vsel vm10, $0xFFFFFFFF, v0;
	v9 =	vmin.f32 v9, $2.000000000e+01  }
0x269: {  	v8 =	vor.u32 v36, v8;
	[tilespmem:v33+s8+$0x0] =	vst.idx.msk $0xffff, v26;
	v38 =	vadd.s32 v23, v37;
	v42 =	vtrunc.f32 v9  }
0x26a: {  	v33 =	vsub.f32 $1.000000000e+00, v31;
	[tilespmem:v35+s8+$0x0] =	vst.idx.msk $0xffff, v40;
	v41 =	vadd.s32 $0x15, v38;
	v19 =	vcvt.f32.s32 v42  }
0x26b: {  	v43 =	vsub.f32 $1.000000000e+00, v39;
	[tilespmem:v46+s8+$0x0] =	vst.idx.msk $0xffff, v28;
	v45 =	vadd.f32 $-1.000000000e+00, v29;
	vm11 =	vlt.s32 v41, $0x28  }
0x26c: {  	[tilespmem:v10+s8+$0x0] =	vst.idx.msk $0xffff, v33;
	v10 =	vadd.s32 $0x14, v38;
	v44 =	vnsel vm11, $0x28, v41;
	v47 =	vcvt.s32.f32 v19  }
0x26d: {  	[tilespmem:s13+$0x18220] =	vst v3;
	v50 =	vand.u32 $0xFFFFFF80, v10;
	v3 =	vand.u32 $0x7F, v10;
	v46 =	vand.u32 $0xFFFFFF80, v44  }
0x26e: {  	[tilespmem:v8+s8+$0x0] =	vst.idx.msk $0xffff, v43;
	v48 =	vand.u32 $0x7F, v44;
	v8 =	vadd.s32 v13, v46;
	vm12 =	vlt.f32 v9, v47  }
0x26f: {  	[tilespmem:s13+$0x18310] =	vst v11;
	v11 =	vadd.s32 v13, v50;
	v8 =	vor.u32 v48, v8;
	v51 =	vsel vm12, $0xFFFFFFFF, v0  }
0x270: {  	[tilespmem:s13+$0x18230] =	vst v4;
	v7 =	vsel vm10, v45, v29;
	v3 =	vor.u32 v3, v11;
	v52 =	vadd.s32 v19, v51  }
0x271: {  	[tilespmem:s13+$0x18330] =	vst v20;
	v53 =	vsub.f32 v62, v7;
	v54 =	vadd.s32 $0x15, v52  }
0x272: {  	[tilespmem:s13+$0x18320] =	vst v17;
	vm13 =	vlt.s32 v41, $0x29;
	vm14 =	vlt.s32 v54, $0x28  }
0x273: {  	[tilespmem:s13+$0x18240] =	vst v6;
	v12 =	vnsel vm13, $0x0, v53;
	v4 =	vsub.f32 $1.000000000e+00, v53;
	v55 =	vnsel vm14, $0x28, v54  }
0x274: {  	v56 =	vadd.f32 $-1.000000000e+00, v47;
	v57 =	vadd.s32 $0x14, v52;
	[tilespmem:v8+s8+$0x0] =	vst.idx.msk $0xffff, v12;
	v58 =	vand.u32 $0xFFFFFF80, v55  }
0x275: {  	v60 =	vand.u32 $0xFFFFFF80, v57;
	[tilespmem:v3+s8+$0x0] =	vst.idx.msk $0xffff, v4;
	v3 =	vand.u32 $0x7F, v55;
	v59 =	vadd.s32 v14, v58  }
0x276: {  	[tilespmem:s13+$0x18340] =	vst v22;
	v62 =	vand.u32 $0x7F, v57;
	v61 =	vadd.s32 v14, v60;
	v3 =	vor.u32 v3, v59  }
0x277: {  	[tilespmem:s13+$0x18250] =	vst v63;
	v6 =	vsel vm12, v56, v47;
	v4 =	vor.u32 v62, v61  }
0x278: {  	[tilespmem:s13+$0x18350] =	vst v49;
	v6 =	vsub.f32 v9, v6  }
0x279: {  	p1 =	por p0, p0;
	vm15 =	vlt.s32 v54, $0x29;
	[tilespmem:s13+$0x18260] =	vst v10  }
.Ltmp3:
0x27a: {  	v63 =	vnsel vm15, $0x0, v6;
	v6 =	vsub.f32 $1.000000000e+00, v6;
	[tilespmem:s13+$0x18360] =	vst v44;
	(pc) =	sbr.rel @p1 .LBB2_8-.Ltmp3, $4  }
0x27b: {  	[tilespmem:v3+s8+$0x0] =	vst.idx.msk $0xffff, v63  }
0x27c: {  	[tilespmem:v4+s8+$0x0] =	vst.idx.msk $0xffff, v6  }
0x27d: {  	[tilespmem:s13+$0x18270] =	vst v57  }
0x27e: {  	p0 =	por $0x0, $0x0;
	[tilespmem:s13+$0x18370] =	vst v55;
	s13 =	simm.s32 $0x80  }
0x27f: {  	[hbm4b:s5+s2] =	stream.linear.scatter [tilespmem:s8], [sflag:$0x3], $0x8000, $0x38;
	[tilespmem:$0x18400] =	vst v63  }
0x280: {  	s13 =	simm.s32 $0x1  }
.LBB2_10:
0x281: {  	_ =	swait.ge [sflag:s10], $0x8000;
	s14 =	sshll.u32 s13, $0x9  }
0x282: {  	[sflag:s10] =	ssyncset.done $0x0;
	s15 =	sand.u32 $0x3FFFFE00, s14  }
0x283: {  	p0 =	por $0x1, $0x1;
	s14 =	simm.s32 $0x0;
	[sflag:s10] =	ssyncadd.s32 $0xFFFF8000;
	v3 =	vmov s15  }
.LBB2_11:
0x284: {  	v4 =	vld [tilespmem:s14+$0x18000];
	_ =	sdelay $0x2  }
0x285: {  	v5 =	vmov s14  }
0x286: {  	v5 =	vshll.u32 v5, $0x7  }
0x287: {  	v15 =	vor.u32 v1, v5;
	v6 =	vand.u32 $0xFFFFFF80, v4  }
0x288: {  	v4 =	vand.u32 $0x7F, v4;
	v5 =	vadd.s32 v15, v6  }
0x289: {  	v4 =	vor.u32 v4, v5;
	_ =	sdelay $0x4  }
0x28a: {  	[tilespmem:v4+s7+$0x0] =	vst.idx.msk $0xffff, v2  }
0x28b: {  	v4 =	vld [tilespmem:s14+$0x18100];
	_ =	sdelay $0x3  }
0x28c: {  	v5 =	vld [tilespmem:s14+$0x18010]  }
0x28d: {  	v34 =	vand.u32 $0xFFFFFF80, v4  }
0x28e: {  	s15 =	sor.u32 $0x10, s14;
	v4 =	vand.u32 $0x7F, v4;
	v6 =	vadd.s32 v15, v34  }
0x28f: {  	v6 =	vor.u32 v4, v6;
	v4 =	vmov s15  }
0x290: {  	v4 =	vshll.u32 v4, $0x7  }
0x291: {  	v7 =	vand.u32 $0xFFFFFF80, v5;
	v4 =	vor.u32 v1, v4  }
0x292: {  	v5 =	vand.u32 $0x7F, v5;
	v7 =	vadd.s32 v4, v7  }
0x293: {  	v5 =	vor.u32 v5, v7;
	_ =	sdelay $0x3  }
0x294: {  	[tilespmem:v6+s7+$0x0] =	vst.idx.msk $0xffff, v2  }
0x295: {  	v6 =	vld.idx.msk [tilespmem:v3+s14+$0x0 ss:$0x1], $0xffff;
	[tilespmem:v5+s7+$0x0] =	vst.idx.msk $0xffff, v2  }
0x296: {  	v5 =	vld [tilespmem:s14+$0x18110];
	_ =	sdelay $0x3  }
0x297: {  	v35 =	vand.u32 $0x7FFFFFFF, v6  }
0x298: {  	v7 =	vadd.f32 $1.000000000e+00, v35;
	v9 =	vand.u32 $0xFFFFFF80, v5  }
0x299: {  	v5 =	vand.u32 $0x7F, v5;
	v9 =	vadd.s32 v4, v9  }
0x29a: {  	v8 =	vand.u32 $0x7FFFFF, v7;
	v5 =	vor.u32 v5, v9  }
0x29b: {  	v36 =	vld [tilespmem:s14+$0x18020];
	v8 =	vor.u32 $0x3F800000, v8  }
0x29c: {  	v10 =	vmul.f32 $5.000000000e-01, v8  }
0x29d: {  	s17 =	sor.u32 $0x20, s14;
	vm1 =	vgt.f32 v8, $1.414213540e+00  }
0x29e: {  	v37 =	vmov s17;
	v8 =	vsel vm1, v10, v8  }
0x29f: {  	v10 =	vadd.f32 $1.000000000e+00, v8;
	[tilespmem:v5+s7+$0x0] =	vst.idx.msk $0xffff, v2;
	v5 =	vshll.u32 v37, $0x7  }
0x2a0: {  	v38 =	vand.u32 $0xFFFFFF80, v36;
	v5 =	vor.u32 v1, v5  }
0x2a1: {  	v9 =	vand.u32 $0x7F, v36;
	(erf) = vrcp.f32 v10;
	v10 =	vadd.s32 v5, v38  }
0x2a2: {  	v9 =	vor.u32 v9, v10  }
0x2a3: {  	v13 =	vld.idx.msk [tilespmem:v3+s15+$0x0 ss:$0x1], $0xffff;
	_ =	sdelay $0x3  }
0x2a4: {  	[tilespmem:v9+s7+$0x0] =	vst.idx.msk $0xffff, v2  }
0x2a5: {  	v39 =	vand.u32 $0x7FFFFFFF, v13;
	v41 =	vld [tilespmem:s14+$0x18120]  }
0x2a6: {  	v8 =	vadd.f32 $-1.000000000e+00, v8;
	v10 =	vadd.f32 $1.000000000e+00, v39  }
0x2a7: {  	v11 =	vpop (erf)  }
0x2a8: {  	v8 =	vmul.f32 v11, v8;
	v40 =	vand.u32 $0x7FFFFF, v10  }
0x2a9: {  	v42 =	vld [tilespmem:s14+$0x18030];
	v9 =	vor.u32 $0x3F800000, v40  }
0x2aa: {  	v12 =	vmul.f32 v8, v8;
	v14 =	vmul.f32 $5.000000000e-01, v9;
	v17 =	vand.u32 $0xFFFFFF80, v41  }
0x2ab: {  	vm0 =	vgt.f32 v9, $1.414213540e+00;
	v11 =	vand.u32 $0x7F, v41;
	v17 =	vadd.s32 v5, v17  }
0x2ac: {  	s16 =	sor.u32 $0x30, s14;
	v16 =	vmul.f32 $1.428571490e-01, v12;
	v9 =	vsel vm0, v14, v9;
	v11 =	vor.u32 v11, v17  }
0x2ad: {  	v18 =	vmov s16;
	v14 =	vadd.f32 $1.000000000e+00, v9  }
0x2ae: {  	v44 =	vshll.u32 v18, $0x7;
	v45 =	vand.u32 $0xFFFFFF80, v42;
	v16 =	vadd.f32 $2.000000030e-01, v16  }
0x2af: {  	v7 =	vshrl.u32 v7, $0x17;
	v43 =	vsel vm1, $0x1, v0;
	(erf) = vrcp.f32 v14  }
0x2b0: {  	v21 =	vld [tilespmem:s14+$0x18040];
	v17 =	vadd.s32 v43, v7;
	v7 =	vor.u32 v1, v44;
	v16 =	vmul.f32 v16, v12  }
0x2b1: {  	v14 =	vand.u32 $0x7F, v42;
	[tilespmem:v11+s7+$0x0] =	vst.idx.msk $0xffff, v2;
	v11 =	vadd.s32 v7, v45  }
0x2b2: {  	v33 =	vld [tilespmem:s14+$0x18050];
	v16 =	vadd.f32 $3.333333430e-01, v16;
	v11 =	vor.u32 v14, v11  }
0x2b3: {  	s28 =	sor.u32 $0x40, s14;
	s29 =	sor.u32 $0x50, s14  }
0x2b4: {  	v26 =	vmov s28;
	v47 =	vmov s29;
	v16 =	vmul.f32 v16, v12;
	v46 =	vld.idx.msk [tilespmem:v3+s17+$0x0 ss:$0x1], $0xffff  }
0x2b5: {  	v22 =	vand.u32 $0xFFFFFF80, v21;
	v27 =	vand.u32 $0x7F, v21;
	v17 =	vadd.s32 $0xFFFFFF81, v17  }
0x2b6: {  	v8 =	vadd.f32 v8, v8;
	v56 =	vcvt.s32.f32 v17;
	v16 =	vadd.f32 $1.000000000e+00, v16  }
0x2b7: {  	v23 =	vand.u32 $0xFFFFFF80, v33;
	v21 =	vand.u32 $0x7F, v33;
	v9 =	vadd.f32 $-1.000000000e+00, v9;
	[tilespmem:v11+s7+$0x0] =	vst.idx.msk $0xffff, v2  }
0x2b8: {  	v10 =	vshrl.u32 v10, $0x17;
	v14 =	vmul.f32 $6.931471820e-01, v56;
	v8 =	vmul.f32 v16, v8;
	v57 =	vpop (erf);
	v11 =	vld [tilespmem:s14+$0x18130]  }
0x2b9: {  	v25 =	vsel vm0, $0x1, v0;
	v9 =	vmul.f32 v57, v9;
	v58 =	vand.u32 $0x7FFFFFFF, v46  }
0x2ba: {  	v10 =	vadd.s32 v25, v10;
	v8 =	vadd.f32 v8, v14;
	v16 =	vadd.f32 $1.000000000e+00, v58  }
0x2bb: {  	v6 =	vand.u32 $0x80000000, v6;
	v10 =	vadd.s32 $0xFFFFFF81, v10;
	v59 =	vmul.f32 v9, v9  }
0x2bc: {  	v10 =	vcvt.s32.f32 v10;
	v6 =	vor.u32 v8, v6;
	v61 =	vand.u32 $0x7FFFFF, v16  }
0x2bd: {  	v60 =	vmul.f32 $1.428571490e-01, v59;
	v17 =	vor.u32 $0x3F800000, v61;
	v63 =	vand.u32 $0xFFFFFF80, v11  }
0x2be: {  	v62 =	vmul.f32 $5.000000000e-01, v17;
	v11 =	vand.u32 $0x7F, v11;
	v18 =	vadd.s32 v7, v63  }
0x2bf: {  	v8 =	vadd.f32 $2.000000030e-01, v60;
	vm13 =	vgt.f32 v17, $1.414213540e+00;
	v11 =	vor.u32 v11, v18  }
0x2c0: {  	v36 =	vand.u32 $0x80000000, v13;
	v30 =	vmul.f32 $6.931471820e-01, v10;
	v17 =	vsel vm13, v62, v17  }
0x2c1: {  	v6 =	vmax.f32 v6, $-2.000000000e+01;
	v8 =	vmul.f32 v8, v59;
	v20 =	vadd.f32 $1.000000000e+00, v17  }
0x2c2: {  	v14 =	vshll.u32 v26, $0x7;
	v12 =	vand.u32 $0x80000000, v46;
	v6 =	vmin.f32 v6, $2.000000000e+01  }
0x2c3: {  	v19 =	vtrunc.f32 v6;
	v8 =	vadd.f32 $3.333333430e-01, v8;
	(erf) = vrcp.f32 v20  }
0x2c4: {  	v16 =	vshrl.u32 v16, $0x17;
	v19 =	vcvt.f32.s32 v19;
	[tilespmem:v11+s7+$0x0] =	vst.idx.msk $0xffff, v2;
	v11 =	vor.u32 v1, v14  }
0x2c5: {  	v58 =	vsel vm13, $0x1, v0;
	v8 =	vmul.f32 v8, v59;
	v28 =	vadd.s32 v11, v22  }
0x2c6: {  	v16 =	vadd.s32 v58, v16;
	v24 =	vcvt.s32.f32 v19;
	v18 =	vld.idx.msk [tilespmem:v3+s16+$0x0 ss:$0x1], $0xffff;
	v14 =	vor.u32 v27, v28  }
0x2c7: {  	v9 =	vadd.f32 v9, v9;
	v16 =	vadd.s32 $0xFFFFFF81, v16;
	v8 =	vadd.f32 $1.000000000e+00, v8  }
0x2c8: {  	v16 =	vcvt.s32.f32 v16;
	v29 =	vadd.f32 $-1.000000000e+00, v24;
	vm14 =	vlt.f32 v6, v24  }
0x2c9: {  	v17 =	vadd.f32 $-1.000000000e+00, v17;
	v32 =	vsel vm14, $0xFFFFFFFF, v0;
	v8 =	vmul.f32 v8, v9  }
0x2ca: {  	v16 =	vmul.f32 $6.931471820e-01, v16;
	v31 =	vsel vm14, v29, v24;
	v19 =	vadd.s32 v19, v32  }
0x2cb: {  	v34 =	vadd.f32 v8, v30;
	v8 =	vshll.u32 v47, $0x7;
	v37 =	vand.u32 $0x7FFFFFFF, v18;
	[tilespmem:v14+s7+$0x0] =	vst.idx.msk $0xffff, v2  }
0x2cc: {  	v10 =	vsub.f32 v6, v31;
	v9 =	vor.u32 v1, v8;
	v35 =	vpop (erf);
	v38 =	vadd.f32 $1.000000000e+00, v37;
	v14 =	vld [tilespmem:s14+$0x18140]  }
0x2cd: {  	v6 =	vor.u32 v34, v36;
	v51 =	vadd.s32 v9, v23;
	v17 =	vmul.f32 v35, v17  }
0x2ce: {  	v6 =	vmax.f32 v6, $-2.000000000e+01;
	v21 =	vor.u32 v21, v51;
	v49 =	vand.u32 $0x7FFFFF, v38  }
0x2cf: {  	v25 =	vmin.f32 v6, $2.000000000e+01;
	v48 =	vmul.f32 v17, v17;
	v50 =	vor.u32 $0x3F800000, v49  }
0x2d0: {  	v53 =	vadd.s32 $0x15, v19;
	v26 =	vtrunc.f32 v25;
	v24 =	vmul.f32 $5.000000000e-01, v50  }
0x2d1: {  	v52 =	vmul.f32 $1.428571490e-01, v48;
	vm3 =	vgt.f32 v50, $1.414213540e+00;
	v54 =	vand.u32 $0xFFFFFF80, v14  }
0x2d2: {  	v24 =	vsel vm3, v24, v50;
	v14 =	vand.u32 $0x7F, v14;
	v6 =	vadd.s32 v11, v54  }
0x2d3: {  	v26 =	vcvt.f32.s32 v26;
	v8 =	vadd.f32 $1.000000000e+00, v24;
	v14 =	vor.u32 v14, v6  }
0x2d4: {  	vm15 =	vlt.s32 v53, $0x28;
	vm0 =	vlt.s32 v53, $0x29;
	[tilespmem:v21+s7+$0x0] =	vst.idx.msk $0xffff, v2;
	v23 =	vadd.f32 $2.000000030e-01, v52  }
0x2d5: {  	v18 =	vand.u32 $0x80000000, v18;
	v57 =	vcvt.s32.f32 v26;
	v27 =	vld [tilespmem:s14+$0x18150];
	(erf) = vrcp.f32 v8  }
0x2d6: {  	v20 =	vshrl.u32 v38, $0x17;
	v34 =	vsel vm3, $0x1, v0;
	v23 =	vmul.f32 v23, v48  }
0x2d7: {  	v17 =	vadd.f32 v17, v17;
	v20 =	vadd.s32 v34, v20;
	v60 =	vadd.f32 $-1.000000000e+00, v57  }
0x2d8: {  	vm4 =	vlt.f32 v25, v57;
	v24 =	vadd.f32 $-1.000000000e+00, v24;
	v56 =	vadd.f32 $3.333333430e-01, v23;
	[tilespmem:v14+s7+$0x0] =	vst.idx.msk $0xffff, v2  }
0x2d9: {  	v20 =	vadd.s32 $0xFFFFFF81, v20;
	v6 =	vnsel vm15, $0x28, v53;
	v41 =	vsel vm4, $0xFFFFFFFF, v0;
	v21 =	vld.idx.msk [tilespmem:v3+s28+$0x0 ss:$0x1], $0xffff  }
0x2da: {  	v20 =	vcvt.s32.f32 v20;
	v62 =	vand.u32 $0xFFFFFF80, v27;
	v59 =	vmul.f32 v56, v48  }
0x2db: {  	v8 =	vadd.s32 $0x14, v19;
	v27 =	vand.u32 $0x7F, v27;
	v23 =	vadd.s32 v9, v62  }
0x2dc: {  	v55 =	vand.u32 $0xFFFFFF80, v6;
	v23 =	vor.u32 v27, v23;
	v61 =	vadd.f32 $1.000000000e+00, v59  }
0x2dd: {  	v28 =	vand.u32 $0x7F, v6;
	v63 =	vsel vm4, v60, v57;
	v26 =	vadd.s32 v26, v41  }
0x2de: {  	v19 =	vadd.s32 v15, v55;
	v39 =	vmul.f32 v61, v17;
	v40 =	vpop (erf);
	v43 =	vand.u32 $0x7FFFFFFF, v21  }
0x2df: {  	s30 =	sor.u32 $0x60, s14;
	v31 =	vand.u32 $0xFFFFFF80, v8;
	v42 =	vmul.f32 v40, v24;
	v29 =	vadd.f32 $1.000000000e+00, v43  }
0x2e0: {  	v49 =	vand.u32 $0x7F, v8;
	v55 =	vmov s30;
	v14 =	vadd.f32 v39, v16  }
0x2e1: {  	v53 =	vld [tilespmem:s14+$0x18060];
	v13 =	vor.u32 v28, v19;
	[tilespmem:v23+s7+$0x0] =	vst.idx.msk $0xffff, v2;
	v44 =	vmul.f32 v42, v42;
	v45 =	vand.u32 $0x7FFFFF, v29  }
0x2e2: {  	v56 =	vmul.f32 $6.931471820e-01, v20;
	v23 =	vld.idx.msk [tilespmem:v3+s29+$0x0 ss:$0x1], $0xffff;
	v12 =	vor.u32 v14, v12;
	v14 =	vor.u32 $0x3F800000, v45  }
0x2e3: {  	v15 =	vadd.s32 v15, v31;
	v47 =	vmul.f32 $1.428571490e-01, v44;
	v48 =	vmul.f32 $5.000000000e-01, v14  }
0x2e4: {  	v19 =	vor.u32 v49, v15;
	v20 =	vsub.f32 v25, v63;
	vm2 =	vgt.f32 v14, $1.414213540e+00  }
0x2e5: {  	v46 =	vmax.f32 v12, $-2.000000000e+01;
	v24 =	vadd.f32 $2.000000030e-01, v47;
	v14 =	vsel vm2, v48, v14  }
0x2e6: {  	v38 =	vand.u32 $0xFFFFFF80, v53;
	v22 =	vmin.f32 v46, $2.000000000e+01;
	v32 =	vadd.f32 $1.000000000e+00, v14  }
0x2e7: {  	v30 =	vtrunc.f32 v22;
	v35 =	vand.u32 $0x7FFFFFFF, v23;
	v24 =	vmul.f32 v24, v44  }
0x2e8: {  	v30 =	vcvt.f32.s32 v30;
	(erf) = vrcp.f32 v32;
	v32 =	vadd.f32 $1.000000000e+00, v35  }
0x2e9: {  	v59 =	vand.u32 $0x7F, v53;
	v17 =	vadd.s32 $0x15, v26;
	v24 =	vadd.f32 $3.333333430e-01, v24  }
0x2ea: {  	vm5 =	vlt.s32 v17, $0x28;
	v33 =	vcvt.s32.f32 v30;
	v51 =	vand.u32 $0x7FFFFF, v32  }
0x2eb: {  	v21 =	vand.u32 $0x80000000, v21;
	v16 =	vmul.f32 v24, v44;
	v52 =	vor.u32 $0x3F800000, v51  }
0x2ec: {  	v28 =	vadd.f32 v42, v42;
	v50 =	vadd.f32 $-1.000000000e+00, v33;
	v54 =	vmul.f32 $5.000000000e-01, v52  }
0x2ed: {  	s31 =	sor.u32 $0x70, s14;
	v40 =	vld [tilespmem:s14+$0x18070];
	vm6 =	vlt.f32 v22, v33;
	v16 =	vadd.f32 $1.000000000e+00, v16;
	vm7 =	vgt.f32 v52, $1.414213540e+00  }
0x2ee: {  	v43 =	vmov s31;
	v24 =	vsel vm6, v50, v33;
	v33 =	vsel vm7, v54, v52  }
0x2ef: {  	v16 =	vmul.f32 v16, v28;
	v28 =	vshll.u32 v55, $0x7;
	v57 =	vadd.f32 $1.000000000e+00, v33  }
0x2f0: {  	v12 =	vnsel vm5, $0x28, v17;
	v37 =	vadd.f32 $-1.000000000e+00, v14;
	v14 =	vor.u32 v1, v28  }
0x2f1: {  	vm5 =	vlt.s32 v17, $0x29;
	v60 =	vadd.s32 v14, v38;
	v58 =	vpop (erf);
	(erf) = vrcp.f32 v57  }
0x2f2: {  	v41 =	vand.u32 $0xFFFFFF80, v12;
	v45 =	vand.u32 $0xFFFFFF80, v40;
	v34 =	vor.u32 v59, v60  }
0x2f3: {  	v47 =	vshrl.u32 v29, $0x17;
	v48 =	vsel vm2, $0x1, v0;
	v61 =	vmul.f32 v58, v37  }
0x2f4: {  	v27 =	vadd.s32 v48, v47;
	v47 =	vand.u32 $0x80000000, v23;
	v62 =	vadd.f32 v16, v56  }
0x2f5: {  	v27 =	vadd.s32 $0xFFFFFF81, v27;
	v36 =	vsel vm6, $0xFFFFFFFF, v0;
	v63 =	vmul.f32 v61, v61  }
0x2f6: {  	v35 =	vand.u32 $0x7F, v12;
	v27 =	vcvt.s32.f32 v27;
	v15 =	vor.u32 v62, v18  }
0x2f7: {  	v30 =	vadd.s32 v30, v36;
	v15 =	vmax.f32 v15, $-2.000000000e+01;
	v42 =	vmul.f32 $1.428571490e-01, v63;
	[tilespmem:v34+s7+$0x0] =	vst.idx.msk $0xffff, v2  }
0x2f8: {  	v25 =	vadd.s32 $0x15, v30;
	v28 =	vmin.f32 v15, $2.000000000e+01;
	v15 =	vshll.u32 v43, $0x7;
	v34 =	vld [tilespmem:s14+$0x18160]  }
0x2f9: {  	v33 =	vadd.f32 $-1.000000000e+00, v33;
	v15 =	vor.u32 v1, v15;
	v18 =	vadd.f32 $2.000000030e-01, v42  }
0x2fa: {  	v16 =	vadd.s32 $0x14, v26;
	v26 =	vand.u32 $0x7F, v40;
	v36 =	vadd.s32 v15, v45;
	v46 =	vpop (erf)  }
0x2fb: {  	v26 =	vor.u32 v26, v36;
	v18 =	vmul.f32 v18, v63;
	v33 =	vmul.f32 v46, v33  }
0x2fc: {  	v27 =	vmul.f32 $6.931471820e-01, v27;
	v32 =	vshrl.u32 v32, $0x17;
	vm8 =	vlt.s32 v25, $0x28  }
0x2fd: {  	v18 =	vadd.f32 $3.333333430e-01, v18;
	v50 =	vand.u32 $0xFFFFFF80, v34;
	v49 =	vmul.f32 v33, v33  }
0x2fe: {  	v22 =	vsub.f32 v22, v24;
	v51 =	vand.u32 $0x7F, v34;
	v52 =	vadd.s32 v14, v50  }
0x2ff: {  	v18 =	vmul.f32 v18, v63;
	v34 =	vor.u32 v51, v52;
	v53 =	vmul.f32 $1.428571490e-01, v49  }
0x300: {  	vm6 =	vlt.s32 v25, $0x29;
	v56 =	vsel vm7, $0x1, v0;
	v31 =	vadd.f32 v61, v61;
	[tilespmem:v26+s7+$0x0] =	vst.idx.msk $0xffff, v2  }
0x301: {  	v44 =	vtrunc.f32 v28;
	v55 =	vld [tilespmem:s14+$0x18170];
	v18 =	vadd.f32 $1.000000000e+00, v18;
	v36 =	vadd.f32 $2.000000030e-01, v53  }
0x302: {  	v32 =	vadd.s32 v56, v32;
	v37 =	vadd.s32 v4, v41;
	v39 =	vcvt.f32.s32 v44  }
0x303: {  	v59 =	vadd.s32 $0xFFFFFF81, v32;
	v31 =	vmul.f32 v18, v31;
	v36 =	vmul.f32 v36, v49  }
0x304: {  	v35 =	vor.u32 v35, v37;
	v45 =	vand.u32 $0xFFFFFF80, v16;
	v54 =	vcvt.s32.f32 v39;
	[tilespmem:v34+s7+$0x0] =	vst.idx.msk $0xffff, v2  }
0x305: {  	v4 =	vadd.s32 v4, v45;
	v31 =	vadd.f32 v31, v27;
	v27 =	vld.idx.msk [tilespmem:v3+s30+$0x0 ss:$0x1], $0xffff;
	v36 =	vadd.f32 $3.333333430e-01, v36  }
0x306: {  	vm9 =	vlt.f32 v28, v54;
	v40 =	vadd.f32 $-1.000000000e+00, v54;
	v57 =	vand.u32 $0xFFFFFF80, v55  }
0x307: {  	v58 =	vand.u32 $0x7F, v55;
	v34 =	vadd.s32 v15, v57;
	v29 =	vmul.f32 v36, v49  }
0x308: {  	v41 =	vsel vm9, $0xFFFFFFFF, v0;
	v18 =	vnsel vm8, $0x28, v25;
	v60 =	vor.u32 v58, v34  }
0x309: {  	v33 =	vadd.f32 v33, v33;
	v57 =	vand.u32 $0xFFFFFF80, v18;
	v29 =	vadd.f32 $1.000000000e+00, v29  }
0x30a: {  	v34 =	vadd.s32 v39, v41;
	v21 =	vor.u32 v31, v21;
	v61 =	vand.u32 $0x7FFFFFFF, v27  }
0x30b: {  	v31 =	vcvt.s32.f32 v59;
	v29 =	vmul.f32 v29, v33;
	v33 =	vadd.f32 $1.000000000e+00, v61  }
0x30c: {  	v58 =	vand.u32 $0x7F, v18;
	v38 =	vadd.s32 $0x15, v34;
	v21 =	vmax.f32 v21, $-2.000000000e+01  }
0x30d: {  	v31 =	vmul.f32 $6.931471820e-01, v31;
	v39 =	vmin.f32 v21, $2.000000000e+01;
	[tilespmem:v60+s7+$0x0] =	vst.idx.msk $0xffff, v2;
	v62 =	vand.u32 $0x7FFFFF, v33  }
0x30e: {  	vm10 =	vlt.s32 v38, $0x28;
	v21 =	vtrunc.f32 v39;
	v26 =	vld.idx.msk [tilespmem:v3+s31+$0x0 ss:$0x1], $0xffff;
	v48 =	vor.u32 $0x3F800000, v62  }
0x30f: {  	v63 =	vcvt.f32.s32 v21;
	v29 =	vadd.f32 v29, v31;
	v49 =	vmul.f32 $5.000000000e-01, v48  }
0x310: {  	vm7 =	vlt.s32 v38, $0x29;
	v36 =	vsel vm9, v40, v54;
	vm11 =	vgt.f32 v48, $1.414213540e+00  }
0x311: {  	v50 =	vcvt.s32.f32 v63;
	v21 =	vor.u32 v29, v47;
	v29 =	vsel vm11, v49, v48  }
0x312: {  	v28 =	vsub.f32 v28, v36;
	v27 =	vand.u32 $0x80000000, v27;
	v53 =	vadd.f32 $1.000000000e+00, v29  }
0x313: {  	v33 =	vshrl.u32 v33, $0x17;
	vm12 =	vlt.f32 v39, v50;
	v54 =	vand.u32 $0x7FFFFFFF, v26  }
0x314: {  	v42 =	vadd.f32 $-1.000000000e+00, v50;
	v41 =	vadd.f32 $1.000000000e+00, v54;
	(erf) = vrcp.f32 v53  }
0x315: {  	v44 =	vsel vm12, $0xFFFFFFFF, v0;
	v26 =	vand.u32 $0x80000000, v26;
	v51 =	vmax.f32 v21, $-2.000000000e+01  }
0x316: {  	v21 =	vnsel vm10, $0x28, v38;
	v31 =	vadd.s32 v63, v44;
	v23 =	vand.u32 $0x7FFFFF, v41  }
0x317: {  	v32 =	vsel vm12, v42, v50;
	v50 =	vsel vm11, $0x1, v0;
	v47 =	vor.u32 $0x3F800000, v23  }
0x318: {  	v40 =	vmin.f32 v51, $2.000000000e+01;
	v42 =	vadd.s32 $0x15, v31;
	v48 =	vmul.f32 $5.000000000e-01, v47  }
0x319: {  	v49 =	vand.u32 $0x7F, v16;
	v62 =	vand.u32 $0xFFFFFF80, v21;
	vm15 =	vgt.f32 v47, $1.414213540e+00  }
0x31a: {  	v63 =	vand.u32 $0x7F, v21;
	v32 =	vsub.f32 v39, v32;
	v45 =	vsel vm15, v48, v47  }
0x31b: {  	v33 =	vadd.s32 v50, v33;
	v52 =	vtrunc.f32 v40;
	v47 =	vadd.f32 $1.000000000e+00, v45  }
0x31c: {  	vm13 =	vlt.s32 v42, $0x28;
	v37 =	vor.u32 v49, v4;
	v4 =	vadd.s32 $0x14, v30  }
0x31d: {  	v56 =	vadd.f32 $-1.000000000e+00, v29;
	v29 =	vadd.s32 v5, v57;
	v59 =	vpop (erf);
	(erf) = vrcp.f32 v47  }
0x31e: {  	v33 =	vadd.s32 $0xFFFFFF81, v33;
	vm8 =	vlt.s32 v42, $0x29;
	v43 =	vcvt.f32.s32 v52  }
0x31f: {  	v23 =	vnsel vm13, $0x28, v42;
	v60 =	vand.u32 $0xFFFFFF80, v4;
	v29 =	vor.u32 v58, v29  }
0x320: {  	v61 =	vand.u32 $0x7F, v4;
	v33 =	vcvt.s32.f32 v33;
	v24 =	vmul.f32 v59, v56  }
0x321: {  	v5 =	vadd.s32 v5, v60;
	v57 =	vand.u32 $0x7F, v23;
	v55 =	vcvt.s32.f32 v43  }
0x322: {  	v30 =	vor.u32 v61, v5;
	v5 =	vadd.s32 $0x14, v34;
	v36 =	vmul.f32 v24, v24  }
0x323: {  	v34 =	vadd.s32 v7, v62;
	v33 =	vmul.f32 $6.931471820e-01, v33;
	v52 =	vand.u32 $0xFFFFFF80, v5  }
0x324: {  	v34 =	vor.u32 v63, v34;
	v46 =	vadd.f32 $-1.000000000e+00, v55;
	v53 =	vmul.f32 $1.428571490e-01, v36  }
0x325: {  	v54 =	vand.u32 $0x7F, v5;
	vm14 =	vlt.f32 v40, v55;
	v45 =	vadd.f32 $-1.000000000e+00, v45  }
0x326: {  	v44 =	vsel vm14, v46, v55;
	v46 =	vsel vm14, $0xFFFFFFFF, v0;
	v55 =	vadd.f32 $2.000000030e-01, v53;
	v58 =	vpop (erf)  }
0x327: {  	v7 =	vadd.s32 v7, v52;
	v43 =	vadd.s32 v43, v46;
	v45 =	vmul.f32 v58, v45  }
0x328: {  	v40 =	vsub.f32 v40, v44;
	v46 =	vadd.s32 $0x15, v43;
	v39 =	vmul.f32 v55, v36  }
0x329: {  	vm4 =	vlt.s32 v46, $0x28;
	vm9 =	vlt.s32 v46, $0x29;
	v61 =	vmul.f32 v45, v45  }
0x32a: {  	v47 =	vor.u32 v54, v7;
	v7 =	vadd.s32 $0x14, v31;
	v39 =	vadd.f32 $3.333333430e-01, v39  }
0x32b: {  	v50 =	vnsel vm4, $0x28, v46;
	v54 =	vsel vm15, $0x1, v0;
	v62 =	vmul.f32 $1.428571490e-01, v61  }
0x32c: {  	v56 =	vand.u32 $0xFFFFFF80, v23;
	v59 =	vand.u32 $0xFFFFFF80, v7;
	v36 =	vmul.f32 v39, v36  }
0x32d: {  	v60 =	vand.u32 $0x7F, v7;
	v51 =	vand.u32 $0xFFFFFF80, v50;
	v39 =	vadd.f32 $2.000000030e-01, v62  }
0x32e: {  	v63 =	vand.u32 $0x7F, v50;
	v24 =	vadd.f32 v24, v24;
	v36 =	vadd.f32 $1.000000000e+00, v36  }
0x32f: {  	v31 =	vadd.s32 v11, v56;
	v11 =	vadd.s32 v11, v59;
	v39 =	vmul.f32 v39, v61  }
0x330: {  	v56 =	vnsel vm0, $0x0, v10;
	v10 =	vsub.f32 $1.000000000e+00, v10;
	v24 =	vmul.f32 v36, v24  }
0x331: {  	v31 =	vor.u32 v57, v31;
	v53 =	vshrl.u32 v41, $0x17;
	v52 =	vadd.f32 $3.333333430e-01, v39  }
0x332: {  	v11 =	vor.u32 v60, v11;
	v55 =	vadd.s32 v54, v53;
	v24 =	vadd.f32 v24, v33  }
0x333: {  	v57 =	vnsel vm5, $0x0, v20;
	v59 =	vadd.s32 $0xFFFFFF81, v55;
	v17 =	vmul.f32 v52, v61  }
0x334: {  	v20 =	vsub.f32 $1.000000000e+00, v20;
	[tilespmem:v13+s7+$0x0] =	vst.idx.msk $0xffff, v56;
	v13 =	vcvt.s32.f32 v59;
	v24 =	vor.u32 v24, v27  }
0x335: {  	[tilespmem:v19+s7+$0x0] =	vst.idx.msk $0xffff, v10;
	v60 =	vadd.f32 v45, v45;
	v24 =	vmax.f32 v24, $-2.000000000e+01;
	v17 =	vadd.f32 $1.000000000e+00, v17  }
0x336: {  	v51 =	vadd.s32 v9, v51;
	[tilespmem:v35+s7+$0x0] =	vst.idx.msk $0xffff, v57;
	v13 =	vmul.f32 $6.931471820e-01, v13;
	v62 =	vmin.f32 v24, $2.000000000e+01  }
0x337: {  	v35 =	vnsel vm8, $0x0, v32;
	[tilespmem:v37+s7+$0x0] =	vst.idx.msk $0xffff, v20;
	v24 =	vtrunc.f32 v62;
	v17 =	vmul.f32 v17, v60  }
0x338: {  	v37 =	vsub.f32 $1.000000000e+00, v32;
	[tilespmem:s14+$0x18000] =	vst v8;
	v58 =	vnsel vm6, $0x0, v22;
	v24 =	vcvt.f32.s32 v24  }
0x339: {  	[tilespmem:v29+s7+$0x0] =	vst.idx.msk $0xffff, v58;
	v29 =	vnsel vm7, $0x0, v28;
	v36 =	vor.u32 v63, v51;
	v13 =	vadd.f32 v17, v13  }
0x33a: {  	[tilespmem:s14+$0x18100] =	vst v6;
	v61 =	vsub.f32 $1.000000000e+00, v22;
	v22 =	vadd.s32 $0x14, v43;
	v33 =	vcvt.s32.f32 v24  }
0x33b: {  	[tilespmem:s14+$0x18010] =	vst v16;
	v43 =	vnsel vm9, $0x0, v40;
	v63 =	vand.u32 $0xFFFFFF80, v22;
	v38 =	vor.u32 v13, v26  }
0x33c: {  	[tilespmem:v31+s7+$0x0] =	vst.idx.msk $0xffff, v35;
	v39 =	vand.u32 $0x7F, v22;
	vm10 =	vlt.f32 v62, v33;
	v10 =	vmax.f32 v38, $-2.000000000e+01  }
0x33d: {  	[tilespmem:v11+s7+$0x0] =	vst.idx.msk $0xffff, v37;
	v9 =	vadd.s32 v9, v63;
	v41 =	vsel vm10, $0xFFFFFFFF, v0;
	v10 =	vmin.f32 v10, $2.000000000e+01  }
0x33e: {  	[tilespmem:v34+s7+$0x0] =	vst.idx.msk $0xffff, v29;
	v9 =	vor.u32 v39, v9;
	v42 =	vadd.s32 v24, v41;
	v45 =	vtrunc.f32 v10  }
0x33f: {  	[tilespmem:v30+s7+$0x0] =	vst.idx.msk $0xffff, v61;
	v30 =	vsub.f32 $1.000000000e+00, v28;
	v44 =	vadd.s32 $0x15, v42;
	v20 =	vcvt.f32.s32 v45  }
0x340: {  	v46 =	vsub.f32 $1.000000000e+00, v40;
	[tilespmem:v36+s7+$0x0] =	vst.idx.msk $0xffff, v43;
	v48 =	vadd.f32 $-1.000000000e+00, v33;
	vm11 =	vlt.s32 v44, $0x28  }
0x341: {  	[tilespmem:v47+s7+$0x0] =	vst.idx.msk $0xffff, v30;
	v11 =	vadd.s32 $0x14, v42;
	v47 =	vnsel vm11, $0x28, v44;
	v51 =	vcvt.s32.f32 v20  }
0x342: {  	[tilespmem:s14+$0x18020] =	vst v4;
	v53 =	vand.u32 $0xFFFFFF80, v11;
	v4 =	vand.u32 $0x7F, v11;
	v49 =	vand.u32 $0xFFFFFF80, v47  }
0x343: {  	[tilespmem:v9+s7+$0x0] =	vst.idx.msk $0xffff, v46;
	v52 =	vand.u32 $0x7F, v47;
	v9 =	vadd.s32 v14, v49;
	vm12 =	vlt.f32 v10, v51  }
0x344: {  	[tilespmem:s14+$0x18110] =	vst v12;
	v12 =	vadd.s32 v14, v53;
	v9 =	vor.u32 v52, v9;
	v54 =	vsel vm12, $0xFFFFFFFF, v0  }
0x345: {  	[tilespmem:s14+$0x18040] =	vst v7;
	v8 =	vsel vm10, v48, v33;
	v4 =	vor.u32 v4, v12;
	v55 =	vadd.s32 v20, v54  }
0x346: {  	[tilespmem:s14+$0x18030] =	vst v5;
	v5 =	vsub.f32 v62, v8;
	v56 =	vadd.s32 $0x15, v55  }
0x347: {  	[tilespmem:s14+$0x18140] =	vst v23;
	vm13 =	vlt.s32 v44, $0x29;
	vm14 =	vlt.s32 v56, $0x28  }
0x348: {  	[tilespmem:s14+$0x18120] =	vst v18;
	v13 =	vnsel vm13, $0x0, v5;
	v5 =	vsub.f32 $1.000000000e+00, v5;
	v57 =	vnsel vm14, $0x28, v56  }
0x349: {  	v58 =	vadd.f32 $-1.000000000e+00, v51;
	v59 =	vadd.s32 $0x14, v55;
	[tilespmem:v9+s7+$0x0] =	vst.idx.msk $0xffff, v13;
	v60 =	vand.u32 $0xFFFFFF80, v57  }
0x34a: {  	v61 =	vand.u32 $0xFFFFFF80, v59;
	[tilespmem:v4+s7+$0x0] =	vst.idx.msk $0xffff, v5;
	v4 =	vand.u32 $0x7F, v57;
	v5 =	vadd.s32 v15, v60  }
0x34b: {  	[tilespmem:s14+$0x18130] =	vst v21;
	v62 =	vand.u32 $0x7F, v59;
	v4 =	vor.u32 v4, v5;
	v5 =	vadd.s32 v15, v61  }
0x34c: {  	[tilespmem:s14+$0x18050] =	vst v22;
	v7 =	vsel vm12, v58, v51;
	v5 =	vor.u32 v62, v5  }
0x34d: {  	[tilespmem:s14+$0x18150] =	vst v50;
	v7 =	vsub.f32 v10, v7  }
0x34e: {  	p1 =	por p0, p0;
	vm15 =	vlt.s32 v56, $0x29;
	[tilespmem:s14+$0x18060] =	vst v11  }
.Ltmp4:
0x34f: {  	v63 =	vnsel vm15, $0x0, v7;
	v7 =	vsub.f32 $1.000000000e+00, v7;
	[tilespmem:s14+$0x18160] =	vst v47;
	(pc) =	sbr.rel @p1 .LBB2_11-.Ltmp4, $4  }
0x350: {  	[tilespmem:v4+s7+$0x0] =	vst.idx.msk $0xffff, v63  }
0x351: {  	[tilespmem:v5+s7+$0x0] =	vst.idx.msk $0xffff, v7  }
0x352: {  	[tilespmem:s14+$0x18070] =	vst v59  }
0x353: {  	p0 =	por $0x0, $0x0;
	[tilespmem:s14+$0x18170] =	vst v57;
	s14 =	simm.s32 $0x80  }
0x354: {  	s14 =	sshll.u32 s13, $0xD  }
0x355: {  	s15 =	simm.s32 $0x0;
	s14 =	sadd.s32 s14, s4  }
0x356: {  	[hbm4b:s14+s15] =	stream.linear.scatter [tilespmem:s7], [sflag:$0x2], $0x8000, $0x38;
	[tilespmem:$0x18400] =	vst v63  }
0x357: {  	s14 =	sshllo.u32 s13, $0x1  }
0x358: {  	_ =	swait.ge [sflag:s11], $0x8000;
	s16 =	sshll.u32 s14, $0x8  }
0x359: {  	[sflag:s11] =	ssyncset.done $0x0;
	s16 =	sand.u32 $0x3FFFFF00, s16  }
0x35a: {  	p0 =	por $0x1, $0x1;
	[sflag:s11] =	ssyncadd.s32 $0xFFFF8000;
	v3 =	vmov s16  }
.LBB2_13:
0x35b: {  	v4 =	vld [tilespmem:s15+$0x18200];
	_ =	sdelay $0x2  }
0x35c: {  	v5 =	vmov s15  }
0x35d: {  	v5 =	vshll.u32 v5, $0x7  }
0x35e: {  	v15 =	vor.u32 v1, v5;
	v6 =	vand.u32 $0xFFFFFF80, v4  }
0x35f: {  	v4 =	vand.u32 $0x7F, v4;
	v5 =	vadd.s32 v15, v6  }
0x360: {  	v4 =	vor.u32 v4, v5;
	_ =	sdelay $0x4  }
0x361: {  	[tilespmem:v4+s8+$0x0] =	vst.idx.msk $0xffff, v2  }
0x362: {  	v4 =	vld [tilespmem:s15+$0x18300];
	_ =	sdelay $0x3  }
0x363: {  	v5 =	vld [tilespmem:s15+$0x18210]  }
0x364: {  	v34 =	vand.u32 $0xFFFFFF80, v4  }
0x365: {  	s16 =	sor.u32 $0x10, s15;
	v4 =	vand.u32 $0x7F, v4;
	v6 =	vadd.s32 v15, v34  }
0x366: {  	v6 =	vor.u32 v4, v6;
	v4 =	vmov s16  }
0x367: {  	v4 =	vshll.u32 v4, $0x7  }
0x368: {  	v7 =	vand.u32 $0xFFFFFF80, v5;
	v4 =	vor.u32 v1, v4  }
0x369: {  	v5 =	vand.u32 $0x7F, v5;
	v7 =	vadd.s32 v4, v7  }
0x36a: {  	v5 =	vor.u32 v5, v7;
	_ =	sdelay $0x3  }
0x36b: {  	[tilespmem:v6+s8+$0x0] =	vst.idx.msk $0xffff, v2  }
0x36c: {  	v6 =	vld.idx.msk [tilespmem:v3+s15+$0x0 ss:$0x1], $0xffff;
	[tilespmem:v5+s8+$0x0] =	vst.idx.msk $0xffff, v2  }
0x36d: {  	v5 =	vld [tilespmem:s15+$0x18310];
	_ =	sdelay $0x3  }
0x36e: {  	v35 =	vand.u32 $0x7FFFFFFF, v6  }
0x36f: {  	v7 =	vadd.f32 $1.000000000e+00, v35;
	v9 =	vand.u32 $0xFFFFFF80, v5  }
0x370: {  	v5 =	vand.u32 $0x7F, v5;
	v9 =	vadd.s32 v4, v9  }
0x371: {  	v8 =	vand.u32 $0x7FFFFF, v7;
	v5 =	vor.u32 v5, v9  }
0x372: {  	v36 =	vld [tilespmem:s15+$0x18220];
	v8 =	vor.u32 $0x3F800000, v8  }
0x373: {  	v10 =	vmul.f32 $5.000000000e-01, v8  }
0x374: {  	s18 =	sor.u32 $0x20, s15;
	vm1 =	vgt.f32 v8, $1.414213540e+00  }
0x375: {  	v37 =	vmov s18;
	v8 =	vsel vm1, v10, v8  }
0x376: {  	v10 =	vadd.f32 $1.000000000e+00, v8;
	[tilespmem:v5+s8+$0x0] =	vst.idx.msk $0xffff, v2;
	v5 =	vshll.u32 v37, $0x7  }
0x377: {  	v38 =	vand.u32 $0xFFFFFF80, v36;
	v5 =	vor.u32 v1, v5  }
0x378: {  	v9 =	vand.u32 $0x7F, v36;
	(erf) = vrcp.f32 v10;
	v10 =	vadd.s32 v5, v38  }
0x379: {  	v9 =	vor.u32 v9, v10  }
0x37a: {  	v13 =	vld.idx.msk [tilespmem:v3+s16+$0x0 ss:$0x1], $0xffff;
	_ =	sdelay $0x3  }
0x37b: {  	[tilespmem:v9+s8+$0x0] =	vst.idx.msk $0xffff, v2  }
0x37c: {  	v39 =	vand.u32 $0x7FFFFFFF, v13;
	v41 =	vld [tilespmem:s15+$0x18320]  }
0x37d: {  	v8 =	vadd.f32 $-1.000000000e+00, v8;
	v10 =	vadd.f32 $1.000000000e+00, v39  }
0x37e: {  	v11 =	vpop (erf)  }
0x37f: {  	v8 =	vmul.f32 v11, v8;
	v40 =	vand.u32 $0x7FFFFF, v10  }
0x380: {  	v42 =	vld [tilespmem:s15+$0x18230];
	v9 =	vor.u32 $0x3F800000, v40  }
0x381: {  	v12 =	vmul.f32 v8, v8;
	v14 =	vmul.f32 $5.000000000e-01, v9;
	v17 =	vand.u32 $0xFFFFFF80, v41  }
0x382: {  	vm0 =	vgt.f32 v9, $1.414213540e+00;
	v11 =	vand.u32 $0x7F, v41;
	v17 =	vadd.s32 v5, v17  }
0x383: {  	s17 =	sor.u32 $0x30, s15;
	v16 =	vmul.f32 $1.428571490e-01, v12;
	v9 =	vsel vm0, v14, v9;
	v11 =	vor.u32 v11, v17  }
0x384: {  	v18 =	vmov s17;
	v14 =	vadd.f32 $1.000000000e+00, v9  }
0x385: {  	v44 =	vshll.u32 v18, $0x7;
	v45 =	vand.u32 $0xFFFFFF80, v42;
	v16 =	vadd.f32 $2.000000030e-01, v16  }
0x386: {  	v7 =	vshrl.u32 v7, $0x17;
	v43 =	vsel vm1, $0x1, v0;
	(erf) = vrcp.f32 v14  }
0x387: {  	v21 =	vld [tilespmem:s15+$0x18240];
	v17 =	vadd.s32 v43, v7;
	v7 =	vor.u32 v1, v44;
	v16 =	vmul.f32 v16, v12  }
0x388: {  	v14 =	vand.u32 $0x7F, v42;
	[tilespmem:v11+s8+$0x0] =	vst.idx.msk $0xffff, v2;
	v11 =	vadd.s32 v7, v45  }
0x389: {  	v33 =	vld [tilespmem:s15+$0x18250];
	v16 =	vadd.f32 $3.333333430e-01, v16;
	v11 =	vor.u32 v14, v11  }
0x38a: {  	s28 =	sor.u32 $0x40, s15;
	s29 =	sor.u32 $0x50, s15  }
0x38b: {  	v26 =	vmov s28;
	v47 =	vmov s29;
	v16 =	vmul.f32 v16, v12;
	v46 =	vld.idx.msk [tilespmem:v3+s18+$0x0 ss:$0x1], $0xffff  }
0x38c: {  	v22 =	vand.u32 $0xFFFFFF80, v21;
	v27 =	vand.u32 $0x7F, v21;
	v17 =	vadd.s32 $0xFFFFFF81, v17  }
0x38d: {  	v8 =	vadd.f32 v8, v8;
	v56 =	vcvt.s32.f32 v17;
	v16 =	vadd.f32 $1.000000000e+00, v16  }
0x38e: {  	v23 =	vand.u32 $0xFFFFFF80, v33;
	v21 =	vand.u32 $0x7F, v33;
	v9 =	vadd.f32 $-1.000000000e+00, v9;
	[tilespmem:v11+s8+$0x0] =	vst.idx.msk $0xffff, v2  }
0x38f: {  	v10 =	vshrl.u32 v10, $0x17;
	v14 =	vmul.f32 $6.931471820e-01, v56;
	v8 =	vmul.f32 v16, v8;
	v57 =	vpop (erf);
	v11 =	vld [tilespmem:s15+$0x18330]  }
0x390: {  	v25 =	vsel vm0, $0x1, v0;
	v9 =	vmul.f32 v57, v9;
	v58 =	vand.u32 $0x7FFFFFFF, v46  }
0x391: {  	v10 =	vadd.s32 v25, v10;
	v8 =	vadd.f32 v8, v14;
	v16 =	vadd.f32 $1.000000000e+00, v58  }
0x392: {  	v6 =	vand.u32 $0x80000000, v6;
	v10 =	vadd.s32 $0xFFFFFF81, v10;
	v59 =	vmul.f32 v9, v9  }
0x393: {  	v10 =	vcvt.s32.f32 v10;
	v6 =	vor.u32 v8, v6;
	v61 =	vand.u32 $0x7FFFFF, v16  }
0x394: {  	v60 =	vmul.f32 $1.428571490e-01, v59;
	v17 =	vor.u32 $0x3F800000, v61;
	v63 =	vand.u32 $0xFFFFFF80, v11  }
0x395: {  	v62 =	vmul.f32 $5.000000000e-01, v17;
	v11 =	vand.u32 $0x7F, v11;
	v18 =	vadd.s32 v7, v63  }
0x396: {  	v8 =	vadd.f32 $2.000000030e-01, v60;
	vm13 =	vgt.f32 v17, $1.414213540e+00;
	v11 =	vor.u32 v11, v18  }
0x397: {  	v36 =	vand.u32 $0x80000000, v13;
	v30 =	vmul.f32 $6.931471820e-01, v10;
	v17 =	vsel vm13, v62, v17  }
0x398: {  	v6 =	vmax.f32 v6, $-2.000000000e+01;
	v8 =	vmul.f32 v8, v59;
	v20 =	vadd.f32 $1.000000000e+00, v17  }
0x399: {  	v14 =	vshll.u32 v26, $0x7;
	v12 =	vand.u32 $0x80000000, v46;
	v6 =	vmin.f32 v6, $2.000000000e+01  }
0x39a: {  	v19 =	vtrunc.f32 v6;
	v8 =	vadd.f32 $3.333333430e-01, v8;
	(erf) = vrcp.f32 v20  }
0x39b: {  	v16 =	vshrl.u32 v16, $0x17;
	v19 =	vcvt.f32.s32 v19;
	[tilespmem:v11+s8+$0x0] =	vst.idx.msk $0xffff, v2;
	v11 =	vor.u32 v1, v14  }
0x39c: {  	v58 =	vsel vm13, $0x1, v0;
	v8 =	vmul.f32 v8, v59;
	v28 =	vadd.s32 v11, v22  }
0x39d: {  	v16 =	vadd.s32 v58, v16;
	v24 =	vcvt.s32.f32 v19;
	v18 =	vld.idx.msk [tilespmem:v3+s17+$0x0 ss:$0x1], $0xffff;
	v14 =	vor.u32 v27, v28  }
0x39e: {  	v9 =	vadd.f32 v9, v9;
	v16 =	vadd.s32 $0xFFFFFF81, v16;
	v8 =	vadd.f32 $1.000000000e+00, v8  }
0x39f: {  	v16 =	vcvt.s32.f32 v16;
	v29 =	vadd.f32 $-1.000000000e+00, v24;
	vm14 =	vlt.f32 v6, v24  }
0x3a0: {  	v17 =	vadd.f32 $-1.000000000e+00, v17;
	v32 =	vsel vm14, $0xFFFFFFFF, v0;
	v8 =	vmul.f32 v8, v9  }
0x3a1: {  	v16 =	vmul.f32 $6.931471820e-01, v16;
	v31 =	vsel vm14, v29, v24;
	v19 =	vadd.s32 v19, v32  }
0x3a2: {  	v34 =	vadd.f32 v8, v30;
	v8 =	vshll.u32 v47, $0x7;
	v37 =	vand.u32 $0x7FFFFFFF, v18;
	[tilespmem:v14+s8+$0x0] =	vst.idx.msk $0xffff, v2  }
0x3a3: {  	v10 =	vsub.f32 v6, v31;
	v9 =	vor.u32 v1, v8;
	v35 =	vpop (erf);
	v38 =	vadd.f32 $1.000000000e+00, v37;
	v14 =	vld [tilespmem:s15+$0x18340]  }
0x3a4: {  	v6 =	vor.u32 v34, v36;
	v51 =	vadd.s32 v9, v23;
	v17 =	vmul.f32 v35, v17  }
0x3a5: {  	v6 =	vmax.f32 v6, $-2.000000000e+01;
	v21 =	vor.u32 v21, v51;
	v49 =	vand.u32 $0x7FFFFF, v38  }
0x3a6: {  	v25 =	vmin.f32 v6, $2.000000000e+01;
	v48 =	vmul.f32 v17, v17;
	v50 =	vor.u32 $0x3F800000, v49  }
0x3a7: {  	v53 =	vadd.s32 $0x15, v19;
	v26 =	vtrunc.f32 v25;
	v24 =	vmul.f32 $5.000000000e-01, v50  }
0x3a8: {  	v52 =	vmul.f32 $1.428571490e-01, v48;
	vm3 =	vgt.f32 v50, $1.414213540e+00;
	v54 =	vand.u32 $0xFFFFFF80, v14  }
0x3a9: {  	v24 =	vsel vm3, v24, v50;
	v14 =	vand.u32 $0x7F, v14;
	v6 =	vadd.s32 v11, v54  }
0x3aa: {  	v26 =	vcvt.f32.s32 v26;
	v8 =	vadd.f32 $1.000000000e+00, v24;
	v14 =	vor.u32 v14, v6  }
0x3ab: {  	vm15 =	vlt.s32 v53, $0x28;
	vm0 =	vlt.s32 v53, $0x29;
	[tilespmem:v21+s8+$0x0] =	vst.idx.msk $0xffff, v2;
	v23 =	vadd.f32 $2.000000030e-01, v52  }
0x3ac: {  	v18 =	vand.u32 $0x80000000, v18;
	v57 =	vcvt.s32.f32 v26;
	v27 =	vld [tilespmem:s15+$0x18350];
	(erf) = vrcp.f32 v8  }
0x3ad: {  	v20 =	vshrl.u32 v38, $0x17;
	v34 =	vsel vm3, $0x1, v0;
	v23 =	vmul.f32 v23, v48  }
0x3ae: {  	v17 =	vadd.f32 v17, v17;
	v20 =	vadd.s32 v34, v20;
	v60 =	vadd.f32 $-1.000000000e+00, v57  }
0x3af: {  	vm4 =	vlt.f32 v25, v57;
	v24 =	vadd.f32 $-1.000000000e+00, v24;
	v56 =	vadd.f32 $3.333333430e-01, v23;
	[tilespmem:v14+s8+$0x0] =	vst.idx.msk $0xffff, v2  }
0x3b0: {  	v20 =	vadd.s32 $0xFFFFFF81, v20;
	v6 =	vnsel vm15, $0x28, v53;
	v41 =	vsel vm4, $0xFFFFFFFF, v0;
	v21 =	vld.idx.msk [tilespmem:v3+s28+$0x0 ss:$0x1], $0xffff  }
0x3b1: {  	v20 =	vcvt.s32.f32 v20;
	v62 =	vand.u32 $0xFFFFFF80, v27;
	v59 =	vmul.f32 v56, v48  }
0x3b2: {  	v8 =	vadd.s32 $0x14, v19;
	v27 =	vand.u32 $0x7F, v27;
	v23 =	vadd.s32 v9, v62  }
0x3b3: {  	v55 =	vand.u32 $0xFFFFFF80, v6;
	v23 =	vor.u32 v27, v23;
	v61 =	vadd.f32 $1.000000000e+00, v59  }
0x3b4: {  	v28 =	vand.u32 $0x7F, v6;
	v63 =	vsel vm4, v60, v57;
	v26 =	vadd.s32 v26, v41  }
0x3b5: {  	v19 =	vadd.s32 v15, v55;
	v39 =	vmul.f32 v61, v17;
	v40 =	vpop (erf);
	v43 =	vand.u32 $0x7FFFFFFF, v21  }
0x3b6: {  	s30 =	sor.u32 $0x60, s15;
	v31 =	vand.u32 $0xFFFFFF80, v8;
	v42 =	vmul.f32 v40, v24;
	v29 =	vadd.f32 $1.000000000e+00, v43  }
0x3b7: {  	v49 =	vand.u32 $0x7F, v8;
	v55 =	vmov s30;
	v14 =	vadd.f32 v39, v16  }
0x3b8: {  	v53 =	vld [tilespmem:s15+$0x18260];
	v13 =	vor.u32 v28, v19;
	[tilespmem:v23+s8+$0x0] =	vst.idx.msk $0xffff, v2;
	v44 =	vmul.f32 v42, v42;
	v45 =	vand.u32 $0x7FFFFF, v29  }
0x3b9: {  	v56 =	vmul.f32 $6.931471820e-01, v20;
	v23 =	vld.idx.msk [tilespmem:v3+s29+$0x0 ss:$0x1], $0xffff;
	v12 =	vor.u32 v14, v12;
	v14 =	vor.u32 $0x3F800000, v45  }
0x3ba: {  	v15 =	vadd.s32 v15, v31;
	v47 =	vmul.f32 $1.428571490e-01, v44;
	v48 =	vmul.f32 $5.000000000e-01, v14  }
0x3bb: {  	v19 =	vor.u32 v49, v15;
	v20 =	vsub.f32 v25, v63;
	vm2 =	vgt.f32 v14, $1.414213540e+00  }
0x3bc: {  	v46 =	vmax.f32 v12, $-2.000000000e+01;
	v24 =	vadd.f32 $2.000000030e-01, v47;
	v14 =	vsel vm2, v48, v14  }
0x3bd: {  	v38 =	vand.u32 $0xFFFFFF80, v53;
	v22 =	vmin.f32 v46, $2.000000000e+01;
	v32 =	vadd.f32 $1.000000000e+00, v14  }
0x3be: {  	v30 =	vtrunc.f32 v22;
	v35 =	vand.u32 $0x7FFFFFFF, v23;
	v24 =	vmul.f32 v24, v44  }
0x3bf: {  	v30 =	vcvt.f32.s32 v30;
	(erf) = vrcp.f32 v32;
	v32 =	vadd.f32 $1.000000000e+00, v35  }
0x3c0: {  	v59 =	vand.u32 $0x7F, v53;
	v17 =	vadd.s32 $0x15, v26;
	v24 =	vadd.f32 $3.333333430e-01, v24  }
0x3c1: {  	vm5 =	vlt.s32 v17, $0x28;
	v33 =	vcvt.s32.f32 v30;
	v51 =	vand.u32 $0x7FFFFF, v32  }
0x3c2: {  	v21 =	vand.u32 $0x80000000, v21;
	v16 =	vmul.f32 v24, v44;
	v52 =	vor.u32 $0x3F800000, v51  }
0x3c3: {  	v28 =	vadd.f32 v42, v42;
	v50 =	vadd.f32 $-1.000000000e+00, v33;
	v54 =	vmul.f32 $5.000000000e-01, v52  }
0x3c4: {  	s31 =	sor.u32 $0x70, s15;
	v40 =	vld [tilespmem:s15+$0x18270];
	vm6 =	vlt.f32 v22, v33;
	v16 =	vadd.f32 $1.000000000e+00, v16;
	vm7 =	vgt.f32 v52, $1.414213540e+00  }
0x3c5: {  	v43 =	vmov s31;
	v24 =	vsel vm6, v50, v33;
	v33 =	vsel vm7, v54, v52  }
0x3c6: {  	v16 =	vmul.f32 v16, v28;
	v28 =	vshll.u32 v55, $0x7;
	v57 =	vadd.f32 $1.000000000e+00, v33  }
0x3c7: {  	v12 =	vnsel vm5, $0x28, v17;
	v37 =	vadd.f32 $-1.000000000e+00, v14;
	v14 =	vor.u32 v1, v28  }
0x3c8: {  	vm5 =	vlt.s32 v17, $0x29;
	v60 =	vadd.s32 v14, v38;
	v58 =	vpop (erf);
	(erf) = vrcp.f32 v57  }
0x3c9: {  	v41 =	vand.u32 $0xFFFFFF80, v12;
	v45 =	vand.u32 $0xFFFFFF80, v40;
	v34 =	vor.u32 v59, v60  }
0x3ca: {  	v47 =	vshrl.u32 v29, $0x17;
	v48 =	vsel vm2, $0x1, v0;
	v61 =	vmul.f32 v58, v37  }
0x3cb: {  	v27 =	vadd.s32 v48, v47;
	v47 =	vand.u32 $0x80000000, v23;
	v62 =	vadd.f32 v16, v56  }
0x3cc: {  	v27 =	vadd.s32 $0xFFFFFF81, v27;
	v36 =	vsel vm6, $0xFFFFFFFF, v0;
	v63 =	vmul.f32 v61, v61  }
0x3cd: {  	v35 =	vand.u32 $0x7F, v12;
	v27 =	vcvt.s32.f32 v27;
	v15 =	vor.u32 v62, v18  }
0x3ce: {  	v30 =	vadd.s32 v30, v36;
	v15 =	vmax.f32 v15, $-2.000000000e+01;
	v42 =	vmul.f32 $1.428571490e-01, v63;
	[tilespmem:v34+s8+$0x0] =	vst.idx.msk $0xffff, v2  }
0x3cf: {  	v25 =	vadd.s32 $0x15, v30;
	v28 =	vmin.f32 v15, $2.000000000e+01;
	v15 =	vshll.u32 v43, $0x7;
	v34 =	vld [tilespmem:s15+$0x18360]  }
0x3d0: {  	v33 =	vadd.f32 $-1.000000000e+00, v33;
	v15 =	vor.u32 v1, v15;
	v18 =	vadd.f32 $2.000000030e-01, v42  }
0x3d1: {  	v16 =	vadd.s32 $0x14, v26;
	v26 =	vand.u32 $0x7F, v40;
	v36 =	vadd.s32 v15, v45;
	v46 =	vpop (erf)  }
0x3d2: {  	v26 =	vor.u32 v26, v36;
	v18 =	vmul.f32 v18, v63;
	v33 =	vmul.f32 v46, v33  }
0x3d3: {  	v27 =	vmul.f32 $6.931471820e-01, v27;
	v32 =	vshrl.u32 v32, $0x17;
	vm8 =	vlt.s32 v25, $0x28  }
0x3d4: {  	v18 =	vadd.f32 $3.333333430e-01, v18;
	v50 =	vand.u32 $0xFFFFFF80, v34;
	v49 =	vmul.f32 v33, v33  }
0x3d5: {  	v22 =	vsub.f32 v22, v24;
	v51 =	vand.u32 $0x7F, v34;
	v52 =	vadd.s32 v14, v50  }
0x3d6: {  	v18 =	vmul.f32 v18, v63;
	v34 =	vor.u32 v51, v52;
	v53 =	vmul.f32 $1.428571490e-01, v49  }
0x3d7: {  	vm6 =	vlt.s32 v25, $0x29;
	v56 =	vsel vm7, $0x1, v0;
	v31 =	vadd.f32 v61, v61;
	[tilespmem:v26+s8+$0x0] =	vst.idx.msk $0xffff, v2  }
0x3d8: {  	v44 =	vtrunc.f32 v28;
	v55 =	vld [tilespmem:s15+$0x18370];
	v18 =	vadd.f32 $1.000000000e+00, v18;
	v36 =	vadd.f32 $2.000000030e-01, v53  }
0x3d9: {  	v32 =	vadd.s32 v56, v32;
	v37 =	vadd.s32 v4, v41;
	v39 =	vcvt.f32.s32 v44  }
0x3da: {  	v59 =	vadd.s32 $0xFFFFFF81, v32;
	v31 =	vmul.f32 v18, v31;
	v36 =	vmul.f32 v36, v49  }
0x3db: {  	v35 =	vor.u32 v35, v37;
	v45 =	vand.u32 $0xFFFFFF80, v16;
	v54 =	vcvt.s32.f32 v39;
	[tilespmem:v34+s8+$0x0] =	vst.idx.msk $0xffff, v2  }
0x3dc: {  	v4 =	vadd.s32 v4, v45;
	v31 =	vadd.f32 v31, v27;
	v27 =	vld.idx.msk [tilespmem:v3+s30+$0x0 ss:$0x1], $0xffff;
	v36 =	vadd.f32 $3.333333430e-01, v36  }
0x3dd: {  	vm9 =	vlt.f32 v28, v54;
	v40 =	vadd.f32 $-1.000000000e+00, v54;
	v57 =	vand.u32 $0xFFFFFF80, v55  }
0x3de: {  	v58 =	vand.u32 $0x7F, v55;
	v34 =	vadd.s32 v15, v57;
	v29 =	vmul.f32 v36, v49  }
0x3df: {  	v41 =	vsel vm9, $0xFFFFFFFF, v0;
	v18 =	vnsel vm8, $0x28, v25;
	v60 =	vor.u32 v58, v34  }
0x3e0: {  	v33 =	vadd.f32 v33, v33;
	v57 =	vand.u32 $0xFFFFFF80, v18;
	v29 =	vadd.f32 $1.000000000e+00, v29  }
0x3e1: {  	v34 =	vadd.s32 v39, v41;
	v21 =	vor.u32 v31, v21;
	v61 =	vand.u32 $0x7FFFFFFF, v27  }
0x3e2: {  	v31 =	vcvt.s32.f32 v59;
	v29 =	vmul.f32 v29, v33;
	v33 =	vadd.f32 $1.000000000e+00, v61  }
0x3e3: {  	v58 =	vand.u32 $0x7F, v18;
	v38 =	vadd.s32 $0x15, v34;
	v21 =	vmax.f32 v21, $-2.000000000e+01  }
0x3e4: {  	v31 =	vmul.f32 $6.931471820e-01, v31;
	v39 =	vmin.f32 v21, $2.000000000e+01;
	[tilespmem:v60+s8+$0x0] =	vst.idx.msk $0xffff, v2;
	v62 =	vand.u32 $0x7FFFFF, v33  }
0x3e5: {  	vm10 =	vlt.s32 v38, $0x28;
	v21 =	vtrunc.f32 v39;
	v26 =	vld.idx.msk [tilespmem:v3+s31+$0x0 ss:$0x1], $0xffff;
	v48 =	vor.u32 $0x3F800000, v62  }
0x3e6: {  	v63 =	vcvt.f32.s32 v21;
	v29 =	vadd.f32 v29, v31;
	v49 =	vmul.f32 $5.000000000e-01, v48  }
0x3e7: {  	vm7 =	vlt.s32 v38, $0x29;
	v36 =	vsel vm9, v40, v54;
	vm11 =	vgt.f32 v48, $1.414213540e+00  }
0x3e8: {  	v50 =	vcvt.s32.f32 v63;
	v21 =	vor.u32 v29, v47;
	v29 =	vsel vm11, v49, v48  }
0x3e9: {  	v28 =	vsub.f32 v28, v36;
	v27 =	vand.u32 $0x80000000, v27;
	v53 =	vadd.f32 $1.000000000e+00, v29  }
0x3ea: {  	v33 =	vshrl.u32 v33, $0x17;
	vm12 =	vlt.f32 v39, v50;
	v54 =	vand.u32 $0x7FFFFFFF, v26  }
0x3eb: {  	v42 =	vadd.f32 $-1.000000000e+00, v50;
	v41 =	vadd.f32 $1.000000000e+00, v54;
	(erf) = vrcp.f32 v53  }
0x3ec: {  	v44 =	vsel vm12, $0xFFFFFFFF, v0;
	v26 =	vand.u32 $0x80000000, v26;
	v51 =	vmax.f32 v21, $-2.000000000e+01  }
0x3ed: {  	v21 =	vnsel vm10, $0x28, v38;
	v31 =	vadd.s32 v63, v44;
	v23 =	vand.u32 $0x7FFFFF, v41  }
0x3ee: {  	v32 =	vsel vm12, v42, v50;
	v50 =	vsel vm11, $0x1, v0;
	v47 =	vor.u32 $0x3F800000, v23  }
0x3ef: {  	v40 =	vmin.f32 v51, $2.000000000e+01;
	v42 =	vadd.s32 $0x15, v31;
	v48 =	vmul.f32 $5.000000000e-01, v47  }
0x3f0: {  	v49 =	vand.u32 $0x7F, v16;
	v62 =	vand.u32 $0xFFFFFF80, v21;
	vm15 =	vgt.f32 v47, $1.414213540e+00  }
0x3f1: {  	v63 =	vand.u32 $0x7F, v21;
	v32 =	vsub.f32 v39, v32;
	v45 =	vsel vm15, v48, v47  }
0x3f2: {  	v33 =	vadd.s32 v50, v33;
	v52 =	vtrunc.f32 v40;
	v47 =	vadd.f32 $1.000000000e+00, v45  }
0x3f3: {  	vm13 =	vlt.s32 v42, $0x28;
	v37 =	vor.u32 v49, v4;
	v4 =	vadd.s32 $0x14, v30  }
0x3f4: {  	v56 =	vadd.f32 $-1.000000000e+00, v29;
	v29 =	vadd.s32 v5, v57;
	v59 =	vpop (erf);
	(erf) = vrcp.f32 v47  }
0x3f5: {  	v33 =	vadd.s32 $0xFFFFFF81, v33;
	vm8 =	vlt.s32 v42, $0x29;
	v43 =	vcvt.f32.s32 v52  }
0x3f6: {  	v23 =	vnsel vm13, $0x28, v42;
	v60 =	vand.u32 $0xFFFFFF80, v4;
	v29 =	vor.u32 v58, v29  }
0x3f7: {  	v61 =	vand.u32 $0x7F, v4;
	v33 =	vcvt.s32.f32 v33;
	v24 =	vmul.f32 v59, v56  }
0x3f8: {  	v5 =	vadd.s32 v5, v60;
	v57 =	vand.u32 $0x7F, v23;
	v55 =	vcvt.s32.f32 v43  }
0x3f9: {  	v30 =	vor.u32 v61, v5;
	v5 =	vadd.s32 $0x14, v34;
	v36 =	vmul.f32 v24, v24  }
0x3fa: {  	v34 =	vadd.s32 v7, v62;
	v33 =	vmul.f32 $6.931471820e-01, v33;
	v52 =	vand.u32 $0xFFFFFF80, v5  }
0x3fb: {  	v34 =	vor.u32 v63, v34;
	v46 =	vadd.f32 $-1.000000000e+00, v55;
	v53 =	vmul.f32 $1.428571490e-01, v36  }
0x3fc: {  	v54 =	vand.u32 $0x7F, v5;
	vm14 =	vlt.f32 v40, v55;
	v45 =	vadd.f32 $-1.000000000e+00, v45  }
0x3fd: {  	v44 =	vsel vm14, v46, v55;
	v46 =	vsel vm14, $0xFFFFFFFF, v0;
	v55 =	vadd.f32 $2.000000030e-01, v53;
	v58 =	vpop (erf)  }
0x3fe: {  	v7 =	vadd.s32 v7, v52;
	v43 =	vadd.s32 v43, v46;
	v45 =	vmul.f32 v58, v45  }
0x3ff: {  	v40 =	vsub.f32 v40, v44;
	v46 =	vadd.s32 $0x15, v43;
	v39 =	vmul.f32 v55, v36  }
0x400: {  	vm4 =	vlt.s32 v46, $0x28;
	vm9 =	vlt.s32 v46, $0x29;
	v61 =	vmul.f32 v45, v45  }
0x401: {  	v47 =	vor.u32 v54, v7;
	v7 =	vadd.s32 $0x14, v31;
	v39 =	vadd.f32 $3.333333430e-01, v39  }
0x402: {  	v50 =	vnsel vm4, $0x28, v46;
	v54 =	vsel vm15, $0x1, v0;
	v62 =	vmul.f32 $1.428571490e-01, v61  }
0x403: {  	v56 =	vand.u32 $0xFFFFFF80, v23;
	v59 =	vand.u32 $0xFFFFFF80, v7;
	v36 =	vmul.f32 v39, v36  }
0x404: {  	v60 =	vand.u32 $0x7F, v7;
	v51 =	vand.u32 $0xFFFFFF80, v50;
	v39 =	vadd.f32 $2.000000030e-01, v62  }
0x405: {  	v63 =	vand.u32 $0x7F, v50;
	v24 =	vadd.f32 v24, v24;
	v36 =	vadd.f32 $1.000000000e+00, v36  }
0x406: {  	v31 =	vadd.s32 v11, v56;
	v11 =	vadd.s32 v11, v59;
	v39 =	vmul.f32 v39, v61  }
0x407: {  	v56 =	vnsel vm0, $0x0, v10;
	v10 =	vsub.f32 $1.000000000e+00, v10;
	v24 =	vmul.f32 v36, v24  }
0x408: {  	v31 =	vor.u32 v57, v31;
	v53 =	vshrl.u32 v41, $0x17;
	v52 =	vadd.f32 $3.333333430e-01, v39  }
0x409: {  	v11 =	vor.u32 v60, v11;
	v55 =	vadd.s32 v54, v53;
	v24 =	vadd.f32 v24, v33  }
0x40a: {  	v57 =	vnsel vm5, $0x0, v20;
	v59 =	vadd.s32 $0xFFFFFF81, v55;
	v17 =	vmul.f32 v52, v61  }
0x40b: {  	v20 =	vsub.f32 $1.000000000e+00, v20;
	[tilespmem:v13+s8+$0x0] =	vst.idx.msk $0xffff, v56;
	v13 =	vcvt.s32.f32 v59;
	v24 =	vor.u32 v24, v27  }
0x40c: {  	[tilespmem:v19+s8+$0x0] =	vst.idx.msk $0xffff, v10;
	v60 =	vadd.f32 v45, v45;
	v24 =	vmax.f32 v24, $-2.000000000e+01;
	v17 =	vadd.f32 $1.000000000e+00, v17  }
0x40d: {  	v51 =	vadd.s32 v9, v51;
	[tilespmem:v35+s8+$0x0] =	vst.idx.msk $0xffff, v57;
	v13 =	vmul.f32 $6.931471820e-01, v13;
	v62 =	vmin.f32 v24, $2.000000000e+01  }
0x40e: {  	v35 =	vnsel vm8, $0x0, v32;
	[tilespmem:v37+s8+$0x0] =	vst.idx.msk $0xffff, v20;
	v24 =	vtrunc.f32 v62;
	v17 =	vmul.f32 v17, v60  }
0x40f: {  	v37 =	vsub.f32 $1.000000000e+00, v32;
	[tilespmem:s15+$0x18200] =	vst v8;
	v58 =	vnsel vm6, $0x0, v22;
	v24 =	vcvt.f32.s32 v24  }
0x410: {  	[tilespmem:v29+s8+$0x0] =	vst.idx.msk $0xffff, v58;
	v29 =	vnsel vm7, $0x0, v28;
	v36 =	vor.u32 v63, v51;
	v13 =	vadd.f32 v17, v13  }
0x411: {  	[tilespmem:s15+$0x18300] =	vst v6;
	v61 =	vsub.f32 $1.000000000e+00, v22;
	v22 =	vadd.s32 $0x14, v43;
	v33 =	vcvt.s32.f32 v24  }
0x412: {  	[tilespmem:s15+$0x18210] =	vst v16;
	v43 =	vnsel vm9, $0x0, v40;
	v63 =	vand.u32 $0xFFFFFF80, v22;
	v38 =	vor.u32 v13, v26  }
0x413: {  	[tilespmem:v31+s8+$0x0] =	vst.idx.msk $0xffff, v35;
	v39 =	vand.u32 $0x7F, v22;
	vm10 =	vlt.f32 v62, v33;
	v10 =	vmax.f32 v38, $-2.000000000e+01  }
0x414: {  	[tilespmem:v11+s8+$0x0] =	vst.idx.msk $0xffff, v37;
	v9 =	vadd.s32 v9, v63;
	v41 =	vsel vm10, $0xFFFFFFFF, v0;
	v10 =	vmin.f32 v10, $2.000000000e+01  }
0x415: {  	[tilespmem:v34+s8+$0x0] =	vst.idx.msk $0xffff, v29;
	v9 =	vor.u32 v39, v9;
	v42 =	vadd.s32 v24, v41;
	v45 =	vtrunc.f32 v10  }
0x416: {  	[tilespmem:v30+s8+$0x0] =	vst.idx.msk $0xffff, v61;
	v30 =	vsub.f32 $1.000000000e+00, v28;
	v44 =	vadd.s32 $0x15, v42;
	v20 =	vcvt.f32.s32 v45  }
0x417: {  	v46 =	vsub.f32 $1.000000000e+00, v40;
	[tilespmem:v36+s8+$0x0] =	vst.idx.msk $0xffff, v43;
	v48 =	vadd.f32 $-1.000000000e+00, v33;
	vm11 =	vlt.s32 v44, $0x28  }
0x418: {  	[tilespmem:v47+s8+$0x0] =	vst.idx.msk $0xffff, v30;
	v11 =	vadd.s32 $0x14, v42;
	v47 =	vnsel vm11, $0x28, v44;
	v51 =	vcvt.s32.f32 v20  }
0x419: {  	[tilespmem:s15+$0x18220] =	vst v4;
	v53 =	vand.u32 $0xFFFFFF80, v11;
	v4 =	vand.u32 $0x7F, v11;
	v49 =	vand.u32 $0xFFFFFF80, v47  }
0x41a: {  	[tilespmem:v9+s8+$0x0] =	vst.idx.msk $0xffff, v46;
	v52 =	vand.u32 $0x7F, v47;
	v9 =	vadd.s32 v14, v49;
	vm12 =	vlt.f32 v10, v51  }
0x41b: {  	[tilespmem:s15+$0x18310] =	vst v12;
	v12 =	vadd.s32 v14, v53;
	v9 =	vor.u32 v52, v9;
	v54 =	vsel vm12, $0xFFFFFFFF, v0  }
0x41c: {  	[tilespmem:s15+$0x18240] =	vst v7;
	v8 =	vsel vm10, v48, v33;
	v4 =	vor.u32 v4, v12;
	v55 =	vadd.s32 v20, v54  }
0x41d: {  	[tilespmem:s15+$0x18230] =	vst v5;
	v5 =	vsub.f32 v62, v8;
	v56 =	vadd.s32 $0x15, v55  }
0x41e: {  	[tilespmem:s15+$0x18340] =	vst v23;
	vm13 =	vlt.s32 v44, $0x29;
	vm14 =	vlt.s32 v56, $0x28  }
0x41f: {  	[tilespmem:s15+$0x18320] =	vst v18;
	v13 =	vnsel vm13, $0x0, v5;
	v5 =	vsub.f32 $1.000000000e+00, v5;
	v57 =	vnsel vm14, $0x28, v56  }
0x420: {  	v58 =	vadd.f32 $-1.000000000e+00, v51;
	v59 =	vadd.s32 $0x14, v55;
	[tilespmem:v9+s8+$0x0] =	vst.idx.msk $0xffff, v13;
	v60 =	vand.u32 $0xFFFFFF80, v57  }
0x421: {  	v61 =	vand.u32 $0xFFFFFF80, v59;
	[tilespmem:v4+s8+$0x0] =	vst.idx.msk $0xffff, v5;
	v4 =	vand.u32 $0x7F, v57;
	v5 =	vadd.s32 v15, v60  }
0x422: {  	[tilespmem:s15+$0x18330] =	vst v21;
	v62 =	vand.u32 $0x7F, v59;
	v4 =	vor.u32 v4, v5;
	v5 =	vadd.s32 v15, v61  }
0x423: {  	[tilespmem:s15+$0x18250] =	vst v22;
	v7 =	vsel vm12, v58, v51;
	v5 =	vor.u32 v62, v5  }
0x424: {  	[tilespmem:s15+$0x18350] =	vst v50;
	v7 =	vsub.f32 v10, v7  }
0x425: {  	p1 =	por p0, p0;
	vm15 =	vlt.s32 v56, $0x29;
	[tilespmem:s15+$0x18260] =	vst v11  }
.Ltmp5:
0x426: {  	v63 =	vnsel vm15, $0x0, v7;
	v7 =	vsub.f32 $1.000000000e+00, v7;
	[tilespmem:s15+$0x18360] =	vst v47;
	(pc) =	sbr.rel @p1 .LBB2_13-.Ltmp5, $4  }
0x427: {  	[tilespmem:v4+s8+$0x0] =	vst.idx.msk $0xffff, v63  }
0x428: {  	[tilespmem:v5+s8+$0x0] =	vst.idx.msk $0xffff, v7  }
0x429: {  	[tilespmem:s15+$0x18270] =	vst v59  }
0x42a: {  	p0 =	por $0x0, $0x0;
	[tilespmem:s15+$0x18370] =	vst v57;
	s15 =	simm.s32 $0x80  }
0x42b: {  	s13 =	sadd.s32 $0x1, s13  }
0x42c: {  	p0 =	sne.s32 s13, $0x40  }
.Ltmp6:
0x42d: {  	_ = 	snop;
	(pc) =	sbr.rel @p0 .LBB2_10-.Ltmp6, $4  }
0x42e: {  	_ = 	snop  }
0x42f: {  	s14 =	sshll.u32 s14, $0xC  }
0x430: {  	s14 =	sadd.s32 s14, s4  }
0x431: {  	[hbm4b:s14+s2] =	stream.linear.scatter [tilespmem:s8], [sflag:$0x3], $0x8000, $0x38;
	[tilespmem:$0x18400] =	vst v63  }
0x432: {  	s12 =	sadd.s32 $0x1, s12  }
0x433: {  	_ =	swait.ge [sflag:s10], $0x8000;
	p0 =	sne.s32 s12, s6  }
.Ltmp7:
0x434: {  	[sflag:s10] =	ssyncset.done $0x0;
	(pc) =	sbr.rel @p0 .LBB2_1-.Ltmp7, $4  }
0x435: {  	[sflag:s10] =	ssyncadd.s32 $0xFFFF8000  }
0x436: {  	_ =	swait.ge [sflag:s11], $0x8000  }
0x437: {  	[sflag:s11] =	ssyncset.done $0x0  }
0x438: {  	[sflag:s11] =	ssyncadd.s32 $0xFFFF8000  }
0x439: {  	_ =	sfence.sel $0x180000  }
0x43a: {  	[bflag:$0x0] =	sbarrier.arrive $0xFFFF  }
0x43b: {  	p0 =	sne.s32 s1, $0x0;
	_ =	strace $0x90000047  }
0x43c: {  	s0 =	sadd.s32 @!p0 $0x100000, s0;
	[bflag:$0x2] =	sbarrier.arrive $0xFFFF  }
0x43d: {  	[sflag:s0] =	ssyncadd.tile.s32 @!p0 $0x1;
	_ =	shalt  }
.Lfunc_end2:
_tile_overlayer_lowered:
.L_overlay_start_2:
0x43e: {  	(tag) =	ssettag $0x2  }
0x43f: {  	s0 =	rddreg [dreg:$0x0];
	s2 =	stileid.u32  }
0x440: {  	s1 =	rddreg [dreg:$0x1];
	p0 =	sne.s32 s2, $0x0  }
0x441: {  	s3 =	rddreg [dreg:$0x2];
	[bflag:$0x3] =	sbarrier.arrive $0xFFFF;
	s2 =	simm.s32 @!p0 $0x1C04  }
0x442: {  	[timem:s3], [sflag:s2] =	dma.local @!p0 [hbm:s0], s1  }
0x443: {  	s0 =	simm.s32 @!p0 $0x4  }
0x444: {  	_ =	swait.ge @!p0 [sflag:s0], s1  }
0x445: {  	s1 =	ssub.s32 @!p0 $0x0, s1;
	[sflag:s0] =	ssyncset.done @!p0 $0x0  }
0x446: {  	[sflag:s0] =	ssyncadd.s32 @!p0 s1  }
0x447: {  	[bflag:$0x3] =	sbarrier.arrive $0xFFFF  }
0x448: {  	_ =	shalt  }

</sc_bundles>
